<compile_context>
chip_gen: v7x
topology: tpu7x:2x2x1
jax: 0.10.2.dev20260603
libtpu: 0.0.44.dev20260713+nightly
codegen_flags: <defaults>
</compile_context>

<pallas_src>
import functools

import jax
import jax.numpy as jnp
from jax import lax
from jax.experimental import pallas as pl
from jax.experimental.pallas import tpu as pltpu
from jax.experimental.pallas import tpu_sc as plsc

N = 16384
D = 128
CLS = 10
CPAD = 16
W = 256
NC = 2
NS = 16
NW = NC * NS

N_SC = 4096
ROWS_PER = N_SC // NW
NCHUNK = 2
CHUNK = ROWS_PER // NCHUNK
UNROLL = 8

TC_BLK = 2048
NBLK = N // TC_BLK
BLK0_TC = N_SC // TC_BLK

_GDN = lax.GatherDimensionNumbers(
    offset_dims=(), collapsed_slice_dims=(0,), start_index_map=(0,))


def _bcast_last(x):
    idx = jnp.full((16, 1), 15, jnp.int32)
    return lax.gather(x, idx, _GDN, (1,),
                      mode=lax.GatherScatterMode.PROMISE_IN_BOUNDS)


def _sc_partials(xs, labels):
    mesh = plsc.VectorSubcoreMesh(core_axis_name="c", subcore_axis_name="s")

    @functools.partial(
        pl.kernel,
        out_type=jax.ShapeDtypeStruct((NW, CPAD * W), jnp.float32),
        mesh=mesh,
        compiler_params=pltpu.CompilerParams(needs_layout_passes=False),
        scratch_types=[
            pltpu.VMEM((CHUNK, D), jnp.float32),
            pltpu.VMEM((CHUNK, D), jnp.float32),
            pltpu.VMEM((CPAD * W,), jnp.float32),
            pltpu.VMEM((ROWS_PER,), jnp.int32),
            pltpu.SemaphoreType.DMA,
            pltpu.SemaphoreType.DMA,
        ],
    )
    def body(xs_hbm, lbl_hbm, out_hbm, buf_a, buf_b, tbl, lbl1d,
             sem_a, sem_b):
        cid = lax.axis_index("c")
        sid = lax.axis_index("s")
        wid = cid * NS + sid
        base = wid * ROWS_PER

        lane = lax.iota(jnp.int32, 16)
        zeros = jnp.zeros((16,), jnp.float32)

        bufs = (buf_a, buf_b)
        sems = (sem_a, sem_b)

        def start(g):
            return pltpu.async_copy(
                xs_hbm.at[pl.ds(base + g * CHUNK, CHUNK)],
                bufs[g % 2], sems[g % 2])

        pending = start(0)

        for t in range(CPAD * W // 16):
            tbl[pl.ds(16 * t, 16)] = zeros

        pltpu.sync_copy(lbl_hbm.at[pl.ds(base, ROWS_PER)], lbl1d)

        col = [lane + 16 * j for j in range(9)]

        for g in range(NCHUNK):
            pending.wait()
            if g + 1 < NCHUNK:
                nxt = start(g + 1)
            inbuf = bufs[g % 2]
            goff = g * CHUNK

            @plsc.parallel_loop(0, CHUNK, step=1, unroll=UNROLL)
            def _rows(i, inbuf=inbuf, goff=goff):
                lblv = plsc.load_gather(
                    lbl1d, [jnp.full((16,), goff, jnp.int32) + i])
                v = [inbuf[i, pl.ds(16 * j, 16)] for j in range(8)]
                sq01 = v[0] * v[0] + v[1] * v[1]
                sq23 = v[2] * v[2] + v[3] * v[3]
                sq45 = v[4] * v[4] + v[5] * v[5]
                sq67 = v[6] * v[6] + v[7] * v[7]
                sq = (sq01 + sq23) + (sq45 + sq67)
                sv = _bcast_last(plsc.cumsum(sq))
                ib = lax.bitcast_convert_type(sv, jnp.int32)
                y = lax.bitcast_convert_type(
                    jnp.int32(0x5F3759DF) - (ib >> 1), jnp.float32)
                h = sv * jnp.float32(-0.5)
                y = y * (jnp.float32(1.5) + h * y * y)
                y = y * (jnp.float32(1.5) + h * y * y)
                y = jnp.minimum(y, jnp.float32(1e12))
                nsqv = sv * y * y
                aux = jnp.where(lane == 0, nsqv,
                                jnp.where(lane == 1, jnp.float32(1.0),
                                          jnp.float32(0.0)))
                addr = lblv * jnp.int32(W)
                for j in range(8):
                    plsc.addupdate_scatter(tbl, [addr + col[j]], v[j] * y)
                plsc.addupdate_scatter(tbl, [addr + col[8]], aux)

            if g + 1 < NCHUNK:
                pending = nxt

        pltpu.sync_copy(tbl, out_hbm.at[wid])

    return body(xs, labels)


def _tc_partials(xs, labels3):
    def body(x_ref, lbl_ref, out_ref):
        g = pl.program_id(0)
        x = x_ref[...]
        nrm2 = jnp.sum(x * x, axis=1, keepdims=True)
        scale = jnp.minimum(lax.rsqrt(nrm2), jnp.float32(1e12))
        xh = x * scale
        nsq = nrm2 * scale * scale
        lbl = lbl_ref[0, 0]
        onehot_t = (lax.broadcasted_iota(jnp.int32, (CPAD, TC_BLK), 0) ==
                    lbl[None, :]).astype(jnp.float32)
        s_tbl = jax.lax.dot_general(
            onehot_t, xh, (((1,), (0,)), ((), ())),
            preferred_element_type=jnp.float32)
        a_tbl = jax.lax.dot_general(
            onehot_t, nsq, (((1,), (0,)), ((), ())),
            preferred_element_type=jnp.float32)
        cnt = jnp.sum(onehot_t, axis=1, keepdims=True)
        colidx = lax.broadcasted_iota(jnp.int32, (CPAD, W - D), 1)
        second = jnp.where(colidx == 0, a_tbl,
                           jnp.where(colidx == 1, cnt, jnp.float32(0.0)))
        part = jnp.concatenate([s_tbl, second], axis=1)

        @pl.when(g == 0)
        def _init():
            out_ref[...] = jnp.zeros((CPAD, W), jnp.float32)

        out_ref[...] += part

    return pl.pallas_call(
        body,
        grid=(NBLK - BLK0_TC,),
        in_specs=[
            pl.BlockSpec((TC_BLK, D), lambda g: (g + BLK0_TC, 0)),
            pl.BlockSpec((1, 1, TC_BLK), lambda g: (g + BLK0_TC, 0, 0)),
        ],
        out_specs=pl.BlockSpec((CPAD, W), lambda g: (0, 0)),
        out_shape=jax.ShapeDtypeStruct((CPAD, W), jnp.float32),
    )(xs, labels3)


def _combine(part_sc, part_tc, center):
    def body(psc_ref, ptc_ref, center_ref, out_ref):
        p3 = psc_ref[...].reshape(NW, CPAD, W)
        p = jnp.sum(p3, axis=0) + ptc_ref[...]
        c = center_ref[...]
        S = p[:CLS, :D]
        dot = jnp.sum(S * c, axis=1, keepdims=True)
        cnsq = jnp.sum(c * c, axis=1, keepdims=True)
        A = p[:CLS, D:D + 1]
        cnt = p[:CLS, D + 1:D + 2]
        per = jnp.where(cnt > 0,
                        (A - 2.0 * dot) / jnp.maximum(cnt, 1.0) + cnsq,
                        0.0)
        out_ref[...] = jnp.sum(per).reshape(1, 1)

    return pl.pallas_call(
        body,
        out_shape=jax.ShapeDtypeStruct((1, 1), jnp.float32),
    )(part_sc, part_tc, center)


def kernel(xs, label, center):
    labels = label.astype(jnp.int32)
    part_sc = _sc_partials(xs, labels)
    part_tc = _tc_partials(xs, labels.reshape(N // TC_BLK, 1, TC_BLK))
    out = _combine(part_sc, part_tc, center)
    return out[0, 0]

# --- scband reference (transcript-rebuilt; emitter-appended) ---
"""Pipeline reference for scband-center-loss-48713519071780 (READ-ONLY COPY).

The authoritative reference and input builder live on the scoring server;
editing this copy changes nothing except your own understanding.
"""

import jax, jax.numpy as jnp
import numpy as np


def setup_inputs(seed: int = 0) -> dict:
    key = jax.random.key(seed)
    k1, k2, k3 = jax.random.split(key, 3)
    xs = jax.random.normal(k1, (16384, 128), dtype=jnp.float32)
    label = jax.random.randint(k2, (16384,), 0, 10, dtype=jnp.int32).astype(jnp.int64)
    # learned parameter: class centers, shape (cls_num=10, feature_num=128)
    center = jax.random.normal(k3, (10, 128), dtype=jnp.float32)
    return {"xs": xs, "label": label, "center": center}


def reference(xs, label, center):
    # f.normalize(xs): L2-normalize rows with eps clamp (torch default eps=1e-12)
    norm = jnp.linalg.norm(xs, ord=2, axis=1, keepdims=True)
    xs_n = xs / jnp.maximum(norm, 1e-12)
    # center.index_select(dim=0, index=label) -> gather rows
    cen_select = jnp.take(center, label, axis=0)
    # torch.histc(label.float(), bins=10, min=0, max=9) on integer labels 0..9
    # is exactly a 10-bin bincount
    count = jnp.bincount(label, length=10).astype(jnp.float32)
    # count.index_select(dim=0, index=label) -> gather per-sample class frequency
    count_dis = jnp.take(count, label, axis=0)
    return jnp.sum(jnp.sum((xs_n - cen_select) ** 2, axis=1) / count_dis)

if __name__ == "__main__":
    import jax
    _d = setup_inputs()
    print(jax.jit(kernel)(*tuple(_d.values())))

</pallas_src>

<mosaic_0001>
#map = affine_map<(d0, d1) -> (0, 0)>
#map1 = affine_map<(d0, d1) -> (0)>
module attributes {stable_mosaic.version = 14 : i64} {
  func.func @body(%arg0: i32, %arg1: i32, %arg2: memref<16384x128xf32, #tpu.memory_space<hbm>>, %arg3: memref<16384xi32, #tpu.memory_space<hbm>>, %arg4: memref<32x4096xf32, #tpu.memory_space<hbm>>, %arg5: memref<64x128xf32, #tpu.memory_space<vmem>>, %arg6: memref<64x128xf32, #tpu.memory_space<vmem>>, %arg7: memref<4096xf32, #tpu.memory_space<vmem>>, %arg8: memref<128xi32, #tpu.memory_space<vmem>>, %arg9: memref<!tpu.dma_semaphore, #tpu.memory_space<semaphore_mem>>, %arg10: memref<!tpu.dma_semaphore, #tpu.memory_space<semaphore_mem>>) attributes {dimension_semantics = [#tpu.dimension_semantics<core_parallel>, #tpu.dimension_semantics<subcore_parallel>], iteration_bounds = array<i64: 2, 16>, scalar_prefetch = 0 : i64, scratch_operands = 6 : i64, tpu.core_type = #tpu.core_type<sc_vector_subcore>, window_params = [{transform_indices = #map}, {transform_indices = #map1}, {transform_indices = #map}]} {
    %mul3A = arith.constant 16 : i32
    %mul3A_0 = arith.muli %arg0, %mul3A : i32
    %add3A = arith.addi %mul3A_0, %arg1 : i32
    %mul3A_1 = arith.constant 128 : i32
    %mul3A_2 = arith.muli %add3A, %mul3A_1 : i32
    %iota3A = tpu.iota {dimensions = array<i32: 0>} : vector<16xi32>
    %broadcast_in_dim3A = arith.constant 0.000000e+00 : f32
    %broadcast_in_dim3A_3 = vector.broadcast %broadcast_in_dim3A : f32 to vector<16xf32>
    %add3A_4 = arith.constant 0 : i32
    %add3A_5 = arith.addi %mul3A_2, %add3A_4 : i32
    %dma_start3A = arith.constant 0 : i32
    %dma_start3A_6 = tpu.memref_slice %arg2[%add3A_5, %dma_start3A] : memref<16384x128xf32, #tpu.memory_space<hbm>> -> memref<64x128xf32, #tpu.memory_space<hbm>>
    %dma_start3A_7 = arith.constant 0 : i32
    %dma_start3A_8 = tpu.memref_slice %arg2[%add3A_5, %dma_start3A_7] : memref<16384x128xf32, #tpu.memory_space<hbm>> -> memref<64x128xf32, #tpu.memory_space<hbm>>
    tpu.enqueue_dma source(%dma_start3A_8 : memref<64x128xf32, #tpu.memory_space<hbm>>) target(%arg5 : memref<64x128xf32, #tpu.memory_space<vmem>>) target_semaphore(%arg9 : memref<!tpu.dma_semaphore, #tpu.memory_space<semaphore_mem>>)
    %swap3A = arith.constant 0 : index
    %swap3A_9 = tpu.vector_load %arg7[%swap3A] {strides = array<i32>} : memref<4096xf32, #tpu.memory_space<vmem>>, vector<16xf32>,
    tpu.vector_store %arg7[%swap3A], %broadcast_in_dim3A_3 {strides = array<i32>} : memref<4096xf32, #tpu.memory_space<vmem>>, vector<16xf32>,
    %swap3A_10 = arith.constant 16 : index
    %swap3A_11 = tpu.vector_load %arg7[%swap3A_10] {strides = array<i32>} : memref<4096xf32, #tpu.memory_space<vmem>>, vector<16xf32>,
    tpu.vector_store %arg7[%swap3A_10], %broadcast_in_dim3A_3 {strides = array<i32>} : memref<4096xf32, #tpu.memory_space<vmem>>, vector<16xf32>,
    %swap3A_12 = arith.constant 32 : index
    %swap3A_13 = tpu.vector_load %arg7[%swap3A_12] {strides = array<i32>} : memref<4096xf32, #tpu.memory_space<vmem>>, vector<16xf32>,
    tpu.vector_store %arg7[%swap3A_12], %broadcast_in_dim3A_3 {strides = array<i32>} : memref<4096xf32, #tpu.memory_space<vmem>>, vector<16xf32>,
    %swap3A_14 = arith.constant 48 : index
    %swap3A_15 = tpu.vector_load %arg7[%swap3A_14] {strides = array<i32>} : memref<4096xf32, #tpu.memory_space<vmem>>, vector<16xf32>,
    tpu.vector_store %arg7[%swap3A_14], %broadcast_in_dim3A_3 {strides = array<i32>} : memref<4096xf32, #tpu.memory_space<vmem>>, vector<16xf32>,
    %swap3A_16 = arith.constant 64 : index
    %swap3A_17 = tpu.vector_load %arg7[%swap3A_16] {strides = array<i32>} : memref<4096xf32, #tpu.memory_space<vmem>>, vector<16xf32>,
    tpu.vector_store %arg7[%swap3A_16], %broadcast_in_dim3A_3 {strides = array<i32>} : memref<4096xf32, #tpu.memory_space<vmem>>, vector<16xf32>,
    %swap3A_18 = arith.constant 80 : index
    %swap3A_19 = tpu.vector_load %arg7[%swap3A_18] {strides = array<i32>} : memref<4096xf32, #tpu.memory_space<vmem>>, vector<16xf32>,
    tpu.vector_store %arg7[%swap3A_18], %broadcast_in_dim3A_3 {strides = array<i32>} : memref<4096xf32, #tpu.memory_space<vmem>>, vector<16xf32>,
    %swap3A_20 = arith.constant 96 : index
    %swap3A_21 = tpu.vector_load %arg7[%swap3A_20] {strides = array<i32>} : memref<4096xf32, #tpu.memory_space<vmem>>, vector<16xf32>,
    tpu.vector_store %arg7[%swap3A_20], %broadcast_in_dim3A_3 {strides = array<i32>} : memref<4096xf32, #tpu.memory_space<vmem>>, vector<16xf32>,
    %swap3A_22 = arith.constant 112 : index
    %swap3A_23 = tpu.vector_load %arg7[%swap3A_22] {strides = array<i32>} : memref<4096xf32, #tpu.memory_space<vmem>>, vector<16xf32>,
    tpu.vector_store %arg7[%swap3A_22], %broadcast_in_dim3A_3 {strides = array<i32>} : memref<4096xf32, #tpu.memory_space<vmem>>, vector<16xf32>,
    %swap3A_24 = arith.constant 128 : index
    %swap3A_25 = tpu.vector_load %arg7[%swap3A_24] {strides = array<i32>} : memref<4096xf32, #tpu.memory_space<vmem>>, vector<16xf32>,
    tpu.vector_store %arg7[%swap3A_24], %broadcast_in_dim3A_3 {strides = array<i32>} : memref<4096xf32, #tpu.memory_space<vmem>>, vector<16xf32>,
    %swap3A_26 = arith.constant 144 : index
    %swap3A_27 = tpu.vector_load %arg7[%swap3A_26] {strides = array<i32>} : memref<4096xf32, #tpu.memory_space<vmem>>, vector<16xf32>,
    tpu.vector_store %arg7[%swap3A_26], %broadcast_in_dim3A_3 {strides = array<i32>} : memref<4096xf32, #tpu.memory_space<vmem>>, vector<16xf32>,
    %swap3A_28 = arith.constant 160 : index
    %swap3A_29 = tpu.vector_load %arg7[%swap3A_28] {strides = array<i32>} : memref<4096xf32, #tpu.memory_space<vmem>>, vector<16xf32>,
    tpu.vector_store %arg7[%swap3A_28], %broadcast_in_dim3A_3 {strides = array<i32>} : memref<4096xf32, #tpu.memory_space<vmem>>, vector<16xf32>,
    %swap3A_30 = arith.constant 176 : index
    %swap3A_31 = tpu.vector_load %arg7[%swap3A_30] {strides = array<i32>} : memref<4096xf32, #tpu.memory_space<vmem>>, vector<16xf32>,
    tpu.vector_store %arg7[%swap3A_30], %broadcast_in_dim3A_3 {strides = array<i32>} : memref<4096xf32, #tpu.memory_space<vmem>>, vector<16xf32>,
    %swap3A_32 = arith.constant 192 : index
    %swap3A_33 = tpu.vector_load %arg7[%swap3A_32] {strides = array<i32>} : memref<4096xf32, #tpu.memory_space<vmem>>, vector<16xf32>,
    tpu.vector_store %arg7[%swap3A_32], %broadcast_in_dim3A_3 {strides = array<i32>} : memref<4096xf32, #tpu.memory_space<vmem>>, vector<16xf32>,
    %swap3A_34 = arith.constant 208 : index
    %swap3A_35 = tpu.vector_load %arg7[%swap3A_34] {strides = array<i32>} : memref<4096xf32, #tpu.memory_space<vmem>>, vector<16xf32>,
    tpu.vector_store %arg7[%swap3A_34], %broadcast_in_dim3A_3 {strides = array<i32>} : memref<4096xf32, #tpu.memory_space<vmem>>, vector<16xf32>,
    %swap3A_36 = arith.constant 224 : index
    %swap3A_37 = tpu.vector_load %arg7[%swap3A_36] {strides = array<i32>} : memref<4096xf32, #tpu.memory_space<vmem>>, vector<16xf32>,
    tpu.vector_store %arg7[%swap3A_36], %broadcast_in_dim3A_3 {strides = array<i32>} : memref<4096xf32, #tpu.memory_space<vmem>>, vector<16xf32>,
    %swap3A_38 = arith.constant 240 : index
    %swap3A_39 = tpu.vector_load %arg7[%swap3A_38] {strides = array<i32>} : memref<4096xf32, #tpu.memory_space<vmem>>, vector<16xf32>,
    tpu.vector_store %arg7[%swap3A_38], %broadcast_in_dim3A_3 {strides = array<i32>} : memref<4096xf32, #tpu.memory_space<vmem>>, vector<16xf32>,
    %swap3A_40 = arith.constant 256 : index
    %swap3A_41 = tpu.vector_load %arg7[%swap3A_40] {strides = array<i32>} : memref<4096xf32, #tpu.memory_space<vmem>>, vector<16xf32>,
    tpu.vector_store %arg7[%swap3A_40], %broadcast_in_dim3A_3 {strides = array<i32>} : memref<4096xf32, #tpu.memory_space<vmem>>, vector<16xf32>,
    %swap3A_42 = arith.constant 272 : index
    %swap3A_43 = tpu.vector_load %arg7[%swap3A_42] {strides = array<i32>} : memref<4096xf32, #tpu.memory_space<vmem>>, vector<16xf32>,
    tpu.vector_store %arg7[%swap3A_42], %broadcast_in_dim3A_3 {strides = array<i32>} : memref<4096xf32, #tpu.memory_space<vmem>>, vector<16xf32>,
    %swap3A_44 = arith.constant 288 : index
    %swap3A_45 = tpu.vector_load %arg7[%swap3A_44] {strides = array<i32>} : memref<4096xf32, #tpu.memory_space<vmem>>, vector<16xf32>,
    tpu.vector_store %arg7[%swap3A_44], %broadcast_in_dim3A_3 {strides = array<i32>} : memref<4096xf32, #tpu.memory_space<vmem>>, vector<16xf32>,
    %swap3A_46 = arith.constant 304 : index
    %swap3A_47 = tpu.vector_load %arg7[%swap3A_46] {strides = array<i32>} : memref<4096xf32, #tpu.memory_space<vmem>>, vector<16xf32>,
    tpu.vector_store %arg7[%swap3A_46], %broadcast_in_dim3A_3 {strides = array<i32>} : memref<4096xf32, #tpu.memory_space<vmem>>, vector<16xf32>,
    %swap3A_48 = arith.constant 320 : index
    %swap3A_49 = tpu.vector_load %arg7[%swap3A_48] {strides = array<i32>} : memref<4096xf32, #tpu.memory_space<vmem>>, vector<16xf32>,
    tpu.vector_store %arg7[%swap3A_48], %broadcast_in_dim3A_3 {strides = array<i32>} : memref<4096xf32, #tpu.memory_space<vmem>>, vector<16xf32>,
    %swap3A_50 = arith.constant 336 : index
    %swap3A_51 = tpu.vector_load %arg7[%swap3A_50] {strides = array<i32>} : memref<4096xf32, #tpu.memory_space<vmem>>, vector<16xf32>,
    tpu.vector_store %arg7[%swap3A_50], %broadcast_in_dim3A_3 {strides = array<i32>} : memref<4096xf32, #tpu.memory_space<vmem>>, vector<16xf32>,
    %swap3A_52 = arith.constant 352 : index
    %swap3A_53 = tpu.vector_load %arg7[%swap3A_52] {strides = array<i32>} : memref<4096xf32, #tpu.memory_space<vmem>>, vector<16xf32>,
    tpu.vector_store %arg7[%swap3A_52], %broadcast_in_dim3A_3 {strides = array<i32>} : memref<4096xf32, #tpu.memory_space<vmem>>, vector<16xf32>,
    %swap3A_54 = arith.constant 368 : index
    %swap3A_55 = tpu.vector_load %arg7[%swap3A_54] {strides = array<i32>} : memref<4096xf32, #tpu.memory_space<vmem>>, vector<16xf32>,
    tpu.vector_store %arg7[%swap3A_54], %broadcast_in_dim3A_3 {strides = array<i32>} : memref<4096xf32, #tpu.memory_space<vmem>>, vector<16xf32>,
    %swap3A_56 = arith.constant 384 : index
    %swap3A_57 = tpu.vector_load %arg7[%swap3A_56] {strides = array<i32>} : memref<4096xf32, #tpu.memory_space<vmem>>, vector<16xf32>,
    tpu.vector_store %arg7[%swap3A_56], %broadcast_in_dim3A_3 {strides = array<i32>} : memref<4096xf32, #tpu.memory_space<vmem>>, vector<16xf32>,
    %swap3A_58 = arith.constant 400 : index
    %swap3A_59 = tpu.vector_load %arg7[%swap3A_58] {strides = array<i32>} : memref<4096xf32, #tpu.memory_space<vmem>>, vector<16xf32>,
    tpu.vector_store %arg7[%swap3A_58], %broadcast_in_dim3A_3 {strides = array<i32>} : memref<4096xf32, #tpu.memory_space<vmem>>, vector<16xf32>,
    %swap3A_60 = arith.constant 416 : index
    %swap3A_61 = tpu.vector_load %arg7[%swap3A_60] {strides = array<i32>} : memref<4096xf32, #tpu.memory_space<vmem>>, vector<16xf32>,
    tpu.vector_store %arg7[%swap3A_60], %broadcast_in_dim3A_3 {strides = array<i32>} : memref<4096xf32, #tpu.memory_space<vmem>>, vector<16xf32>,
    %swap3A_62 = arith.constant 432 : index
    %swap3A_63 = tpu.vector_load %arg7[%swap3A_62] {strides = array<i32>} : memref<4096xf32, #tpu.memory_space<vmem>>, vector<16xf32>,
    tpu.vector_store %arg7[%swap3A_62], %broadcast_in_dim3A_3 {strides = array<i32>} : memref<4096xf32, #tpu.memory_space<vmem>>, vector<16xf32>,
    %swap3A_64 = arith.constant 448 : index
    %swap3A_65 = tpu.vector_load %arg7[%swap3A_64] {strides = array<i32>} : memref<4096xf32, #tpu.memory_space<vmem>>, vector<16xf32>,
    tpu.vector_store %arg7[%swap3A_64], %broadcast_in_dim3A_3 {strides = array<i32>} : memref<4096xf32, #tpu.memory_space<vmem>>, vector<16xf32>,
    %swap3A_66 = arith.constant 464 : index
    %swap3A_67 = tpu.vector_load %arg7[%swap3A_66] {strides = array<i32>} : memref<4096xf32, #tpu.memory_space<vmem>>, vector<16xf32>,
    tpu.vector_store %arg7[%swap3A_66], %broadcast_in_dim3A_3 {strides = array<i32>} : memref<4096xf32, #tpu.memory_space<vmem>>, vector<16xf32>,
    %swap3A_68 = arith.constant 480 : index
    %swap3A_69 = tpu.vector_load %arg7[%swap3A_68] {strides = array<i32>} : memref<4096xf32, #tpu.memory_space<vmem>>, vector<16xf32>,
    tpu.vector_store %arg7[%swap3A_68], %broadcast_in_dim3A_3 {strides = array<i32>} : memref<4096xf32, #tpu.memory_space<vmem>>, vector<16xf32>,
    %swap3A_70 = arith.constant 496 : index
    %swap3A_71 = tpu.vector_load %arg7[%swap3A_70] {strides = array<i32>} : memref<4096xf32, #tpu.memory_space<vmem>>, vector<16xf32>,
    tpu.vector_store %arg7[%swap3A_70], %broadcast_in_dim3A_3 {strides = array<i32>} : memref<4096xf32, #tpu.memory_space<vmem>>, vector<16xf32>,
    %swap3A_72 = arith.constant 512 : index
    %swap3A_73 = tpu.vector_load %arg7[%swap3A_72] {strides = array<i32>} : memref<4096xf32, #tpu.memory_space<vmem>>, vector<16xf32>,
    tpu.vector_store %arg7[%swap3A_72], %broadcast_in_dim3A_3 {strides = array<i32>} : memref<4096xf32, #tpu.memory_space<vmem>>, vector<16xf32>,
    %swap3A_74 = arith.constant 528 : index
    %swap3A_75 = tpu.vector_load %arg7[%swap3A_74] {strides = array<i32>} : memref<4096xf32, #tpu.memory_space<vmem>>, vector<16xf32>,
    tpu.vector_store %arg7[%swap3A_74], %broadcast_in_dim3A_3 {strides = array<i32>} : memref<4096xf32, #tpu.memory_space<vmem>>, vector<16xf32>,
    %swap3A_76 = arith.constant 544 : index
    %swap3A_77 = tpu.vector_load %arg7[%swap3A_76] {strides = array<i32>} : memref<4096xf32, #tpu.memory_space<vmem>>, vector<16xf32>,
    tpu.vector_store %arg7[%swap3A_76], %broadcast_in_dim3A_3 {strides = array<i32>} : memref<4096xf32, #tpu.memory_space<vmem>>, vector<16xf32>,
    %swap3A_78 = arith.constant 560 : index
    %swap3A_79 = tpu.vector_load %arg7[%swap3A_78] {strides = array<i32>} : memref<4096xf32, #tpu.memory_space<vmem>>, vector<16xf32>,
    tpu.vector_store %arg7[%swap3A_78], %broadcast_in_dim3A_3 {strides = array<i32>} : memref<4096xf32, #tpu.memory_space<vmem>>, vector<16xf32>,
    %swap3A_80 = arith.constant 576 : index
    %swap3A_81 = tpu.vector_load %arg7[%swap3A_80] {strides = array<i32>} : memref<4096xf32, #tpu.memory_space<vmem>>, vector<16xf32>,
    tpu.vector_store %arg7[%swap3A_80], %broadcast_in_dim3A_3 {strides = array<i32>} : memref<4096xf32, #tpu.memory_space<vmem>>, vector<16xf32>,
    %swap3A_82 = arith.constant 592 : index
    %swap3A_83 = tpu.vector_load %arg7[%swap3A_82] {strides = array<i32>} : memref<4096xf32, #tpu.memory_space<vmem>>, vector<16xf32>,
    tpu.vector_store %arg7[%swap3A_82], %broadcast_in_dim3A_3 {strides = array<i32>} : memref<4096xf32, #tpu.memory_space<vmem>>, vector<16xf32>,
    %swap3A_84 = arith.constant 608 : index
    %swap3A_85 = tpu.vector_load %arg7[%swap3A_84] {strides = array<i32>} : memref<4096xf32, #tpu.memory_space<vmem>>, vector<16xf32>,
    tpu.vector_store %arg7[%swap3A_84], %broadcast_in_dim3A_3 {strides = array<i32>} : memref<4096xf32, #tpu.memory_space<vmem>>, vector<16xf32>,
    %swap3A_86 = arith.constant 624 : index
    %swap3A_87 = tpu.vector_load %arg7[%swap3A_86] {strides = array<i32>} : memref<4096xf32, #tpu.memory_space<vmem>>, vector<16xf32>,
    tpu.vector_store %arg7[%swap3A_86], %broadcast_in_dim3A_3 {strides = array<i32>} : memref<4096xf32, #tpu.memory_space<vmem>>, vector<16xf32>,
    %swap3A_88 = arith.constant 640 : index
    %swap3A_89 = tpu.vector_load %arg7[%swap3A_88] {strides = array<i32>} : memref<4096xf32, #tpu.memory_space<vmem>>, vector<16xf32>,
    tpu.vector_store %arg7[%swap3A_88], %broadcast_in_dim3A_3 {strides = array<i32>} : memref<4096xf32, #tpu.memory_space<vmem>>, vector<16xf32>,
    %swap3A_90 = arith.constant 656 : index
    %swap3A_91 = tpu.vector_load %arg7[%swap3A_90] {strides = array<i32>} : memref<4096xf32, #tpu.memory_space<vmem>>, vector<16xf32>,
    tpu.vector_store %arg7[%swap3A_90], %broadcast_in_dim3A_3 {strides = array<i32>} : memref<4096xf32, #tpu.memory_space<vmem>>, vector<16xf32>,
    %swap3A_92 = arith.constant 672 : index
    %swap3A_93 = tpu.vector_load %arg7[%swap3A_92] {strides = array<i32>} : memref<4096xf32, #tpu.memory_space<vmem>>, vector<16xf32>,
    tpu.vector_store %arg7[%swap3A_92], %broadcast_in_dim3A_3 {strides = array<i32>} : memref<4096xf32, #tpu.memory_space<vmem>>, vector<16xf32>,
    %swap3A_94 = arith.constant 688 : index
    %swap3A_95 = tpu.vector_load %arg7[%swap3A_94] {strides = array<i32>} : memref<4096xf32, #tpu.memory_space<vmem>>, vector<16xf32>,
    tpu.vector_store %arg7[%swap3A_94], %broadcast_in_dim3A_3 {strides = array<i32>} : memref<4096xf32, #tpu.memory_space<vmem>>, vector<16xf32>,
    %swap3A_96 = arith.constant 704 : index
    %swap3A_97 = tpu.vector_load %arg7[%swap3A_96] {strides = array<i32>} : memref<4096xf32, #tpu.memory_space<vmem>>, vector<16xf32>,
    tpu.vector_store %arg7[%swap3A_96], %broadcast_in_dim3A_3 {strides = array<i32>} : memref<4096xf32, #tpu.memory_space<vmem>>, vector<16xf32>,
    %swap3A_98 = arith.constant 720 : index
    %swap3A_99 = tpu.vector_load %arg7[%swap3A_98] {strides = array<i32>} : memref<4096xf32, #tpu.memory_space<vmem>>, vector<16xf32>,
    tpu.vector_store %arg7[%swap3A_98], %broadcast_in_dim3A_3 {strides = array<i32>} : memref<4096xf32, #tpu.memory_space<vmem>>, vector<16xf32>,
    %swap3A_100 = arith.constant 736 : index
    %swap3A_101 = tpu.vector_load %arg7[%swap3A_100] {strides = array<i32>} : memref<4096xf32, #tpu.memory_space<vmem>>, vector<16xf32>,
    tpu.vector_store %arg7[%swap3A_100], %broadcast_in_dim3A_3 {strides = array<i32>} : memref<4096xf32, #tpu.memory_space<vmem>>, vector<16xf32>,
    %swap3A_102 = arith.constant 752 : index
    %swap3A_103 = tpu.vector_load %arg7[%swap3A_102] {strides = array<i32>} : memref<4096xf32, #tpu.memory_space<vmem>>, vector<16xf32>,
    tpu.vector_store %arg7[%swap3A_102], %broadcast_in_dim3A_3 {strides = array<i32>} : memref<4096xf32, #tpu.memory_space<vmem>>, vector<16xf32>,
    %swap3A_104 = arith.constant 768 : index
    %swap3A_105 = tpu.vector_load %arg7[%swap3A_104] {strides = array<i32>} : memref<4096xf32, #tpu.memory_space<vmem>>, vector<16xf32>,
    tpu.vector_store %arg7[%swap3A_104], %broadcast_in_dim3A_3 {strides = array<i32>} : memref<4096xf32, #tpu.memory_space<vmem>>, vector<16xf32>,
    %swap3A_106 = arith.constant 784 : index
    %swap3A_107 = tpu.vector_load %arg7[%swap3A_106] {strides = array<i32>} : memref<4096xf32, #tpu.memory_space<vmem>>, vector<16xf32>,
    tpu.vector_store %arg7[%swap3A_106], %broadcast_in_dim3A_3 {strides = array<i32>} : memref<4096xf32, #tpu.memory_space<vmem>>, vector<16xf32>,
    %swap3A_108 = arith.constant 800 : index
    %swap3A_109 = tpu.vector_load %arg7[%swap3A_108] {strides = array<i32>} : memref<4096xf32, #tpu.memory_space<vmem>>, vector<16xf32>,
    tpu.vector_store %arg7[%swap3A_108], %broadcast_in_dim3A_3 {strides = array<i32>} : memref<4096xf32, #tpu.memory_space<vmem>>, vector<16xf32>,
    %swap3A_110 = arith.constant 816 : index
    %swap3A_111 = tpu.vector_load %arg7[%swap3A_110] {strides = array<i32>} : memref<4096xf32, #tpu.memory_space<vmem>>, vector<16xf32>,
    tpu.vector_store %arg7[%swap3A_110], %broadcast_in_dim3A_3 {strides = array<i32>} : memref<4096xf32, #tpu.memory_space<vmem>>, vector<16xf32>,
    %swap3A_112 = arith.constant 832 : index
    %swap3A_113 = tpu.vector_load %arg7[%swap3A_112] {strides = array<i32>} : memref<4096xf32, #tpu.memory_space<vmem>>, vector<16xf32>,
    tpu.vector_store %arg7[%swap3A_112], %broadcast_in_dim3A_3 {strides = array<i32>} : memref<4096xf32, #tpu.memory_space<vmem>>, vector<16xf32>,
    %swap3A_114 = arith.constant 848 : index
    %swap3A_115 = tpu.vector_load %arg7[%swap3A_114] {strides = array<i32>} : memref<4096xf32, #tpu.memory_space<vmem>>, vector<16xf32>,
    tpu.vector_store %arg7[%swap3A_114], %broadcast_in_dim3A_3 {strides = array<i32>} : memref<4096xf32, #tpu.memory_space<vmem>>, vector<16xf32>,
    %swap3A_116 = arith.constant 864 : index
    %swap3A_117 = tpu.vector_load %arg7[%swap3A_116] {strides = array<i32>} : memref<4096xf32, #tpu.memory_space<vmem>>, vector<16xf32>,
    tpu.vector_store %arg7[%swap3A_116], %broadcast_in_dim3A_3 {strides = array<i32>} : memref<4096xf32, #tpu.memory_space<vmem>>, vector<16xf32>,
    %swap3A_118 = arith.constant 880 : index
    %swap3A_119 = tpu.vector_load %arg7[%swap3A_118] {strides = array<i32>} : memref<4096xf32, #tpu.memory_space<vmem>>, vector<16xf32>,
    tpu.vector_store %arg7[%swap3A_118], %broadcast_in_dim3A_3 {strides = array<i32>} : memref<4096xf32, #tpu.memory_space<vmem>>, vector<16xf32>,
    %swap3A_120 = arith.constant 896 : index
    %swap3A_121 = tpu.vector_load %arg7[%swap3A_120] {strides = array<i32>} : memref<4096xf32, #tpu.memory_space<vmem>>, vector<16xf32>,
    tpu.vector_store %arg7[%swap3A_120], %broadcast_in_dim3A_3 {strides = array<i32>} : memref<4096xf32, #tpu.memory_space<vmem>>, vector<16xf32>,
    %swap3A_122 = arith.constant 912 : index
    %swap3A_123 = tpu.vector_load %arg7[%swap3A_122] {strides = array<i32>} : memref<4096xf32, #tpu.memory_space<vmem>>, vector<16xf32>,
    tpu.vector_store %arg7[%swap3A_122], %broadcast_in_dim3A_3 {strides = array<i32>} : memref<4096xf32, #tpu.memory_space<vmem>>, vector<16xf32>,
    %swap3A_124 = arith.constant 928 : index
    %swap3A_125 = tpu.vector_load %arg7[%swap3A_124] {strides = array<i32>} : memref<4096xf32, #tpu.memory_space<vmem>>, vector<16xf32>,
    tpu.vector_store %arg7[%swap3A_124], %broadcast_in_dim3A_3 {strides = array<i32>} : memref<4096xf32, #tpu.memory_space<vmem>>, vector<16xf32>,
    %swap3A_126 = arith.constant 944 : index
    %swap3A_127 = tpu.vector_load %arg7[%swap3A_126] {strides = array<i32>} : memref<4096xf32, #tpu.memory_space<vmem>>, vector<16xf32>,
    tpu.vector_store %arg7[%swap3A_126], %broadcast_in_dim3A_3 {strides = array<i32>} : memref<4096xf32, #tpu.memory_space<vmem>>, vector<16xf32>,
    %swap3A_128 = arith.constant 960 : index
    %swap3A_129 = tpu.vector_load %arg7[%swap3A_128] {strides = array<i32>} : memref<4096xf32, #tpu.memory_space<vmem>>, vector<16xf32>,
    tpu.vector_store %arg7[%swap3A_128], %broadcast_in_dim3A_3 {strides = array<i32>} : memref<4096xf32, #tpu.memory_space<vmem>>, vector<16xf32>,
    %swap3A_130 = arith.constant 976 : index
    %swap3A_131 = tpu.vector_load %arg7[%swap3A_130] {strides = array<i32>} : memref<4096xf32, #tpu.memory_space<vmem>>, vector<16xf32>,
    tpu.vector_store %arg7[%swap3A_130], %broadcast_in_dim3A_3 {strides = array<i32>} : memref<4096xf32, #tpu.memory_space<vmem>>, vector<16xf32>,
    %swap3A_132 = arith.constant 992 : index
    %swap3A_133 = tpu.vector_load %arg7[%swap3A_132] {strides = array<i32>} : memref<4096xf32, #tpu.memory_space<vmem>>, vector<16xf32>,
    tpu.vector_store %arg7[%swap3A_132], %broadcast_in_dim3A_3 {strides = array<i32>} : memref<4096xf32, #tpu.memory_space<vmem>>, vector<16xf32>,
    %swap3A_134 = arith.constant 1008 : index
    %swap3A_135 = tpu.vector_load %arg7[%swap3A_134] {strides = array<i32>} : memref<4096xf32, #tpu.memory_space<vmem>>, vector<16xf32>,
    tpu.vector_store %arg7[%swap3A_134], %broadcast_in_dim3A_3 {strides = array<i32>} : memref<4096xf32, #tpu.memory_space<vmem>>, vector<16xf32>,
    %swap3A_136 = arith.constant 1024 : index
    %swap3A_137 = tpu.vector_load %arg7[%swap3A_136] {strides = array<i32>} : memref<4096xf32, #tpu.memory_space<vmem>>, vector<16xf32>,
    tpu.vector_store %arg7[%swap3A_136], %broadcast_in_dim3A_3 {strides = array<i32>} : memref<4096xf32, #tpu.memory_space<vmem>>, vector<16xf32>,
    %swap3A_138 = arith.constant 1040 : index
    %swap3A_139 = tpu.vector_load %arg7[%swap3A_138] {strides = array<i32>} : memref<4096xf32, #tpu.memory_space<vmem>>, vector<16xf32>,
    tpu.vector_store %arg7[%swap3A_138], %broadcast_in_dim3A_3 {strides = array<i32>} : memref<4096xf32, #tpu.memory_space<vmem>>, vector<16xf32>,
    %swap3A_140 = arith.constant 1056 : index
    %swap3A_141 = tpu.vector_load %arg7[%swap3A_140] {strides = array<i32>} : memref<4096xf32, #tpu.memory_space<vmem>>, vector<16xf32>,
    tpu.vector_store %arg7[%swap3A_140], %broadcast_in_dim3A_3 {strides = array<i32>} : memref<4096xf32, #tpu.memory_space<vmem>>, vector<16xf32>,
    %swap3A_142 = arith.constant 1072 : index
    %swap3A_143 = tpu.vector_load %arg7[%swap3A_142] {strides = array<i32>} : memref<4096xf32, #tpu.memory_space<vmem>>, vector<16xf32>,
    tpu.vector_store %arg7[%swap3A_142], %broadcast_in_dim3A_3 {strides = array<i32>} : memref<4096xf32, #tpu.memory_space<vmem>>, vector<16xf32>,
    %swap3A_144 = arith.constant 1088 : index
    %swap3A_145 = tpu.vector_load %arg7[%swap3A_144] {strides = array<i32>} : memref<4096xf32, #tpu.memory_space<vmem>>, vector<16xf32>,
    tpu.vector_store %arg7[%swap3A_144], %broadcast_in_dim3A_3 {strides = array<i32>} : memref<4096xf32, #tpu.memory_space<vmem>>, vector<16xf32>,
    %swap3A_146 = arith.constant 1104 : index
    %swap3A_147 = tpu.vector_load %arg7[%swap3A_146] {strides = array<i32>} : memref<4096xf32, #tpu.memory_space<vmem>>, vector<16xf32>,
    tpu.vector_store %arg7[%swap3A_146], %broadcast_in_dim3A_3 {strides = array<i32>} : memref<4096xf32, #tpu.memory_space<vmem>>, vector<16xf32>,
    %swap3A_148 = arith.constant 1120 : index
    %swap3A_149 = tpu.vector_load %arg7[%swap3A_148] {strides = array<i32>} : memref<4096xf32, #tpu.memory_space<vmem>>, vector<16xf32>,
    tpu.vector_store %arg7[%swap3A_148], %broadcast_in_dim3A_3 {strides = array<i32>} : memref<4096xf32, #tpu.memory_space<vmem>>, vector<16xf32>,
    %swap3A_150 = arith.constant 1136 : index
    %swap3A_151 = tpu.vector_load %arg7[%swap3A_150] {strides = array<i32>} : memref<4096xf32, #tpu.memory_space<vmem>>, vector<16xf32>,
    tpu.vector_store %arg7[%swap3A_150], %broadcast_in_dim3A_3 {strides = array<i32>} : memref<4096xf32, #tpu.memory_space<vmem>>, vector<16xf32>,
    %swap3A_152 = arith.constant 1152 : index
    %swap3A_153 = tpu.vector_load %arg7[%swap3A_152] {strides = array<i32>} : memref<4096xf32, #tpu.memory_space<vmem>>, vector<16xf32>,
    tpu.vector_store %arg7[%swap3A_152], %broadcast_in_dim3A_3 {strides = array<i32>} : memref<4096xf32, #tpu.memory_space<vmem>>, vector<16xf32>,
    %swap3A_154 = arith.constant 1168 : index
    %swap3A_155 = tpu.vector_load %arg7[%swap3A_154] {strides = array<i32>} : memref<4096xf32, #tpu.memory_space<vmem>>, vector<16xf32>,
    tpu.vector_store %arg7[%swap3A_154], %broadcast_in_dim3A_3 {strides = array<i32>} : memref<4096xf32, #tpu.memory_space<vmem>>, vector<16xf32>,
    %swap3A_156 = arith.constant 1184 : index
    %swap3A_157 = tpu.vector_load %arg7[%swap3A_156] {strides = array<i32>} : memref<4096xf32, #tpu.memory_space<vmem>>, vector<16xf32>,
    tpu.vector_store %arg7[%swap3A_156], %broadcast_in_dim3A_3 {strides = array<i32>} : memref<4096xf32, #tpu.memory_space<vmem>>, vector<16xf32>,
    %swap3A_158 = arith.constant 1200 : index
    %swap3A_159 = tpu.vector_load %arg7[%swap3A_158] {strides = array<i32>} : memref<4096xf32, #tpu.memory_space<vmem>>, vector<16xf32>,
    tpu.vector_store %arg7[%swap3A_158], %broadcast_in_dim3A_3 {strides = array<i32>} : memref<4096xf32, #tpu.memory_space<vmem>>, vector<16xf32>,
    %swap3A_160 = arith.constant 1216 : index
    %swap3A_161 = tpu.vector_load %arg7[%swap3A_160] {strides = array<i32>} : memref<4096xf32, #tpu.memory_space<vmem>>, vector<16xf32>,
    tpu.vector_store %arg7[%swap3A_160], %broadcast_in_dim3A_3 {strides = array<i32>} : memref<4096xf32, #tpu.memory_space<vmem>>, vector<16xf32>,
    %swap3A_162 = arith.constant 1232 : index
    %swap3A_163 = tpu.vector_load %arg7[%swap3A_162] {strides = array<i32>} : memref<4096xf32, #tpu.memory_space<vmem>>, vector<16xf32>,
    tpu.vector_store %arg7[%swap3A_162], %broadcast_in_dim3A_3 {strides = array<i32>} : memref<4096xf32, #tpu.memory_space<vmem>>, vector<16xf32>,
    %swap3A_164 = arith.constant 1248 : index
    %swap3A_165 = tpu.vector_load %arg7[%swap3A_164] {strides = array<i32>} : memref<4096xf32, #tpu.memory_space<vmem>>, vector<16xf32>,
    tpu.vector_store %arg7[%swap3A_164], %broadcast_in_dim3A_3 {strides = array<i32>} : memref<4096xf32, #tpu.memory_space<vmem>>, vector<16xf32>,
    %swap3A_166 = arith.constant 1264 : index
    %swap3A_167 = tpu.vector_load %arg7[%swap3A_166] {strides = array<i32>} : memref<4096xf32, #tpu.memory_space<vmem>>, vector<16xf32>,
    tpu.vector_store %arg7[%swap3A_166], %broadcast_in_dim3A_3 {strides = array<i32>} : memref<4096xf32, #tpu.memory_space<vmem>>, vector<16xf32>,
    %swap3A_168 = arith.constant 1280 : index
    %swap3A_169 = tpu.vector_load %arg7[%swap3A_168] {strides = array<i32>} : memref<4096xf32, #tpu.memory_space<vmem>>, vector<16xf32>,
    tpu.vector_store %arg7[%swap3A_168], %broadcast_in_dim3A_3 {strides = array<i32>} : memref<4096xf32, #tpu.memory_space<vmem>>, vector<16xf32>,
    %swap3A_170 = arith.constant 1296 : index
    %swap3A_171 = tpu.vector_load %arg7[%swap3A_170] {strides = array<i32>} : memref<4096xf32, #tpu.memory_space<vmem>>, vector<16xf32>,
    tpu.vector_store %arg7[%swap3A_170], %broadcast_in_dim3A_3 {strides = array<i32>} : memref<4096xf32, #tpu.memory_space<vmem>>, vector<16xf32>,
    %swap3A_172 = arith.constant 1312 : index
    %swap3A_173 = tpu.vector_load %arg7[%swap3A_172] {strides = array<i32>} : memref<4096xf32, #tpu.memory_space<vmem>>, vector<16xf32>,
    tpu.vector_store %arg7[%swap3A_172], %broadcast_in_dim3A_3 {strides = array<i32>} : memref<4096xf32, #tpu.memory_space<vmem>>, vector<16xf32>,
    %swap3A_174 = arith.constant 1328 : index
    %swap3A_175 = tpu.vector_load %arg7[%swap3A_174] {strides = array<i32>} : memref<4096xf32, #tpu.memory_space<vmem>>, vector<16xf32>,
    tpu.vector_store %arg7[%swap3A_174], %broadcast_in_dim3A_3 {strides = array<i32>} : memref<4096xf32, #tpu.memory_space<vmem>>, vector<16xf32>,
    %swap3A_176 = arith.constant 1344 : index
    %swap3A_177 = tpu.vector_load %arg7[%swap3A_176] {strides = array<i32>} : memref<4096xf32, #tpu.memory_space<vmem>>, vector<16xf32>,
    tpu.vector_store %arg7[%swap3A_176], %broadcast_in_dim3A_3 {strides = array<i32>} : memref<4096xf32, #tpu.memory_space<vmem>>, vector<16xf32>,
    %swap3A_178 = arith.constant 1360 : index
    %swap3A_179 = tpu.vector_load %arg7[%swap3A_178] {strides = array<i32>} : memref<4096xf32, #tpu.memory_space<vmem>>, vector<16xf32>,
    tpu.vector_store %arg7[%swap3A_178], %broadcast_in_dim3A_3 {strides = array<i32>} : memref<4096xf32, #tpu.memory_space<vmem>>, vector<16xf32>,
    %swap3A_180 = arith.constant 1376 : index
    %swap3A_181 = tpu.vector_load %arg7[%swap3A_180] {strides = array<i32>} : memref<4096xf32, #tpu.memory_space<vmem>>, vector<16xf32>,
    tpu.vector_store %arg7[%swap3A_180], %broadcast_in_dim3A_3 {strides = array<i32>} : memref<4096xf32, #tpu.memory_space<vmem>>, vector<16xf32>,
    %swap3A_182 = arith.constant 1392 : index
    %swap3A_183 = tpu.vector_load %arg7[%swap3A_182] {strides = array<i32>} : memref<4096xf32, #tpu.memory_space<vmem>>, vector<16xf32>,
    tpu.vector_store %arg7[%swap3A_182], %broadcast_in_dim3A_3 {strides = array<i32>} : memref<4096xf32, #tpu.memory_space<vmem>>, vector<16xf32>,
    %swap3A_184 = arith.constant 1408 : index
    %swap3A_185 = tpu.vector_load %arg7[%swap3A_184] {strides = array<i32>} : memref<4096xf32, #tpu.memory_space<vmem>>, vector<16xf32>,
    tpu.vector_store %arg7[%swap3A_184], %broadcast_in_dim3A_3 {strides = array<i32>} : memref<4096xf32, #tpu.memory_space<vmem>>, vector<16xf32>,
    %swap3A_186 = arith.constant 1424 : index
    %swap3A_187 = tpu.vector_load %arg7[%swap3A_186] {strides = array<i32>} : memref<4096xf32, #tpu.memory_space<vmem>>, vector<16xf32>,
    tpu.vector_store %arg7[%swap3A_186], %broadcast_in_dim3A_3 {strides = array<i32>} : memref<4096xf32, #tpu.memory_space<vmem>>, vector<16xf32>,
    %swap3A_188 = arith.constant 1440 : index
    %swap3A_189 = tpu.vector_load %arg7[%swap3A_188] {strides = array<i32>} : memref<4096xf32, #tpu.memory_space<vmem>>, vector<16xf32>,
    tpu.vector_store %arg7[%swap3A_188], %broadcast_in_dim3A_3 {strides = array<i32>} : memref<4096xf32, #tpu.memory_space<vmem>>, vector<16xf32>,
    %swap3A_190 = arith.constant 1456 : index
    %swap3A_191 = tpu.vector_load %arg7[%swap3A_190] {strides = array<i32>} : memref<4096xf32, #tpu.memory_space<vmem>>, vector<16xf32>,
    tpu.vector_store %arg7[%swap3A_190], %broadcast_in_dim3A_3 {strides = array<i32>} : memref<4096xf32, #tpu.memory_space<vmem>>, vector<16xf32>,
    %swap3A_192 = arith.constant 1472 : index
    %swap3A_193 = tpu.vector_load %arg7[%swap3A_192] {strides = array<i32>} : memref<4096xf32, #tpu.memory_space<vmem>>, vector<16xf32>,
    tpu.vector_store %arg7[%swap3A_192], %broadcast_in_dim3A_3 {strides = array<i32>} : memref<4096xf32, #tpu.memory_space<vmem>>, vector<16xf32>,
    %swap3A_194 = arith.constant 1488 : index
    %swap3A_195 = tpu.vector_load %arg7[%swap3A_194] {strides = array<i32>} : memref<4096xf32, #tpu.memory_space<vmem>>, vector<16xf32>,
    tpu.vector_store %arg7[%swap3A_194], %broadcast_in_dim3A_3 {strides = array<i32>} : memref<4096xf32, #tpu.memory_space<vmem>>, vector<16xf32>,
    %swap3A_196 = arith.constant 1504 : index
    %swap3A_197 = tpu.vector_load %arg7[%swap3A_196] {strides = array<i32>} : memref<4096xf32, #tpu.memory_space<vmem>>, vector<16xf32>,
    tpu.vector_store %arg7[%swap3A_196], %broadcast_in_dim3A_3 {strides = array<i32>} : memref<4096xf32, #tpu.memory_space<vmem>>, vector<16xf32>,
    %swap3A_198 = arith.constant 1520 : index
    %swap3A_199 = tpu.vector_load %arg7[%swap3A_198] {strides = array<i32>} : memref<4096xf32, #tpu.memory_space<vmem>>, vector<16xf32>,
    tpu.vector_store %arg7[%swap3A_198], %broadcast_in_dim3A_3 {strides = array<i32>} : memref<4096xf32, #tpu.memory_space<vmem>>, vector<16xf32>,
    %swap3A_200 = arith.constant 1536 : index
    %swap3A_201 = tpu.vector_load %arg7[%swap3A_200] {strides = array<i32>} : memref<4096xf32, #tpu.memory_space<vmem>>, vector<16xf32>,
    tpu.vector_store %arg7[%swap3A_200], %broadcast_in_dim3A_3 {strides = array<i32>} : memref<4096xf32, #tpu.memory_space<vmem>>, vector<16xf32>,
    %swap3A_202 = arith.constant 1552 : index
    %swap3A_203 = tpu.vector_load %arg7[%swap3A_202] {strides = array<i32>} : memref<4096xf32, #tpu.memory_space<vmem>>, vector<16xf32>,
    tpu.vector_store %arg7[%swap3A_202], %broadcast_in_dim3A_3 {strides = array<i32>} : memref<4096xf32, #tpu.memory_space<vmem>>, vector<16xf32>,
    %swap3A_204 = arith.constant 1568 : index
    %swap3A_205 = tpu.vector_load %arg7[%swap3A_204] {strides = array<i32>} : memref<4096xf32, #tpu.memory_space<vmem>>, vector<16xf32>,
    tpu.vector_store %arg7[%swap3A_204], %broadcast_in_dim3A_3 {strides = array<i32>} : memref<4096xf32, #tpu.memory_space<vmem>>, vector<16xf32>,
    %swap3A_206 = arith.constant 1584 : index
    %swap3A_207 = tpu.vector_load %arg7[%swap3A_206] {strides = array<i32>} : memref<4096xf32, #tpu.memory_space<vmem>>, vector<16xf32>,
    tpu.vector_store %arg7[%swap3A_206], %broadcast_in_dim3A_3 {strides = array<i32>} : memref<4096xf32, #tpu.memory_space<vmem>>, vector<16xf32>,
    %swap3A_208 = arith.constant 1600 : index
    %swap3A_209 = tpu.vector_load %arg7[%swap3A_208] {strides = array<i32>} : memref<4096xf32, #tpu.memory_space<vmem>>, vector<16xf32>,
    tpu.vector_store %arg7[%swap3A_208], %broadcast_in_dim3A_3 {strides = array<i32>} : memref<4096xf32, #tpu.memory_space<vmem>>, vector<16xf32>,
    %swap3A_210 = arith.constant 1616 : index
    %swap3A_211 = tpu.vector_load %arg7[%swap3A_210] {strides = array<i32>} : memref<4096xf32, #tpu.memory_space<vmem>>, vector<16xf32>,
    tpu.vector_store %arg7[%swap3A_210], %broadcast_in_dim3A_3 {strides = array<i32>} : memref<4096xf32, #tpu.memory_space<vmem>>, vector<16xf32>,
    %swap3A_212 = arith.constant 1632 : index
    %swap3A_213 = tpu.vector_load %arg7[%swap3A_212] {strides = array<i32>} : memref<4096xf32, #tpu.memory_space<vmem>>, vector<16xf32>,
    tpu.vector_store %arg7[%swap3A_212], %broadcast_in_dim3A_3 {strides = array<i32>} : memref<4096xf32, #tpu.memory_space<vmem>>, vector<16xf32>,
    %swap3A_214 = arith.constant 1648 : index
    %swap3A_215 = tpu.vector_load %arg7[%swap3A_214] {strides = array<i32>} : memref<4096xf32, #tpu.memory_space<vmem>>, vector<16xf32>,
    tpu.vector_store %arg7[%swap3A_214], %broadcast_in_dim3A_3 {strides = array<i32>} : memref<4096xf32, #tpu.memory_space<vmem>>, vector<16xf32>,
    %swap3A_216 = arith.constant 1664 : index
    %swap3A_217 = tpu.vector_load %arg7[%swap3A_216] {strides = array<i32>} : memref<4096xf32, #tpu.memory_space<vmem>>, vector<16xf32>,
    tpu.vector_store %arg7[%swap3A_216], %broadcast_in_dim3A_3 {strides = array<i32>} : memref<4096xf32, #tpu.memory_space<vmem>>, vector<16xf32>,
    %swap3A_218 = arith.constant 1680 : index
    %swap3A_219 = tpu.vector_load %arg7[%swap3A_218] {strides = array<i32>} : memref<4096xf32, #tpu.memory_space<vmem>>, vector<16xf32>,
    tpu.vector_store %arg7[%swap3A_218], %broadcast_in_dim3A_3 {strides = array<i32>} : memref<4096xf32, #tpu.memory_space<vmem>>, vector<16xf32>,
    %swap3A_220 = arith.constant 1696 : index
    %swap3A_221 = tpu.vector_load %arg7[%swap3A_220] {strides = array<i32>} : memref<4096xf32, #tpu.memory_space<vmem>>, vector<16xf32>,
    tpu.vector_store %arg7[%swap3A_220], %broadcast_in_dim3A_3 {strides = array<i32>} : memref<4096xf32, #tpu.memory_space<vmem>>, vector<16xf32>,
    %swap3A_222 = arith.constant 1712 : index
    %swap3A_223 = tpu.vector_load %arg7[%swap3A_222] {strides = array<i32>} : memref<4096xf32, #tpu.memory_space<vmem>>, vector<16xf32>,
    tpu.vector_store %arg7[%swap3A_222], %broadcast_in_dim3A_3 {strides = array<i32>} : memref<4096xf32, #tpu.memory_space<vmem>>, vector<16xf32>,
    %swap3A_224 = arith.constant 1728 : index
    %swap3A_225 = tpu.vector_load %arg7[%swap3A_224] {strides = array<i32>} : memref<4096xf32, #tpu.memory_space<vmem>>, vector<16xf32>,
    tpu.vector_store %arg7[%swap3A_224], %broadcast_in_dim3A_3 {strides = array<i32>} : memref<4096xf32, #tpu.memory_space<vmem>>, vector<16xf32>,
    %swap3A_226 = arith.constant 1744 : index
    %swap3A_227 = tpu.vector_load %arg7[%swap3A_226] {strides = array<i32>} : memref<4096xf32, #tpu.memory_space<vmem>>, vector<16xf32>,
    tpu.vector_store %arg7[%swap3A_226], %broadcast_in_dim3A_3 {strides = array<i32>} : memref<4096xf32, #tpu.memory_space<vmem>>, vector<16xf32>,
    %swap3A_228 = arith.constant 1760 : index
    %swap3A_229 = tpu.vector_load %arg7[%swap3A_228] {strides = array<i32>} : memref<4096xf32, #tpu.memory_space<vmem>>, vector<16xf32>,
    tpu.vector_store %arg7[%swap3A_228], %broadcast_in_dim3A_3 {strides = array<i32>} : memref<4096xf32, #tpu.memory_space<vmem>>, vector<16xf32>,
    %swap3A_230 = arith.constant 1776 : index
    %swap3A_231 = tpu.vector_load %arg7[%swap3A_230] {strides = array<i32>} : memref<4096xf32, #tpu.memory_space<vmem>>, vector<16xf32>,
    tpu.vector_store %arg7[%swap3A_230], %broadcast_in_dim3A_3 {strides = array<i32>} : memref<4096xf32, #tpu.memory_space<vmem>>, vector<16xf32>,
    %swap3A_232 = arith.constant 1792 : index
    %swap3A_233 = tpu.vector_load %arg7[%swap3A_232] {strides = array<i32>} : memref<4096xf32, #tpu.memory_space<vmem>>, vector<16xf32>,
    tpu.vector_store %arg7[%swap3A_232], %broadcast_in_dim3A_3 {strides = array<i32>} : memref<4096xf32, #tpu.memory_space<vmem>>, vector<16xf32>,
    %swap3A_234 = arith.constant 1808 : index
    %swap3A_235 = tpu.vector_load %arg7[%swap3A_234] {strides = array<i32>} : memref<4096xf32, #tpu.memory_space<vmem>>, vector<16xf32>,
    tpu.vector_store %arg7[%swap3A_234], %broadcast_in_dim3A_3 {strides = array<i32>} : memref<4096xf32, #tpu.memory_space<vmem>>, vector<16xf32>,
    %swap3A_236 = arith.constant 1824 : index
    %swap3A_237 = tpu.vector_load %arg7[%swap3A_236] {strides = array<i32>} : memref<4096xf32, #tpu.memory_space<vmem>>, vector<16xf32>,
    tpu.vector_store %arg7[%swap3A_236], %broadcast_in_dim3A_3 {strides = array<i32>} : memref<4096xf32, #tpu.memory_space<vmem>>, vector<16xf32>,
    %swap3A_238 = arith.constant 1840 : index
    %swap3A_239 = tpu.vector_load %arg7[%swap3A_238] {strides = array<i32>} : memref<4096xf32, #tpu.memory_space<vmem>>, vector<16xf32>,
    tpu.vector_store %arg7[%swap3A_238], %broadcast_in_dim3A_3 {strides = array<i32>} : memref<4096xf32, #tpu.memory_space<vmem>>, vector<16xf32>,
    %swap3A_240 = arith.constant 1856 : index
    %swap3A_241 = tpu.vector_load %arg7[%swap3A_240] {strides = array<i32>} : memref<4096xf32, #tpu.memory_space<vmem>>, vector<16xf32>,
    tpu.vector_store %arg7[%swap3A_240], %broadcast_in_dim3A_3 {strides = array<i32>} : memref<4096xf32, #tpu.memory_space<vmem>>, vector<16xf32>,
    %swap3A_242 = arith.constant 1872 : index
    %swap3A_243 = tpu.vector_load %arg7[%swap3A_242] {strides = array<i32>} : memref<4096xf32, #tpu.memory_space<vmem>>, vector<16xf32>,
    tpu.vector_store %arg7[%swap3A_242], %broadcast_in_dim3A_3 {strides = array<i32>} : memref<4096xf32, #tpu.memory_space<vmem>>, vector<16xf32>,
    %swap3A_244 = arith.constant 1888 : index
    %swap3A_245 = tpu.vector_load %arg7[%swap3A_244] {strides = array<i32>} : memref<4096xf32, #tpu.memory_space<vmem>>, vector<16xf32>,
    tpu.vector_store %arg7[%swap3A_244], %broadcast_in_dim3A_3 {strides = array<i32>} : memref<4096xf32, #tpu.memory_space<vmem>>, vector<16xf32>,
    %swap3A_246 = arith.constant 1904 : index
    %swap3A_247 = tpu.vector_load %arg7[%swap3A_246] {strides = array<i32>} : memref<4096xf32, #tpu.memory_space<vmem>>, vector<16xf32>,
    tpu.vector_store %arg7[%swap3A_246], %broadcast_in_dim3A_3 {strides = array<i32>} : memref<4096xf32, #tpu.memory_space<vmem>>, vector<16xf32>,
    %swap3A_248 = arith.constant 1920 : index
    %swap3A_249 = tpu.vector_load %arg7[%swap3A_248] {strides = array<i32>} : memref<4096xf32, #tpu.memory_space<vmem>>, vector<16xf32>,
    tpu.vector_store %arg7[%swap3A_248], %broadcast_in_dim3A_3 {strides = array<i32>} : memref<4096xf32, #tpu.memory_space<vmem>>, vector<16xf32>,
    %swap3A_250 = arith.constant 1936 : index
    %swap3A_251 = tpu.vector_load %arg7[%swap3A_250] {strides = array<i32>} : memref<4096xf32, #tpu.memory_space<vmem>>, vector<16xf32>,
    tpu.vector_store %arg7[%swap3A_250], %broadcast_in_dim3A_3 {strides = array<i32>} : memref<4096xf32, #tpu.memory_space<vmem>>, vector<16xf32>,
    %swap3A_252 = arith.constant 1952 : index
    %swap3A_253 = tpu.vector_load %arg7[%swap3A_252] {strides = array<i32>} : memref<4096xf32, #tpu.memory_space<vmem>>, vector<16xf32>,
    tpu.vector_store %arg7[%swap3A_252], %broadcast_in_dim3A_3 {strides = array<i32>} : memref<4096xf32, #tpu.memory_space<vmem>>, vector<16xf32>,
    %swap3A_254 = arith.constant 1968 : index
    %swap3A_255 = tpu.vector_load %arg7[%swap3A_254] {strides = array<i32>} : memref<4096xf32, #tpu.memory_space<vmem>>, vector<16xf32>,
    tpu.vector_store %arg7[%swap3A_254], %broadcast_in_dim3A_3 {strides = array<i32>} : memref<4096xf32, #tpu.memory_space<vmem>>, vector<16xf32>,
    %swap3A_256 = arith.constant 1984 : index
    %swap3A_257 = tpu.vector_load %arg7[%swap3A_256] {strides = array<i32>} : memref<4096xf32, #tpu.memory_space<vmem>>, vector<16xf32>,
    tpu.vector_store %arg7[%swap3A_256], %broadcast_in_dim3A_3 {strides = array<i32>} : memref<4096xf32, #tpu.memory_space<vmem>>, vector<16xf32>,
    %swap3A_258 = arith.constant 2000 : index
    %swap3A_259 = tpu.vector_load %arg7[%swap3A_258] {strides = array<i32>} : memref<4096xf32, #tpu.memory_space<vmem>>, vector<16xf32>,
    tpu.vector_store %arg7[%swap3A_258], %broadcast_in_dim3A_3 {strides = array<i32>} : memref<4096xf32, #tpu.memory_space<vmem>>, vector<16xf32>,
    %swap3A_260 = arith.constant 2016 : index
    %swap3A_261 = tpu.vector_load %arg7[%swap3A_260] {strides = array<i32>} : memref<4096xf32, #tpu.memory_space<vmem>>, vector<16xf32>,
    tpu.vector_store %arg7[%swap3A_260], %broadcast_in_dim3A_3 {strides = array<i32>} : memref<4096xf32, #tpu.memory_space<vmem>>, vector<16xf32>,
    %swap3A_262 = arith.constant 2032 : index
    %swap3A_263 = tpu.vector_load %arg7[%swap3A_262] {strides = array<i32>} : memref<4096xf32, #tpu.memory_space<vmem>>, vector<16xf32>,
    tpu.vector_store %arg7[%swap3A_262], %broadcast_in_dim3A_3 {strides = array<i32>} : memref<4096xf32, #tpu.memory_space<vmem>>, vector<16xf32>,
    %swap3A_264 = arith.constant 2048 : index
    %swap3A_265 = tpu.vector_load %arg7[%swap3A_264] {strides = array<i32>} : memref<4096xf32, #tpu.memory_space<vmem>>, vector<16xf32>,
    tpu.vector_store %arg7[%swap3A_264], %broadcast_in_dim3A_3 {strides = array<i32>} : memref<4096xf32, #tpu.memory_space<vmem>>, vector<16xf32>,
    %swap3A_266 = arith.constant 2064 : index
    %swap3A_267 = tpu.vector_load %arg7[%swap3A_266] {strides = array<i32>} : memref<4096xf32, #tpu.memory_space<vmem>>, vector<16xf32>,
    tpu.vector_store %arg7[%swap3A_266], %broadcast_in_dim3A_3 {strides = array<i32>} : memref<4096xf32, #tpu.memory_space<vmem>>, vector<16xf32>,
    %swap3A_268 = arith.constant 2080 : index
    %swap3A_269 = tpu.vector_load %arg7[%swap3A_268] {strides = array<i32>} : memref<4096xf32, #tpu.memory_space<vmem>>, vector<16xf32>,
    tpu.vector_store %arg7[%swap3A_268], %broadcast_in_dim3A_3 {strides = array<i32>} : memref<4096xf32, #tpu.memory_space<vmem>>, vector<16xf32>,
    %swap3A_270 = arith.constant 2096 : index
    %swap3A_271 = tpu.vector_load %arg7[%swap3A_270] {strides = array<i32>} : memref<4096xf32, #tpu.memory_space<vmem>>, vector<16xf32>,
    tpu.vector_store %arg7[%swap3A_270], %broadcast_in_dim3A_3 {strides = array<i32>} : memref<4096xf32, #tpu.memory_space<vmem>>, vector<16xf32>,
    %swap3A_272 = arith.constant 2112 : index
    %swap3A_273 = tpu.vector_load %arg7[%swap3A_272] {strides = array<i32>} : memref<4096xf32, #tpu.memory_space<vmem>>, vector<16xf32>,
    tpu.vector_store %arg7[%swap3A_272], %broadcast_in_dim3A_3 {strides = array<i32>} : memref<4096xf32, #tpu.memory_space<vmem>>, vector<16xf32>,
    %swap3A_274 = arith.constant 2128 : index
    %swap3A_275 = tpu.vector_load %arg7[%swap3A_274] {strides = array<i32>} : memref<4096xf32, #tpu.memory_space<vmem>>, vector<16xf32>,
    tpu.vector_store %arg7[%swap3A_274], %broadcast_in_dim3A_3 {strides = array<i32>} : memref<4096xf32, #tpu.memory_space<vmem>>, vector<16xf32>,
    %swap3A_276 = arith.constant 2144 : index
    %swap3A_277 = tpu.vector_load %arg7[%swap3A_276] {strides = array<i32>} : memref<4096xf32, #tpu.memory_space<vmem>>, vector<16xf32>,
    tpu.vector_store %arg7[%swap3A_276], %broadcast_in_dim3A_3 {strides = array<i32>} : memref<4096xf32, #tpu.memory_space<vmem>>, vector<16xf32>,
    %swap3A_278 = arith.constant 2160 : index
    %swap3A_279 = tpu.vector_load %arg7[%swap3A_278] {strides = array<i32>} : memref<4096xf32, #tpu.memory_space<vmem>>, vector<16xf32>,
    tpu.vector_store %arg7[%swap3A_278], %broadcast_in_dim3A_3 {strides = array<i32>} : memref<4096xf32, #tpu.memory_space<vmem>>, vector<16xf32>,
    %swap3A_280 = arith.constant 2176 : index
    %swap3A_281 = tpu.vector_load %arg7[%swap3A_280] {strides = array<i32>} : memref<4096xf32, #tpu.memory_space<vmem>>, vector<16xf32>,
    tpu.vector_store %arg7[%swap3A_280], %broadcast_in_dim3A_3 {strides = array<i32>} : memref<4096xf32, #tpu.memory_space<vmem>>, vector<16xf32>,
    %swap3A_282 = arith.constant 2192 : index
    %swap3A_283 = tpu.vector_load %arg7[%swap3A_282] {strides = array<i32>} : memref<4096xf32, #tpu.memory_space<vmem>>, vector<16xf32>,
    tpu.vector_store %arg7[%swap3A_282], %broadcast_in_dim3A_3 {strides = array<i32>} : memref<4096xf32, #tpu.memory_space<vmem>>, vector<16xf32>,
    %swap3A_284 = arith.constant 2208 : index
    %swap3A_285 = tpu.vector_load %arg7[%swap3A_284] {strides = array<i32>} : memref<4096xf32, #tpu.memory_space<vmem>>, vector<16xf32>,
    tpu.vector_store %arg7[%swap3A_284], %broadcast_in_dim3A_3 {strides = array<i32>} : memref<4096xf32, #tpu.memory_space<vmem>>, vector<16xf32>,
    %swap3A_286 = arith.constant 2224 : index
    %swap3A_287 = tpu.vector_load %arg7[%swap3A_286] {strides = array<i32>} : memref<4096xf32, #tpu.memory_space<vmem>>, vector<16xf32>,
    tpu.vector_store %arg7[%swap3A_286], %broadcast_in_dim3A_3 {strides = array<i32>} : memref<4096xf32, #tpu.memory_space<vmem>>, vector<16xf32>,
    %swap3A_288 = arith.constant 2240 : index
    %swap3A_289 = tpu.vector_load %arg7[%swap3A_288] {strides = array<i32>} : memref<4096xf32, #tpu.memory_space<vmem>>, vector<16xf32>,
    tpu.vector_store %arg7[%swap3A_288], %broadcast_in_dim3A_3 {strides = array<i32>} : memref<4096xf32, #tpu.memory_space<vmem>>, vector<16xf32>,
    %swap3A_290 = arith.constant 2256 : index
    %swap3A_291 = tpu.vector_load %arg7[%swap3A_290] {strides = array<i32>} : memref<4096xf32, #tpu.memory_space<vmem>>, vector<16xf32>,
    tpu.vector_store %arg7[%swap3A_290], %broadcast_in_dim3A_3 {strides = array<i32>} : memref<4096xf32, #tpu.memory_space<vmem>>, vector<16xf32>,
    %swap3A_292 = arith.constant 2272 : index
    %swap3A_293 = tpu.vector_load %arg7[%swap3A_292] {strides = array<i32>} : memref<4096xf32, #tpu.memory_space<vmem>>, vector<16xf32>,
    tpu.vector_store %arg7[%swap3A_292], %broadcast_in_dim3A_3 {strides = array<i32>} : memref<4096xf32, #tpu.memory_space<vmem>>, vector<16xf32>,
    %swap3A_294 = arith.constant 2288 : index
    %swap3A_295 = tpu.vector_load %arg7[%swap3A_294] {strides = array<i32>} : memref<4096xf32, #tpu.memory_space<vmem>>, vector<16xf32>,
    tpu.vector_store %arg7[%swap3A_294], %broadcast_in_dim3A_3 {strides = array<i32>} : memref<4096xf32, #tpu.memory_space<vmem>>, vector<16xf32>,
    %swap3A_296 = arith.constant 2304 : index
    %swap3A_297 = tpu.vector_load %arg7[%swap3A_296] {strides = array<i32>} : memref<4096xf32, #tpu.memory_space<vmem>>, vector<16xf32>,
    tpu.vector_store %arg7[%swap3A_296], %broadcast_in_dim3A_3 {strides = array<i32>} : memref<4096xf32, #tpu.memory_space<vmem>>, vector<16xf32>,
    %swap3A_298 = arith.constant 2320 : index
    %swap3A_299 = tpu.vector_load %arg7[%swap3A_298] {strides = array<i32>} : memref<4096xf32, #tpu.memory_space<vmem>>, vector<16xf32>,
    tpu.vector_store %arg7[%swap3A_298], %broadcast_in_dim3A_3 {strides = array<i32>} : memref<4096xf32, #tpu.memory_space<vmem>>, vector<16xf32>,
    %swap3A_300 = arith.constant 2336 : index
    %swap3A_301 = tpu.vector_load %arg7[%swap3A_300] {strides = array<i32>} : memref<4096xf32, #tpu.memory_space<vmem>>, vector<16xf32>,
    tpu.vector_store %arg7[%swap3A_300], %broadcast_in_dim3A_3 {strides = array<i32>} : memref<4096xf32, #tpu.memory_space<vmem>>, vector<16xf32>,
    %swap3A_302 = arith.constant 2352 : index
    %swap3A_303 = tpu.vector_load %arg7[%swap3A_302] {strides = array<i32>} : memref<4096xf32, #tpu.memory_space<vmem>>, vector<16xf32>,
    tpu.vector_store %arg7[%swap3A_302], %broadcast_in_dim3A_3 {strides = array<i32>} : memref<4096xf32, #tpu.memory_space<vmem>>, vector<16xf32>,
    %swap3A_304 = arith.constant 2368 : index
    %swap3A_305 = tpu.vector_load %arg7[%swap3A_304] {strides = array<i32>} : memref<4096xf32, #tpu.memory_space<vmem>>, vector<16xf32>,
    tpu.vector_store %arg7[%swap3A_304], %broadcast_in_dim3A_3 {strides = array<i32>} : memref<4096xf32, #tpu.memory_space<vmem>>, vector<16xf32>,
    %swap3A_306 = arith.constant 2384 : index
    %swap3A_307 = tpu.vector_load %arg7[%swap3A_306] {strides = array<i32>} : memref<4096xf32, #tpu.memory_space<vmem>>, vector<16xf32>,
    tpu.vector_store %arg7[%swap3A_306], %broadcast_in_dim3A_3 {strides = array<i32>} : memref<4096xf32, #tpu.memory_space<vmem>>, vector<16xf32>,
    %swap3A_308 = arith.constant 2400 : index
    %swap3A_309 = tpu.vector_load %arg7[%swap3A_308] {strides = array<i32>} : memref<4096xf32, #tpu.memory_space<vmem>>, vector<16xf32>,
    tpu.vector_store %arg7[%swap3A_308], %broadcast_in_dim3A_3 {strides = array<i32>} : memref<4096xf32, #tpu.memory_space<vmem>>, vector<16xf32>,
    %swap3A_310 = arith.constant 2416 : index
    %swap3A_311 = tpu.vector_load %arg7[%swap3A_310] {strides = array<i32>} : memref<4096xf32, #tpu.memory_space<vmem>>, vector<16xf32>,
    tpu.vector_store %arg7[%swap3A_310], %broadcast_in_dim3A_3 {strides = array<i32>} : memref<4096xf32, #tpu.memory_space<vmem>>, vector<16xf32>,
    %swap3A_312 = arith.constant 2432 : index
    %swap3A_313 = tpu.vector_load %arg7[%swap3A_312] {strides = array<i32>} : memref<4096xf32, #tpu.memory_space<vmem>>, vector<16xf32>,
    tpu.vector_store %arg7[%swap3A_312], %broadcast_in_dim3A_3 {strides = array<i32>} : memref<4096xf32, #tpu.memory_space<vmem>>, vector<16xf32>,
    %swap3A_314 = arith.constant 2448 : index
    %swap3A_315 = tpu.vector_load %arg7[%swap3A_314] {strides = array<i32>} : memref<4096xf32, #tpu.memory_space<vmem>>, vector<16xf32>,
    tpu.vector_store %arg7[%swap3A_314], %broadcast_in_dim3A_3 {strides = array<i32>} : memref<4096xf32, #tpu.memory_space<vmem>>, vector<16xf32>,
    %swap3A_316 = arith.constant 2464 : index
    %swap3A_317 = tpu.vector_load %arg7[%swap3A_316] {strides = array<i32>} : memref<4096xf32, #tpu.memory_space<vmem>>, vector<16xf32>,
    tpu.vector_store %arg7[%swap3A_316], %broadcast_in_dim3A_3 {strides = array<i32>} : memref<4096xf32, #tpu.memory_space<vmem>>, vector<16xf32>,
    %swap3A_318 = arith.constant 2480 : index
    %swap3A_319 = tpu.vector_load %arg7[%swap3A_318] {strides = array<i32>} : memref<4096xf32, #tpu.memory_space<vmem>>, vector<16xf32>,
    tpu.vector_store %arg7[%swap3A_318], %broadcast_in_dim3A_3 {strides = array<i32>} : memref<4096xf32, #tpu.memory_space<vmem>>, vector<16xf32>,
    %swap3A_320 = arith.constant 2496 : index
    %swap3A_321 = tpu.vector_load %arg7[%swap3A_320] {strides = array<i32>} : memref<4096xf32, #tpu.memory_space<vmem>>, vector<16xf32>,
    tpu.vector_store %arg7[%swap3A_320], %broadcast_in_dim3A_3 {strides = array<i32>} : memref<4096xf32, #tpu.memory_space<vmem>>, vector<16xf32>,
    %swap3A_322 = arith.constant 2512 : index
    %swap3A_323 = tpu.vector_load %arg7[%swap3A_322] {strides = array<i32>} : memref<4096xf32, #tpu.memory_space<vmem>>, vector<16xf32>,
    tpu.vector_store %arg7[%swap3A_322], %broadcast_in_dim3A_3 {strides = array<i32>} : memref<4096xf32, #tpu.memory_space<vmem>>, vector<16xf32>,
    %swap3A_324 = arith.constant 2528 : index
    %swap3A_325 = tpu.vector_load %arg7[%swap3A_324] {strides = array<i32>} : memref<4096xf32, #tpu.memory_space<vmem>>, vector<16xf32>,
    tpu.vector_store %arg7[%swap3A_324], %broadcast_in_dim3A_3 {strides = array<i32>} : memref<4096xf32, #tpu.memory_space<vmem>>, vector<16xf32>,
    %swap3A_326 = arith.constant 2544 : index
    %swap3A_327 = tpu.vector_load %arg7[%swap3A_326] {strides = array<i32>} : memref<4096xf32, #tpu.memory_space<vmem>>, vector<16xf32>,
    tpu.vector_store %arg7[%swap3A_326], %broadcast_in_dim3A_3 {strides = array<i32>} : memref<4096xf32, #tpu.memory_space<vmem>>, vector<16xf32>,
    %swap3A_328 = arith.constant 2560 : index
    %swap3A_329 = tpu.vector_load %arg7[%swap3A_328] {strides = array<i32>} : memref<4096xf32, #tpu.memory_space<vmem>>, vector<16xf32>,
    tpu.vector_store %arg7[%swap3A_328], %broadcast_in_dim3A_3 {strides = array<i32>} : memref<4096xf32, #tpu.memory_space<vmem>>, vector<16xf32>,
    %swap3A_330 = arith.constant 2576 : index
    %swap3A_331 = tpu.vector_load %arg7[%swap3A_330] {strides = array<i32>} : memref<4096xf32, #tpu.memory_space<vmem>>, vector<16xf32>,
    tpu.vector_store %arg7[%swap3A_330], %broadcast_in_dim3A_3 {strides = array<i32>} : memref<4096xf32, #tpu.memory_space<vmem>>, vector<16xf32>,
    %swap3A_332 = arith.constant 2592 : index
    %swap3A_333 = tpu.vector_load %arg7[%swap3A_332] {strides = array<i32>} : memref<4096xf32, #tpu.memory_space<vmem>>, vector<16xf32>,
    tpu.vector_store %arg7[%swap3A_332], %broadcast_in_dim3A_3 {strides = array<i32>} : memref<4096xf32, #tpu.memory_space<vmem>>, vector<16xf32>,
    %swap3A_334 = arith.constant 2608 : index
    %swap3A_335 = tpu.vector_load %arg7[%swap3A_334] {strides = array<i32>} : memref<4096xf32, #tpu.memory_space<vmem>>, vector<16xf32>,
    tpu.vector_store %arg7[%swap3A_334], %broadcast_in_dim3A_3 {strides = array<i32>} : memref<4096xf32, #tpu.memory_space<vmem>>, vector<16xf32>,
    %swap3A_336 = arith.constant 2624 : index
    %swap3A_337 = tpu.vector_load %arg7[%swap3A_336] {strides = array<i32>} : memref<4096xf32, #tpu.memory_space<vmem>>, vector<16xf32>,
    tpu.vector_store %arg7[%swap3A_336], %broadcast_in_dim3A_3 {strides = array<i32>} : memref<4096xf32, #tpu.memory_space<vmem>>, vector<16xf32>,
    %swap3A_338 = arith.constant 2640 : index
    %swap3A_339 = tpu.vector_load %arg7[%swap3A_338] {strides = array<i32>} : memref<4096xf32, #tpu.memory_space<vmem>>, vector<16xf32>,
    tpu.vector_store %arg7[%swap3A_338], %broadcast_in_dim3A_3 {strides = array<i32>} : memref<4096xf32, #tpu.memory_space<vmem>>, vector<16xf32>,
    %swap3A_340 = arith.constant 2656 : index
    %swap3A_341 = tpu.vector_load %arg7[%swap3A_340] {strides = array<i32>} : memref<4096xf32, #tpu.memory_space<vmem>>, vector<16xf32>,
    tpu.vector_store %arg7[%swap3A_340], %broadcast_in_dim3A_3 {strides = array<i32>} : memref<4096xf32, #tpu.memory_space<vmem>>, vector<16xf32>,
    %swap3A_342 = arith.constant 2672 : index
    %swap3A_343 = tpu.vector_load %arg7[%swap3A_342] {strides = array<i32>} : memref<4096xf32, #tpu.memory_space<vmem>>, vector<16xf32>,
    tpu.vector_store %arg7[%swap3A_342], %broadcast_in_dim3A_3 {strides = array<i32>} : memref<4096xf32, #tpu.memory_space<vmem>>, vector<16xf32>,
    %swap3A_344 = arith.constant 2688 : index
    %swap3A_345 = tpu.vector_load %arg7[%swap3A_344] {strides = array<i32>} : memref<4096xf32, #tpu.memory_space<vmem>>, vector<16xf32>,
    tpu.vector_store %arg7[%swap3A_344], %broadcast_in_dim3A_3 {strides = array<i32>} : memref<4096xf32, #tpu.memory_space<vmem>>, vector<16xf32>,
    %swap3A_346 = arith.constant 2704 : index
    %swap3A_347 = tpu.vector_load %arg7[%swap3A_346] {strides = array<i32>} : memref<4096xf32, #tpu.memory_space<vmem>>, vector<16xf32>,
    tpu.vector_store %arg7[%swap3A_346], %broadcast_in_dim3A_3 {strides = array<i32>} : memref<4096xf32, #tpu.memory_space<vmem>>, vector<16xf32>,
    %swap3A_348 = arith.constant 2720 : index
    %swap3A_349 = tpu.vector_load %arg7[%swap3A_348] {strides = array<i32>} : memref<4096xf32, #tpu.memory_space<vmem>>, vector<16xf32>,
    tpu.vector_store %arg7[%swap3A_348], %broadcast_in_dim3A_3 {strides = array<i32>} : memref<4096xf32, #tpu.memory_space<vmem>>, vector<16xf32>,
    %swap3A_350 = arith.constant 2736 : index
    %swap3A_351 = tpu.vector_load %arg7[%swap3A_350] {strides = array<i32>} : memref<4096xf32, #tpu.memory_space<vmem>>, vector<16xf32>,
    tpu.vector_store %arg7[%swap3A_350], %broadcast_in_dim3A_3 {strides = array<i32>} : memref<4096xf32, #tpu.memory_space<vmem>>, vector<16xf32>,
    %swap3A_352 = arith.constant 2752 : index
    %swap3A_353 = tpu.vector_load %arg7[%swap3A_352] {strides = array<i32>} : memref<4096xf32, #tpu.memory_space<vmem>>, vector<16xf32>,
    tpu.vector_store %arg7[%swap3A_352], %broadcast_in_dim3A_3 {strides = array<i32>} : memref<4096xf32, #tpu.memory_space<vmem>>, vector<16xf32>,
    %swap3A_354 = arith.constant 2768 : index
    %swap3A_355 = tpu.vector_load %arg7[%swap3A_354] {strides = array<i32>} : memref<4096xf32, #tpu.memory_space<vmem>>, vector<16xf32>,
    tpu.vector_store %arg7[%swap3A_354], %broadcast_in_dim3A_3 {strides = array<i32>} : memref<4096xf32, #tpu.memory_space<vmem>>, vector<16xf32>,
    %swap3A_356 = arith.constant 2784 : index
    %swap3A_357 = tpu.vector_load %arg7[%swap3A_356] {strides = array<i32>} : memref<4096xf32, #tpu.memory_space<vmem>>, vector<16xf32>,
    tpu.vector_store %arg7[%swap3A_356], %broadcast_in_dim3A_3 {strides = array<i32>} : memref<4096xf32, #tpu.memory_space<vmem>>, vector<16xf32>,
    %swap3A_358 = arith.constant 2800 : index
    %swap3A_359 = tpu.vector_load %arg7[%swap3A_358] {strides = array<i32>} : memref<4096xf32, #tpu.memory_space<vmem>>, vector<16xf32>,
    tpu.vector_store %arg7[%swap3A_358], %broadcast_in_dim3A_3 {strides = array<i32>} : memref<4096xf32, #tpu.memory_space<vmem>>, vector<16xf32>,
    %swap3A_360 = arith.constant 2816 : index
    %swap3A_361 = tpu.vector_load %arg7[%swap3A_360] {strides = array<i32>} : memref<4096xf32, #tpu.memory_space<vmem>>, vector<16xf32>,
    tpu.vector_store %arg7[%swap3A_360], %broadcast_in_dim3A_3 {strides = array<i32>} : memref<4096xf32, #tpu.memory_space<vmem>>, vector<16xf32>,
    %swap3A_362 = arith.constant 2832 : index
    %swap3A_363 = tpu.vector_load %arg7[%swap3A_362] {strides = array<i32>} : memref<4096xf32, #tpu.memory_space<vmem>>, vector<16xf32>,
    tpu.vector_store %arg7[%swap3A_362], %broadcast_in_dim3A_3 {strides = array<i32>} : memref<4096xf32, #tpu.memory_space<vmem>>, vector<16xf32>,
    %swap3A_364 = arith.constant 2848 : index
    %swap3A_365 = tpu.vector_load %arg7[%swap3A_364] {strides = array<i32>} : memref<4096xf32, #tpu.memory_space<vmem>>, vector<16xf32>,
    tpu.vector_store %arg7[%swap3A_364], %broadcast_in_dim3A_3 {strides = array<i32>} : memref<4096xf32, #tpu.memory_space<vmem>>, vector<16xf32>,
    %swap3A_366 = arith.constant 2864 : index
    %swap3A_367 = tpu.vector_load %arg7[%swap3A_366] {strides = array<i32>} : memref<4096xf32, #tpu.memory_space<vmem>>, vector<16xf32>,
    tpu.vector_store %arg7[%swap3A_366], %broadcast_in_dim3A_3 {strides = array<i32>} : memref<4096xf32, #tpu.memory_space<vmem>>, vector<16xf32>,
    %swap3A_368 = arith.constant 2880 : index
    %swap3A_369 = tpu.vector_load %arg7[%swap3A_368] {strides = array<i32>} : memref<4096xf32, #tpu.memory_space<vmem>>, vector<16xf32>,
    tpu.vector_store %arg7[%swap3A_368], %broadcast_in_dim3A_3 {strides = array<i32>} : memref<4096xf32, #tpu.memory_space<vmem>>, vector<16xf32>,
    %swap3A_370 = arith.constant 2896 : index
    %swap3A_371 = tpu.vector_load %arg7[%swap3A_370] {strides = array<i32>} : memref<4096xf32, #tpu.memory_space<vmem>>, vector<16xf32>,
    tpu.vector_store %arg7[%swap3A_370], %broadcast_in_dim3A_3 {strides = array<i32>} : memref<4096xf32, #tpu.memory_space<vmem>>, vector<16xf32>,
    %swap3A_372 = arith.constant 2912 : index
    %swap3A_373 = tpu.vector_load %arg7[%swap3A_372] {strides = array<i32>} : memref<4096xf32, #tpu.memory_space<vmem>>, vector<16xf32>,
    tpu.vector_store %arg7[%swap3A_372], %broadcast_in_dim3A_3 {strides = array<i32>} : memref<4096xf32, #tpu.memory_space<vmem>>, vector<16xf32>,
    %swap3A_374 = arith.constant 2928 : index
    %swap3A_375 = tpu.vector_load %arg7[%swap3A_374] {strides = array<i32>} : memref<4096xf32, #tpu.memory_space<vmem>>, vector<16xf32>,
    tpu.vector_store %arg7[%swap3A_374], %broadcast_in_dim3A_3 {strides = array<i32>} : memref<4096xf32, #tpu.memory_space<vmem>>, vector<16xf32>,
    %swap3A_376 = arith.constant 2944 : index
    %swap3A_377 = tpu.vector_load %arg7[%swap3A_376] {strides = array<i32>} : memref<4096xf32, #tpu.memory_space<vmem>>, vector<16xf32>,
    tpu.vector_store %arg7[%swap3A_376], %broadcast_in_dim3A_3 {strides = array<i32>} : memref<4096xf32, #tpu.memory_space<vmem>>, vector<16xf32>,
    %swap3A_378 = arith.constant 2960 : index
    %swap3A_379 = tpu.vector_load %arg7[%swap3A_378] {strides = array<i32>} : memref<4096xf32, #tpu.memory_space<vmem>>, vector<16xf32>,
    tpu.vector_store %arg7[%swap3A_378], %broadcast_in_dim3A_3 {strides = array<i32>} : memref<4096xf32, #tpu.memory_space<vmem>>, vector<16xf32>,
    %swap3A_380 = arith.constant 2976 : index
    %swap3A_381 = tpu.vector_load %arg7[%swap3A_380] {strides = array<i32>} : memref<4096xf32, #tpu.memory_space<vmem>>, vector<16xf32>,
    tpu.vector_store %arg7[%swap3A_380], %broadcast_in_dim3A_3 {strides = array<i32>} : memref<4096xf32, #tpu.memory_space<vmem>>, vector<16xf32>,
    %swap3A_382 = arith.constant 2992 : index
    %swap3A_383 = tpu.vector_load %arg7[%swap3A_382] {strides = array<i32>} : memref<4096xf32, #tpu.memory_space<vmem>>, vector<16xf32>,
    tpu.vector_store %arg7[%swap3A_382], %broadcast_in_dim3A_3 {strides = array<i32>} : memref<4096xf32, #tpu.memory_space<vmem>>, vector<16xf32>,
    %swap3A_384 = arith.constant 3008 : index
    %swap3A_385 = tpu.vector_load %arg7[%swap3A_384] {strides = array<i32>} : memref<4096xf32, #tpu.memory_space<vmem>>, vector<16xf32>,
    tpu.vector_store %arg7[%swap3A_384], %broadcast_in_dim3A_3 {strides = array<i32>} : memref<4096xf32, #tpu.memory_space<vmem>>, vector<16xf32>,
    %swap3A_386 = arith.constant 3024 : index
    %swap3A_387 = tpu.vector_load %arg7[%swap3A_386] {strides = array<i32>} : memref<4096xf32, #tpu.memory_space<vmem>>, vector<16xf32>,
    tpu.vector_store %arg7[%swap3A_386], %broadcast_in_dim3A_3 {strides = array<i32>} : memref<4096xf32, #tpu.memory_space<vmem>>, vector<16xf32>,
    %swap3A_388 = arith.constant 3040 : index
    %swap3A_389 = tpu.vector_load %arg7[%swap3A_388] {strides = array<i32>} : memref<4096xf32, #tpu.memory_space<vmem>>, vector<16xf32>,
    tpu.vector_store %arg7[%swap3A_388], %broadcast_in_dim3A_3 {strides = array<i32>} : memref<4096xf32, #tpu.memory_space<vmem>>, vector<16xf32>,
    %swap3A_390 = arith.constant 3056 : index
    %swap3A_391 = tpu.vector_load %arg7[%swap3A_390] {strides = array<i32>} : memref<4096xf32, #tpu.memory_space<vmem>>, vector<16xf32>,
    tpu.vector_store %arg7[%swap3A_390], %broadcast_in_dim3A_3 {strides = array<i32>} : memref<4096xf32, #tpu.memory_space<vmem>>, vector<16xf32>,
    %swap3A_392 = arith.constant 3072 : index
    %swap3A_393 = tpu.vector_load %arg7[%swap3A_392] {strides = array<i32>} : memref<4096xf32, #tpu.memory_space<vmem>>, vector<16xf32>,
    tpu.vector_store %arg7[%swap3A_392], %broadcast_in_dim3A_3 {strides = array<i32>} : memref<4096xf32, #tpu.memory_space<vmem>>, vector<16xf32>,
    %swap3A_394 = arith.constant 3088 : index
    %swap3A_395 = tpu.vector_load %arg7[%swap3A_394] {strides = array<i32>} : memref<4096xf32, #tpu.memory_space<vmem>>, vector<16xf32>,
    tpu.vector_store %arg7[%swap3A_394], %broadcast_in_dim3A_3 {strides = array<i32>} : memref<4096xf32, #tpu.memory_space<vmem>>, vector<16xf32>,
    %swap3A_396 = arith.constant 3104 : index
    %swap3A_397 = tpu.vector_load %arg7[%swap3A_396] {strides = array<i32>} : memref<4096xf32, #tpu.memory_space<vmem>>, vector<16xf32>,
    tpu.vector_store %arg7[%swap3A_396], %broadcast_in_dim3A_3 {strides = array<i32>} : memref<4096xf32, #tpu.memory_space<vmem>>, vector<16xf32>,
    %swap3A_398 = arith.constant 3120 : index
    %swap3A_399 = tpu.vector_load %arg7[%swap3A_398] {strides = array<i32>} : memref<4096xf32, #tpu.memory_space<vmem>>, vector<16xf32>,
    tpu.vector_store %arg7[%swap3A_398], %broadcast_in_dim3A_3 {strides = array<i32>} : memref<4096xf32, #tpu.memory_space<vmem>>, vector<16xf32>,
    %swap3A_400 = arith.constant 3136 : index
    %swap3A_401 = tpu.vector_load %arg7[%swap3A_400] {strides = array<i32>} : memref<4096xf32, #tpu.memory_space<vmem>>, vector<16xf32>,
    tpu.vector_store %arg7[%swap3A_400], %broadcast_in_dim3A_3 {strides = array<i32>} : memref<4096xf32, #tpu.memory_space<vmem>>, vector<16xf32>,
    %swap3A_402 = arith.constant 3152 : index
    %swap3A_403 = tpu.vector_load %arg7[%swap3A_402] {strides = array<i32>} : memref<4096xf32, #tpu.memory_space<vmem>>, vector<16xf32>,
    tpu.vector_store %arg7[%swap3A_402], %broadcast_in_dim3A_3 {strides = array<i32>} : memref<4096xf32, #tpu.memory_space<vmem>>, vector<16xf32>,
    %swap3A_404 = arith.constant 3168 : index
    %swap3A_405 = tpu.vector_load %arg7[%swap3A_404] {strides = array<i32>} : memref<4096xf32, #tpu.memory_space<vmem>>, vector<16xf32>,
    tpu.vector_store %arg7[%swap3A_404], %broadcast_in_dim3A_3 {strides = array<i32>} : memref<4096xf32, #tpu.memory_space<vmem>>, vector<16xf32>,
    %swap3A_406 = arith.constant 3184 : index
    %swap3A_407 = tpu.vector_load %arg7[%swap3A_406] {strides = array<i32>} : memref<4096xf32, #tpu.memory_space<vmem>>, vector<16xf32>,
    tpu.vector_store %arg7[%swap3A_406], %broadcast_in_dim3A_3 {strides = array<i32>} : memref<4096xf32, #tpu.memory_space<vmem>>, vector<16xf32>,
    %swap3A_408 = arith.constant 3200 : index
    %swap3A_409 = tpu.vector_load %arg7[%swap3A_408] {strides = array<i32>} : memref<4096xf32, #tpu.memory_space<vmem>>, vector<16xf32>,
    tpu.vector_store %arg7[%swap3A_408], %broadcast_in_dim3A_3 {strides = array<i32>} : memref<4096xf32, #tpu.memory_space<vmem>>, vector<16xf32>,
    %swap3A_410 = arith.constant 3216 : index
    %swap3A_411 = tpu.vector_load %arg7[%swap3A_410] {strides = array<i32>} : memref<4096xf32, #tpu.memory_space<vmem>>, vector<16xf32>,
    tpu.vector_store %arg7[%swap3A_410], %broadcast_in_dim3A_3 {strides = array<i32>} : memref<4096xf32, #tpu.memory_space<vmem>>, vector<16xf32>,
    %swap3A_412 = arith.constant 3232 : index
    %swap3A_413 = tpu.vector_load %arg7[%swap3A_412] {strides = array<i32>} : memref<4096xf32, #tpu.memory_space<vmem>>, vector<16xf32>,
    tpu.vector_store %arg7[%swap3A_412], %broadcast_in_dim3A_3 {strides = array<i32>} : memref<4096xf32, #tpu.memory_space<vmem>>, vector<16xf32>,
    %swap3A_414 = arith.constant 3248 : index
    %swap3A_415 = tpu.vector_load %arg7[%swap3A_414] {strides = array<i32>} : memref<4096xf32, #tpu.memory_space<vmem>>, vector<16xf32>,
    tpu.vector_store %arg7[%swap3A_414], %broadcast_in_dim3A_3 {strides = array<i32>} : memref<4096xf32, #tpu.memory_space<vmem>>, vector<16xf32>,
    %swap3A_416 = arith.constant 3264 : index
    %swap3A_417 = tpu.vector_load %arg7[%swap3A_416] {strides = array<i32>} : memref<4096xf32, #tpu.memory_space<vmem>>, vector<16xf32>,
    tpu.vector_store %arg7[%swap3A_416], %broadcast_in_dim3A_3 {strides = array<i32>} : memref<4096xf32, #tpu.memory_space<vmem>>, vector<16xf32>,
    %swap3A_418 = arith.constant 3280 : index
    %swap3A_419 = tpu.vector_load %arg7[%swap3A_418] {strides = array<i32>} : memref<4096xf32, #tpu.memory_space<vmem>>, vector<16xf32>,
    tpu.vector_store %arg7[%swap3A_418], %broadcast_in_dim3A_3 {strides = array<i32>} : memref<4096xf32, #tpu.memory_space<vmem>>, vector<16xf32>,
    %swap3A_420 = arith.constant 3296 : index
    %swap3A_421 = tpu.vector_load %arg7[%swap3A_420] {strides = array<i32>} : memref<4096xf32, #tpu.memory_space<vmem>>, vector<16xf32>,
    tpu.vector_store %arg7[%swap3A_420], %broadcast_in_dim3A_3 {strides = array<i32>} : memref<4096xf32, #tpu.memory_space<vmem>>, vector<16xf32>,
    %swap3A_422 = arith.constant 3312 : index
    %swap3A_423 = tpu.vector_load %arg7[%swap3A_422] {strides = array<i32>} : memref<4096xf32, #tpu.memory_space<vmem>>, vector<16xf32>,
    tpu.vector_store %arg7[%swap3A_422], %broadcast_in_dim3A_3 {strides = array<i32>} : memref<4096xf32, #tpu.memory_space<vmem>>, vector<16xf32>,
    %swap3A_424 = arith.constant 3328 : index
    %swap3A_425 = tpu.vector_load %arg7[%swap3A_424] {strides = array<i32>} : memref<4096xf32, #tpu.memory_space<vmem>>, vector<16xf32>,
    tpu.vector_store %arg7[%swap3A_424], %broadcast_in_dim3A_3 {strides = array<i32>} : memref<4096xf32, #tpu.memory_space<vmem>>, vector<16xf32>,
    %swap3A_426 = arith.constant 3344 : index
    %swap3A_427 = tpu.vector_load %arg7[%swap3A_426] {strides = array<i32>} : memref<4096xf32, #tpu.memory_space<vmem>>, vector<16xf32>,
    tpu.vector_store %arg7[%swap3A_426], %broadcast_in_dim3A_3 {strides = array<i32>} : memref<4096xf32, #tpu.memory_space<vmem>>, vector<16xf32>,
    %swap3A_428 = arith.constant 3360 : index
    %swap3A_429 = tpu.vector_load %arg7[%swap3A_428] {strides = array<i32>} : memref<4096xf32, #tpu.memory_space<vmem>>, vector<16xf32>,
    tpu.vector_store %arg7[%swap3A_428], %broadcast_in_dim3A_3 {strides = array<i32>} : memref<4096xf32, #tpu.memory_space<vmem>>, vector<16xf32>,
    %swap3A_430 = arith.constant 3376 : index
    %swap3A_431 = tpu.vector_load %arg7[%swap3A_430] {strides = array<i32>} : memref<4096xf32, #tpu.memory_space<vmem>>, vector<16xf32>,
    tpu.vector_store %arg7[%swap3A_430], %broadcast_in_dim3A_3 {strides = array<i32>} : memref<4096xf32, #tpu.memory_space<vmem>>, vector<16xf32>,
    %swap3A_432 = arith.constant 3392 : index
    %swap3A_433 = tpu.vector_load %arg7[%swap3A_432] {strides = array<i32>} : memref<4096xf32, #tpu.memory_space<vmem>>, vector<16xf32>,
    tpu.vector_store %arg7[%swap3A_432], %broadcast_in_dim3A_3 {strides = array<i32>} : memref<4096xf32, #tpu.memory_space<vmem>>, vector<16xf32>,
    %swap3A_434 = arith.constant 3408 : index
    %swap3A_435 = tpu.vector_load %arg7[%swap3A_434] {strides = array<i32>} : memref<4096xf32, #tpu.memory_space<vmem>>, vector<16xf32>,
    tpu.vector_store %arg7[%swap3A_434], %broadcast_in_dim3A_3 {strides = array<i32>} : memref<4096xf32, #tpu.memory_space<vmem>>, vector<16xf32>,
    %swap3A_436 = arith.constant 3424 : index
    %swap3A_437 = tpu.vector_load %arg7[%swap3A_436] {strides = array<i32>} : memref<4096xf32, #tpu.memory_space<vmem>>, vector<16xf32>,
    tpu.vector_store %arg7[%swap3A_436], %broadcast_in_dim3A_3 {strides = array<i32>} : memref<4096xf32, #tpu.memory_space<vmem>>, vector<16xf32>,
    %swap3A_438 = arith.constant 3440 : index
    %swap3A_439 = tpu.vector_load %arg7[%swap3A_438] {strides = array<i32>} : memref<4096xf32, #tpu.memory_space<vmem>>, vector<16xf32>,
    tpu.vector_store %arg7[%swap3A_438], %broadcast_in_dim3A_3 {strides = array<i32>} : memref<4096xf32, #tpu.memory_space<vmem>>, vector<16xf32>,
    %swap3A_440 = arith.constant 3456 : index
    %swap3A_441 = tpu.vector_load %arg7[%swap3A_440] {strides = array<i32>} : memref<4096xf32, #tpu.memory_space<vmem>>, vector<16xf32>,
    tpu.vector_store %arg7[%swap3A_440], %broadcast_in_dim3A_3 {strides = array<i32>} : memref<4096xf32, #tpu.memory_space<vmem>>, vector<16xf32>,
    %swap3A_442 = arith.constant 3472 : index
    %swap3A_443 = tpu.vector_load %arg7[%swap3A_442] {strides = array<i32>} : memref<4096xf32, #tpu.memory_space<vmem>>, vector<16xf32>,
    tpu.vector_store %arg7[%swap3A_442], %broadcast_in_dim3A_3 {strides = array<i32>} : memref<4096xf32, #tpu.memory_space<vmem>>, vector<16xf32>,
    %swap3A_444 = arith.constant 3488 : index
    %swap3A_445 = tpu.vector_load %arg7[%swap3A_444] {strides = array<i32>} : memref<4096xf32, #tpu.memory_space<vmem>>, vector<16xf32>,
    tpu.vector_store %arg7[%swap3A_444], %broadcast_in_dim3A_3 {strides = array<i32>} : memref<4096xf32, #tpu.memory_space<vmem>>, vector<16xf32>,
    %swap3A_446 = arith.constant 3504 : index
    %swap3A_447 = tpu.vector_load %arg7[%swap3A_446] {strides = array<i32>} : memref<4096xf32, #tpu.memory_space<vmem>>, vector<16xf32>,
    tpu.vector_store %arg7[%swap3A_446], %broadcast_in_dim3A_3 {strides = array<i32>} : memref<4096xf32, #tpu.memory_space<vmem>>, vector<16xf32>,
    %swap3A_448 = arith.constant 3520 : index
    %swap3A_449 = tpu.vector_load %arg7[%swap3A_448] {strides = array<i32>} : memref<4096xf32, #tpu.memory_space<vmem>>, vector<16xf32>,
    tpu.vector_store %arg7[%swap3A_448], %broadcast_in_dim3A_3 {strides = array<i32>} : memref<4096xf32, #tpu.memory_space<vmem>>, vector<16xf32>,
    %swap3A_450 = arith.constant 3536 : index
    %swap3A_451 = tpu.vector_load %arg7[%swap3A_450] {strides = array<i32>} : memref<4096xf32, #tpu.memory_space<vmem>>, vector<16xf32>,
    tpu.vector_store %arg7[%swap3A_450], %broadcast_in_dim3A_3 {strides = array<i32>} : memref<4096xf32, #tpu.memory_space<vmem>>, vector<16xf32>,
    %swap3A_452 = arith.constant 3552 : index
    %swap3A_453 = tpu.vector_load %arg7[%swap3A_452] {strides = array<i32>} : memref<4096xf32, #tpu.memory_space<vmem>>, vector<16xf32>,
    tpu.vector_store %arg7[%swap3A_452], %broadcast_in_dim3A_3 {strides = array<i32>} : memref<4096xf32, #tpu.memory_space<vmem>>, vector<16xf32>,
    %swap3A_454 = arith.constant 3568 : index
    %swap3A_455 = tpu.vector_load %arg7[%swap3A_454] {strides = array<i32>} : memref<4096xf32, #tpu.memory_space<vmem>>, vector<16xf32>,
    tpu.vector_store %arg7[%swap3A_454], %broadcast_in_dim3A_3 {strides = array<i32>} : memref<4096xf32, #tpu.memory_space<vmem>>, vector<16xf32>,
    %swap3A_456 = arith.constant 3584 : index
    %swap3A_457 = tpu.vector_load %arg7[%swap3A_456] {strides = array<i32>} : memref<4096xf32, #tpu.memory_space<vmem>>, vector<16xf32>,
    tpu.vector_store %arg7[%swap3A_456], %broadcast_in_dim3A_3 {strides = array<i32>} : memref<4096xf32, #tpu.memory_space<vmem>>, vector<16xf32>,
    %swap3A_458 = arith.constant 3600 : index
    %swap3A_459 = tpu.vector_load %arg7[%swap3A_458] {strides = array<i32>} : memref<4096xf32, #tpu.memory_space<vmem>>, vector<16xf32>,
    tpu.vector_store %arg7[%swap3A_458], %broadcast_in_dim3A_3 {strides = array<i32>} : memref<4096xf32, #tpu.memory_space<vmem>>, vector<16xf32>,
    %swap3A_460 = arith.constant 3616 : index
    %swap3A_461 = tpu.vector_load %arg7[%swap3A_460] {strides = array<i32>} : memref<4096xf32, #tpu.memory_space<vmem>>, vector<16xf32>,
    tpu.vector_store %arg7[%swap3A_460], %broadcast_in_dim3A_3 {strides = array<i32>} : memref<4096xf32, #tpu.memory_space<vmem>>, vector<16xf32>,
    %swap3A_462 = arith.constant 3632 : index
    %swap3A_463 = tpu.vector_load %arg7[%swap3A_462] {strides = array<i32>} : memref<4096xf32, #tpu.memory_space<vmem>>, vector<16xf32>,
    tpu.vector_store %arg7[%swap3A_462], %broadcast_in_dim3A_3 {strides = array<i32>} : memref<4096xf32, #tpu.memory_space<vmem>>, vector<16xf32>,
    %swap3A_464 = arith.constant 3648 : index
    %swap3A_465 = tpu.vector_load %arg7[%swap3A_464] {strides = array<i32>} : memref<4096xf32, #tpu.memory_space<vmem>>, vector<16xf32>,
    tpu.vector_store %arg7[%swap3A_464], %broadcast_in_dim3A_3 {strides = array<i32>} : memref<4096xf32, #tpu.memory_space<vmem>>, vector<16xf32>,
    %swap3A_466 = arith.constant 3664 : index
    %swap3A_467 = tpu.vector_load %arg7[%swap3A_466] {strides = array<i32>} : memref<4096xf32, #tpu.memory_space<vmem>>, vector<16xf32>,
    tpu.vector_store %arg7[%swap3A_466], %broadcast_in_dim3A_3 {strides = array<i32>} : memref<4096xf32, #tpu.memory_space<vmem>>, vector<16xf32>,
    %swap3A_468 = arith.constant 3680 : index
    %swap3A_469 = tpu.vector_load %arg7[%swap3A_468] {strides = array<i32>} : memref<4096xf32, #tpu.memory_space<vmem>>, vector<16xf32>,
    tpu.vector_store %arg7[%swap3A_468], %broadcast_in_dim3A_3 {strides = array<i32>} : memref<4096xf32, #tpu.memory_space<vmem>>, vector<16xf32>,
    %swap3A_470 = arith.constant 3696 : index
    %swap3A_471 = tpu.vector_load %arg7[%swap3A_470] {strides = array<i32>} : memref<4096xf32, #tpu.memory_space<vmem>>, vector<16xf32>,
    tpu.vector_store %arg7[%swap3A_470], %broadcast_in_dim3A_3 {strides = array<i32>} : memref<4096xf32, #tpu.memory_space<vmem>>, vector<16xf32>,
    %swap3A_472 = arith.constant 3712 : index
    %swap3A_473 = tpu.vector_load %arg7[%swap3A_472] {strides = array<i32>} : memref<4096xf32, #tpu.memory_space<vmem>>, vector<16xf32>,
    tpu.vector_store %arg7[%swap3A_472], %broadcast_in_dim3A_3 {strides = array<i32>} : memref<4096xf32, #tpu.memory_space<vmem>>, vector<16xf32>,
    %swap3A_474 = arith.constant 3728 : index
    %swap3A_475 = tpu.vector_load %arg7[%swap3A_474] {strides = array<i32>} : memref<4096xf32, #tpu.memory_space<vmem>>, vector<16xf32>,
    tpu.vector_store %arg7[%swap3A_474], %broadcast_in_dim3A_3 {strides = array<i32>} : memref<4096xf32, #tpu.memory_space<vmem>>, vector<16xf32>,
    %swap3A_476 = arith.constant 3744 : index
    %swap3A_477 = tpu.vector_load %arg7[%swap3A_476] {strides = array<i32>} : memref<4096xf32, #tpu.memory_space<vmem>>, vector<16xf32>,
    tpu.vector_store %arg7[%swap3A_476], %broadcast_in_dim3A_3 {strides = array<i32>} : memref<4096xf32, #tpu.memory_space<vmem>>, vector<16xf32>,
    %swap3A_478 = arith.constant 3760 : index
    %swap3A_479 = tpu.vector_load %arg7[%swap3A_478] {strides = array<i32>} : memref<4096xf32, #tpu.memory_space<vmem>>, vector<16xf32>,
    tpu.vector_store %arg7[%swap3A_478], %broadcast_in_dim3A_3 {strides = array<i32>} : memref<4096xf32, #tpu.memory_space<vmem>>, vector<16xf32>,
    %swap3A_480 = arith.constant 3776 : index
    %swap3A_481 = tpu.vector_load %arg7[%swap3A_480] {strides = array<i32>} : memref<4096xf32, #tpu.memory_space<vmem>>, vector<16xf32>,
    tpu.vector_store %arg7[%swap3A_480], %broadcast_in_dim3A_3 {strides = array<i32>} : memref<4096xf32, #tpu.memory_space<vmem>>, vector<16xf32>,
    %swap3A_482 = arith.constant 3792 : index
    %swap3A_483 = tpu.vector_load %arg7[%swap3A_482] {strides = array<i32>} : memref<4096xf32, #tpu.memory_space<vmem>>, vector<16xf32>,
    tpu.vector_store %arg7[%swap3A_482], %broadcast_in_dim3A_3 {strides = array<i32>} : memref<4096xf32, #tpu.memory_space<vmem>>, vector<16xf32>,
    %swap3A_484 = arith.constant 3808 : index
    %swap3A_485 = tpu.vector_load %arg7[%swap3A_484] {strides = array<i32>} : memref<4096xf32, #tpu.memory_space<vmem>>, vector<16xf32>,
    tpu.vector_store %arg7[%swap3A_484], %broadcast_in_dim3A_3 {strides = array<i32>} : memref<4096xf32, #tpu.memory_space<vmem>>, vector<16xf32>,
    %swap3A_486 = arith.constant 3824 : index
    %swap3A_487 = tpu.vector_load %arg7[%swap3A_486] {strides = array<i32>} : memref<4096xf32, #tpu.memory_space<vmem>>, vector<16xf32>,
    tpu.vector_store %arg7[%swap3A_486], %broadcast_in_dim3A_3 {strides = array<i32>} : memref<4096xf32, #tpu.memory_space<vmem>>, vector<16xf32>,
    %swap3A_488 = arith.constant 3840 : index
    %swap3A_489 = tpu.vector_load %arg7[%swap3A_488] {strides = array<i32>} : memref<4096xf32, #tpu.memory_space<vmem>>, vector<16xf32>,
    tpu.vector_store %arg7[%swap3A_488], %broadcast_in_dim3A_3 {strides = array<i32>} : memref<4096xf32, #tpu.memory_space<vmem>>, vector<16xf32>,
    %swap3A_490 = arith.constant 3856 : index
    %swap3A_491 = tpu.vector_load %arg7[%swap3A_490] {strides = array<i32>} : memref<4096xf32, #tpu.memory_space<vmem>>, vector<16xf32>,
    tpu.vector_store %arg7[%swap3A_490], %broadcast_in_dim3A_3 {strides = array<i32>} : memref<4096xf32, #tpu.memory_space<vmem>>, vector<16xf32>,
    %swap3A_492 = arith.constant 3872 : index
    %swap3A_493 = tpu.vector_load %arg7[%swap3A_492] {strides = array<i32>} : memref<4096xf32, #tpu.memory_space<vmem>>, vector<16xf32>,
    tpu.vector_store %arg7[%swap3A_492], %broadcast_in_dim3A_3 {strides = array<i32>} : memref<4096xf32, #tpu.memory_space<vmem>>, vector<16xf32>,
    %swap3A_494 = arith.constant 3888 : index
    %swap3A_495 = tpu.vector_load %arg7[%swap3A_494] {strides = array<i32>} : memref<4096xf32, #tpu.memory_space<vmem>>, vector<16xf32>,
    tpu.vector_store %arg7[%swap3A_494], %broadcast_in_dim3A_3 {strides = array<i32>} : memref<4096xf32, #tpu.memory_space<vmem>>, vector<16xf32>,
    %swap3A_496 = arith.constant 3904 : index
    %swap3A_497 = tpu.vector_load %arg7[%swap3A_496] {strides = array<i32>} : memref<4096xf32, #tpu.memory_space<vmem>>, vector<16xf32>,
    tpu.vector_store %arg7[%swap3A_496], %broadcast_in_dim3A_3 {strides = array<i32>} : memref<4096xf32, #tpu.memory_space<vmem>>, vector<16xf32>,
    %swap3A_498 = arith.constant 3920 : index
    %swap3A_499 = tpu.vector_load %arg7[%swap3A_498] {strides = array<i32>} : memref<4096xf32, #tpu.memory_space<vmem>>, vector<16xf32>,
    tpu.vector_store %arg7[%swap3A_498], %broadcast_in_dim3A_3 {strides = array<i32>} : memref<4096xf32, #tpu.memory_space<vmem>>, vector<16xf32>,
    %swap3A_500 = arith.constant 3936 : index
    %swap3A_501 = tpu.vector_load %arg7[%swap3A_500] {strides = array<i32>} : memref<4096xf32, #tpu.memory_space<vmem>>, vector<16xf32>,
    tpu.vector_store %arg7[%swap3A_500], %broadcast_in_dim3A_3 {strides = array<i32>} : memref<4096xf32, #tpu.memory_space<vmem>>, vector<16xf32>,
    %swap3A_502 = arith.constant 3952 : index
    %swap3A_503 = tpu.vector_load %arg7[%swap3A_502] {strides = array<i32>} : memref<4096xf32, #tpu.memory_space<vmem>>, vector<16xf32>,
    tpu.vector_store %arg7[%swap3A_502], %broadcast_in_dim3A_3 {strides = array<i32>} : memref<4096xf32, #tpu.memory_space<vmem>>, vector<16xf32>,
    %swap3A_504 = arith.constant 3968 : index
    %swap3A_505 = tpu.vector_load %arg7[%swap3A_504] {strides = array<i32>} : memref<4096xf32, #tpu.memory_space<vmem>>, vector<16xf32>,
    tpu.vector_store %arg7[%swap3A_504], %broadcast_in_dim3A_3 {strides = array<i32>} : memref<4096xf32, #tpu.memory_space<vmem>>, vector<16xf32>,
    %swap3A_506 = arith.constant 3984 : index
    %swap3A_507 = tpu.vector_load %arg7[%swap3A_506] {strides = array<i32>} : memref<4096xf32, #tpu.memory_space<vmem>>, vector<16xf32>,
    tpu.vector_store %arg7[%swap3A_506], %broadcast_in_dim3A_3 {strides = array<i32>} : memref<4096xf32, #tpu.memory_space<vmem>>, vector<16xf32>,
    %swap3A_508 = arith.constant 4000 : index
    %swap3A_509 = tpu.vector_load %arg7[%swap3A_508] {strides = array<i32>} : memref<4096xf32, #tpu.memory_space<vmem>>, vector<16xf32>,
    tpu.vector_store %arg7[%swap3A_508], %broadcast_in_dim3A_3 {strides = array<i32>} : memref<4096xf32, #tpu.memory_space<vmem>>, vector<16xf32>,
    %swap3A_510 = arith.constant 4016 : index
    %swap3A_511 = tpu.vector_load %arg7[%swap3A_510] {strides = array<i32>} : memref<4096xf32, #tpu.memory_space<vmem>>, vector<16xf32>,
    tpu.vector_store %arg7[%swap3A_510], %broadcast_in_dim3A_3 {strides = array<i32>} : memref<4096xf32, #tpu.memory_space<vmem>>, vector<16xf32>,
    %swap3A_512 = arith.constant 4032 : index
    %swap3A_513 = tpu.vector_load %arg7[%swap3A_512] {strides = array<i32>} : memref<4096xf32, #tpu.memory_space<vmem>>, vector<16xf32>,
    tpu.vector_store %arg7[%swap3A_512], %broadcast_in_dim3A_3 {strides = array<i32>} : memref<4096xf32, #tpu.memory_space<vmem>>, vector<16xf32>,
    %swap3A_514 = arith.constant 4048 : index
    %swap3A_515 = tpu.vector_load %arg7[%swap3A_514] {strides = array<i32>} : memref<4096xf32, #tpu.memory_space<vmem>>, vector<16xf32>,
    tpu.vector_store %arg7[%swap3A_514], %broadcast_in_dim3A_3 {strides = array<i32>} : memref<4096xf32, #tpu.memory_space<vmem>>, vector<16xf32>,
    %swap3A_516 = arith.constant 4064 : index
    %swap3A_517 = tpu.vector_load %arg7[%swap3A_516] {strides = array<i32>} : memref<4096xf32, #tpu.memory_space<vmem>>, vector<16xf32>,
    tpu.vector_store %arg7[%swap3A_516], %broadcast_in_dim3A_3 {strides = array<i32>} : memref<4096xf32, #tpu.memory_space<vmem>>, vector<16xf32>,
    %swap3A_518 = arith.constant 4080 : index
    %swap3A_519 = tpu.vector_load %arg7[%swap3A_518] {strides = array<i32>} : memref<4096xf32, #tpu.memory_space<vmem>>, vector<16xf32>,
    tpu.vector_store %arg7[%swap3A_518], %broadcast_in_dim3A_3 {strides = array<i32>} : memref<4096xf32, #tpu.memory_space<vmem>>, vector<16xf32>,
    "tpu.region"() ({
      %run_scoped3A = tpu.sem_alloc : memref<!tpu.dma_semaphore, #tpu.memory_space<semaphore_mem>>
      %dma_start3A_565 = tpu.memref_slice %arg3[%mul3A_2] : memref<16384xi32, #tpu.memory_space<hbm>> -> memref<128xi32, #tpu.memory_space<hbm>>
      %dma_start3A_566 = tpu.memref_slice %arg3[%mul3A_2] : memref<16384xi32, #tpu.memory_space<hbm>> -> memref<128xi32, #tpu.memory_space<hbm>>
      tpu.enqueue_dma source(%dma_start3A_566 : memref<128xi32, #tpu.memory_space<hbm>>) target(%arg8 : memref<128xi32, #tpu.memory_space<vmem>>) target_semaphore(%run_scoped3A : memref<!tpu.dma_semaphore, #tpu.memory_space<semaphore_mem>>)
      %dma_wait3A_567 = tpu.memref_slice %arg3[%mul3A_2] : memref<16384xi32, #tpu.memory_space<hbm>> -> memref<128xi32, #tpu.memory_space<hbm>>
      %dma_wait3A_568 = tpu.memref_slice %arg3[%mul3A_2] : memref<16384xi32, #tpu.memory_space<hbm>> -> memref<128xi32, #tpu.memory_space<hbm>>
      tpu.wait_dma2 semaphore(%run_scoped3A : memref<!tpu.dma_semaphore, #tpu.memory_space<semaphore_mem>>) src(%dma_wait3A_568 : memref<128xi32, #tpu.memory_space<hbm>>) dst(%arg8 : memref<128xi32, #tpu.memory_space<vmem>>)
      tpu.yield
    }) : () -> ()
    %add3A_520 = arith.constant 0 : i32
    %add3A_521 = vector.broadcast %add3A_520 : i32 to vector<16xi32>
    %add3A_522 = arith.addi %iota3A, %add3A_521 : vector<16xi32>
    %add3A_523 = arith.constant 16 : i32
    %add3A_524 = vector.broadcast %add3A_523 : i32 to vector<16xi32>
    %add3A_525 = arith.addi %iota3A, %add3A_524 : vector<16xi32>
    %add3A_526 = arith.constant 32 : i32
    %add3A_527 = vector.broadcast %add3A_526 : i32 to vector<16xi32>
    %add3A_528 = arith.addi %iota3A, %add3A_527 : vector<16xi32>
    %add3A_529 = arith.constant 48 : i32
    %add3A_530 = vector.broadcast %add3A_529 : i32 to vector<16xi32>
    %add3A_531 = arith.addi %iota3A, %add3A_530 : vector<16xi32>
    %add3A_532 = arith.constant 64 : i32
    %add3A_533 = vector.broadcast %add3A_532 : i32 to vector<16xi32>
    %add3A_534 = arith.addi %iota3A, %add3A_533 : vector<16xi32>
    %add3A_535 = arith.constant 80 : i32
    %add3A_536 = vector.broadcast %add3A_535 : i32 to vector<16xi32>
    %add3A_537 = arith.addi %iota3A, %add3A_536 : vector<16xi32>
    %add3A_538 = arith.constant 96 : i32
    %add3A_539 = vector.broadcast %add3A_538 : i32 to vector<16xi32>
    %add3A_540 = arith.addi %iota3A, %add3A_539 : vector<16xi32>
    %add3A_541 = arith.constant 112 : i32
    %add3A_542 = vector.broadcast %add3A_541 : i32 to vector<16xi32>
    %add3A_543 = arith.addi %iota3A, %add3A_542 : vector<16xi32>
    %add3A_544 = arith.constant 128 : i32
    %add3A_545 = vector.broadcast %add3A_544 : i32 to vector<16xi32>
    %add3A_546 = arith.addi %iota3A, %add3A_545 : vector<16xi32>
    %dma_wait3A = arith.constant 0 : i32
    %dma_wait3A_547 = tpu.memref_slice %arg2[%add3A_5, %dma_wait3A] : memref<16384x128xf32, #tpu.memory_space<hbm>> -> memref<64x128xf32, #tpu.memory_space<hbm>>
    %dma_wait3A_548 = arith.constant 0 : i32
    %dma_wait3A_549 = tpu.memref_slice %arg2[%add3A_5, %dma_wait3A_548] : memref<16384x128xf32, #tpu.memory_space<hbm>> -> memref<64x128xf32, #tpu.memory_space<hbm>>
    tpu.wait_dma2 semaphore(%arg9 : memref<!tpu.dma_semaphore, #tpu.memory_space<semaphore_mem>>) src(%dma_wait3A_549 : memref<64x128xf32, #tpu.memory_space<hbm>>) dst(%arg5 : memref<64x128xf32, #tpu.memory_space<vmem>>)
    %add3A_550 = arith.constant 64 : i32
    %add3A_551 = arith.addi %mul3A_2, %add3A_550 : i32
    %dma_start3A_552 = arith.constant 0 : i32
    %dma_start3A_553 = tpu.memref_slice %arg2[%add3A_551, %dma_start3A_552] : memref<16384x128xf32, #tpu.memory_space<hbm>> -> memref<64x128xf32, #tpu.memory_space<hbm>>
    %dma_start3A_554 = arith.constant 0 : i32
    %dma_start3A_555 = tpu.memref_slice %arg2[%add3A_551, %dma_start3A_554] : memref<16384x128xf32, #tpu.memory_space<hbm>> -> memref<64x128xf32, #tpu.memory_space<hbm>>
    tpu.enqueue_dma source(%dma_start3A_555 : memref<64x128xf32, #tpu.memory_space<hbm>>) target(%arg6 : memref<64x128xf32, #tpu.memory_space<vmem>>) target_semaphore(%arg10 : memref<!tpu.dma_semaphore, #tpu.memory_space<semaphore_mem>>)
    %parallel_loop3A = arith.constant 0 : i32
    %parallel_loop3A_556 = arith.constant 64 : i32
    %parallel_loop3A_557 = arith.constant 1 : i32
    scf.for %parallel_loop3A_565 = %parallel_loop3A to %parallel_loop3A_556 step %parallel_loop3A_557  : i32 {
      %parallel_loop3A_566 = arith.constant 0 : i32
      %parallel_loop3A_567 = vector.broadcast %parallel_loop3A_566 : i32 to vector<16xi32>
      %parallel_loop3A_568 = vector.broadcast %parallel_loop3A_565 : i32 to vector<16xi32>
      %parallel_loop3A_569 = arith.addi %parallel_loop3A_567, %parallel_loop3A_568 : vector<16xi32>
      %parallel_loop3A_570 = tpu.vector_load_idx %arg8[%parallel_loop3A_569] : memref<128xi32, #tpu.memory_space<vmem>>[vector<16xi32>], vector<16xi32>,
      %parallel_loop3A_571 = arith.index_cast %parallel_loop3A_565 : i32 to index
      %parallel_loop3A_572 = arith.constant 0 : index
      %parallel_loop3A_573 = tpu.vector_load %arg5[%parallel_loop3A_571, %parallel_loop3A_572] {strides = array<i32>} : memref<64x128xf32, #tpu.memory_space<vmem>>, vector<16xf32>,
      %parallel_loop3A_574 = arith.index_cast %parallel_loop3A_565 : i32 to index
      %parallel_loop3A_575 = arith.constant 16 : index
      %parallel_loop3A_576 = tpu.vector_load %arg5[%parallel_loop3A_574, %parallel_loop3A_575] {strides = array<i32>} : memref<64x128xf32, #tpu.memory_space<vmem>>, vector<16xf32>,
      %parallel_loop3A_577 = arith.index_cast %parallel_loop3A_565 : i32 to index
      %parallel_loop3A_578 = arith.constant 32 : index
      %parallel_loop3A_579 = tpu.vector_load %arg5[%parallel_loop3A_577, %parallel_loop3A_578] {strides = array<i32>} : memref<64x128xf32, #tpu.memory_space<vmem>>, vector<16xf32>,
      %parallel_loop3A_580 = arith.index_cast %parallel_loop3A_565 : i32 to index
      %parallel_loop3A_581 = arith.constant 48 : index
      %parallel_loop3A_582 = tpu.vector_load %arg5[%parallel_loop3A_580, %parallel_loop3A_581] {strides = array<i32>} : memref<64x128xf32, #tpu.memory_space<vmem>>, vector<16xf32>,
      %parallel_loop3A_583 = arith.index_cast %parallel_loop3A_565 : i32 to index
      %parallel_loop3A_584 = arith.constant 64 : index
      %parallel_loop3A_585 = tpu.vector_load %arg5[%parallel_loop3A_583, %parallel_loop3A_584] {strides = array<i32>} : memref<64x128xf32, #tpu.memory_space<vmem>>, vector<16xf32>,
      %parallel_loop3A_586 = arith.index_cast %parallel_loop3A_565 : i32 to index
      %parallel_loop3A_587 = arith.constant 80 : index
      %parallel_loop3A_588 = tpu.vector_load %arg5[%parallel_loop3A_586, %parallel_loop3A_587] {strides = array<i32>} : memref<64x128xf32, #tpu.memory_space<vmem>>, vector<16xf32>,
      %parallel_loop3A_589 = arith.index_cast %parallel_loop3A_565 : i32 to index
      %parallel_loop3A_590 = arith.constant 96 : index
      %parallel_loop3A_591 = tpu.vector_load %arg5[%parallel_loop3A_589, %parallel_loop3A_590] {strides = array<i32>} : memref<64x128xf32, #tpu.memory_space<vmem>>, vector<16xf32>,
      %parallel_loop3A_592 = arith.index_cast %parallel_loop3A_565 : i32 to index
      %parallel_loop3A_593 = arith.constant 112 : index
      %parallel_loop3A_594 = tpu.vector_load %arg5[%parallel_loop3A_592, %parallel_loop3A_593] {strides = array<i32>} : memref<64x128xf32, #tpu.memory_space<vmem>>, vector<16xf32>,
      %parallel_loop3A_595 = arith.mulf %parallel_loop3A_573, %parallel_loop3A_573 : vector<16xf32>
      %parallel_loop3A_596 = arith.mulf %parallel_loop3A_576, %parallel_loop3A_576 : vector<16xf32>
      %parallel_loop3A_597 = arith.addf %parallel_loop3A_595, %parallel_loop3A_596 : vector<16xf32>
      %parallel_loop3A_598 = arith.mulf %parallel_loop3A_579, %parallel_loop3A_579 : vector<16xf32>
      %parallel_loop3A_599 = arith.mulf %parallel_loop3A_582, %parallel_loop3A_582 : vector<16xf32>
      %parallel_loop3A_600 = arith.addf %parallel_loop3A_598, %parallel_loop3A_599 : vector<16xf32>
      %parallel_loop3A_601 = arith.mulf %parallel_loop3A_585, %parallel_loop3A_585 : vector<16xf32>
      %parallel_loop3A_602 = arith.mulf %parallel_loop3A_588, %parallel_loop3A_588 : vector<16xf32>
      %parallel_loop3A_603 = arith.addf %parallel_loop3A_601, %parallel_loop3A_602 : vector<16xf32>
      %parallel_loop3A_604 = arith.mulf %parallel_loop3A_591, %parallel_loop3A_591 : vector<16xf32>
      %parallel_loop3A_605 = arith.mulf %parallel_loop3A_594, %parallel_loop3A_594 : vector<16xf32>
      %parallel_loop3A_606 = arith.addf %parallel_loop3A_604, %parallel_loop3A_605 : vector<16xf32>
      %parallel_loop3A_607 = arith.addf %parallel_loop3A_597, %parallel_loop3A_600 : vector<16xf32>
      %parallel_loop3A_608 = arith.addf %parallel_loop3A_603, %parallel_loop3A_606 : vector<16xf32>
      %parallel_loop3A_609 = arith.addf %parallel_loop3A_607, %parallel_loop3A_608 : vector<16xf32>
      %parallel_loop3A_610 = arith.constant true
      %parallel_loop3A_611 = vector.broadcast %parallel_loop3A_610 : i1 to vector<16xi1>
      %parallel_loop3A_612 = tpu.scan <sum>, %parallel_loop3A_609 masked %parallel_loop3A_611 : vector<16xf32>, vector<16xi1> -> vector<16xf32>
      %parallel_loop3A_613 = arith.constant 15 : i32
      %parallel_loop3A_614 = vector.broadcast %parallel_loop3A_613 : i32 to vector<16x1xi32>
      %parallel_loop3A_615 = vector.shape_cast %parallel_loop3A_614 : vector<16x1xi32> to vector<16xi32>
      %parallel_loop3A_616 = tpu.dynamic_gather %parallel_loop3A_612[%parallel_loop3A_615] in [0] : vector<16xf32>, vector<16xi32> -> vector<16xf32>
      %parallel_loop3A_617 = tpu.bitcast %parallel_loop3A_616 : vector<16xf32> -> vector<16xi32>
      %parallel_loop3A_618 = arith.constant 1 : i32
      %parallel_loop3A_619 = vector.broadcast %parallel_loop3A_618 : i32 to vector<16xi32>
      %parallel_loop3A_620 = arith.shrsi %parallel_loop3A_617, %parallel_loop3A_619 : vector<16xi32>
      %parallel_loop3A_621 = arith.constant 1597463007 : i32
      %parallel_loop3A_622 = vector.broadcast %parallel_loop3A_621 : i32 to vector<16xi32>
      %parallel_loop3A_623 = arith.subi %parallel_loop3A_622, %parallel_loop3A_620 : vector<16xi32>
      %parallel_loop3A_624 = tpu.bitcast %parallel_loop3A_623 : vector<16xi32> -> vector<16xf32>
      %parallel_loop3A_625 = arith.constant -5.000000e-01 : f32
      %parallel_loop3A_626 = vector.broadcast %parallel_loop3A_625 : f32 to vector<16xf32>
      %parallel_loop3A_627 = arith.mulf %parallel_loop3A_616, %parallel_loop3A_626 : vector<16xf32>
      %parallel_loop3A_628 = arith.mulf %parallel_loop3A_627, %parallel_loop3A_624 : vector<16xf32>
      %parallel_loop3A_629 = arith.mulf %parallel_loop3A_628, %parallel_loop3A_624 : vector<16xf32>
      %parallel_loop3A_630 = arith.constant 1.500000e+00 : f32
      %parallel_loop3A_631 = vector.broadcast %parallel_loop3A_630 : f32 to vector<16xf32>
      %parallel_loop3A_632 = arith.addf %parallel_loop3A_631, %parallel_loop3A_629 : vector<16xf32>
      %parallel_loop3A_633 = arith.mulf %parallel_loop3A_624, %parallel_loop3A_632 : vector<16xf32>
      %parallel_loop3A_634 = arith.mulf %parallel_loop3A_627, %parallel_loop3A_633 : vector<16xf32>
      %parallel_loop3A_635 = arith.mulf %parallel_loop3A_634, %parallel_loop3A_633 : vector<16xf32>
      %parallel_loop3A_636 = arith.constant 1.500000e+00 : f32
      %parallel_loop3A_637 = vector.broadcast %parallel_loop3A_636 : f32 to vector<16xf32>
      %parallel_loop3A_638 = arith.addf %parallel_loop3A_637, %parallel_loop3A_635 : vector<16xf32>
      %parallel_loop3A_639 = arith.mulf %parallel_loop3A_633, %parallel_loop3A_638 : vector<16xf32>
      %parallel_loop3A_640 = arith.constant 9.99999995E+11 : f32
      %parallel_loop3A_641 = vector.broadcast %parallel_loop3A_640 : f32 to vector<16xf32>
      %parallel_loop3A_642 = arith.minimumf %parallel_loop3A_639, %parallel_loop3A_641 : vector<16xf32>
      %parallel_loop3A_643 = arith.mulf %parallel_loop3A_616, %parallel_loop3A_642 : vector<16xf32>
      %parallel_loop3A_644 = arith.mulf %parallel_loop3A_643, %parallel_loop3A_642 : vector<16xf32>
      %parallel_loop3A_645 = arith.constant 0 : i32
      %parallel_loop3A_646 = vector.broadcast %parallel_loop3A_645 : i32 to vector<16xi32>
      %parallel_loop3A_647 = arith.cmpi eq, %iota3A, %parallel_loop3A_646 : vector<16xi32>
      %parallel_loop3A_648 = arith.constant 1 : i32
      %parallel_loop3A_649 = vector.broadcast %parallel_loop3A_648 : i32 to vector<16xi32>
      %parallel_loop3A_650 = arith.cmpi eq, %iota3A, %parallel_loop3A_649 : vector<16xi32>
      %parallel_loop3A_651 = arith.constant 1.000000e+00 : f32
      %parallel_loop3A_652 = arith.constant 0.000000e+00 : f32
      %parallel_loop3A_653 = vector.broadcast %parallel_loop3A_651 : f32 to vector<16xf32>
      %parallel_loop3A_654 = vector.broadcast %parallel_loop3A_652 : f32 to vector<16xf32>
      %parallel_loop3A_655 = arith.select %parallel_loop3A_650, %parallel_loop3A_653, %parallel_loop3A_654 : vector<16xi1>, vector<16xf32>
      %parallel_loop3A_656 = arith.select %parallel_loop3A_647, %parallel_loop3A_644, %parallel_loop3A_655 : vector<16xi1>, vector<16xf32>
      %parallel_loop3A_657 = arith.constant 256 : i32
      %parallel_loop3A_658 = vector.broadcast %parallel_loop3A_657 : i32 to vector<16xi32>
      %parallel_loop3A_659 = arith.muli %parallel_loop3A_570, %parallel_loop3A_658 : vector<16xi32>
      %parallel_loop3A_660 = arith.addi %parallel_loop3A_659, %add3A_522 : vector<16xi32>
      %parallel_loop3A_661 = arith.mulf %parallel_loop3A_573, %parallel_loop3A_642 : vector<16xf32>
      tpu.vector_store_idx %arg7[%parallel_loop3A_660], %parallel_loop3A_661 {add = true} : memref<4096xf32, #tpu.memory_space<vmem>>[vector<16xi32>], vector<16xf32>,
      %parallel_loop3A_662 = arith.addi %parallel_loop3A_659, %add3A_525 : vector<16xi32>
      %parallel_loop3A_663 = arith.mulf %parallel_loop3A_576, %parallel_loop3A_642 : vector<16xf32>
      tpu.vector_store_idx %arg7[%parallel_loop3A_662], %parallel_loop3A_663 {add = true} : memref<4096xf32, #tpu.memory_space<vmem>>[vector<16xi32>], vector<16xf32>,
      %parallel_loop3A_664 = arith.addi %parallel_loop3A_659, %add3A_528 : vector<16xi32>
      %parallel_loop3A_665 = arith.mulf %parallel_loop3A_579, %parallel_loop3A_642 : vector<16xf32>
      tpu.vector_store_idx %arg7[%parallel_loop3A_664], %parallel_loop3A_665 {add = true} : memref<4096xf32, #tpu.memory_space<vmem>>[vector<16xi32>], vector<16xf32>,
      %parallel_loop3A_666 = arith.addi %parallel_loop3A_659, %add3A_531 : vector<16xi32>
      %parallel_loop3A_667 = arith.mulf %parallel_loop3A_582, %parallel_loop3A_642 : vector<16xf32>
      tpu.vector_store_idx %arg7[%parallel_loop3A_666], %parallel_loop3A_667 {add = true} : memref<4096xf32, #tpu.memory_space<vmem>>[vector<16xi32>], vector<16xf32>,
      %parallel_loop3A_668 = arith.addi %parallel_loop3A_659, %add3A_534 : vector<16xi32>
      %parallel_loop3A_669 = arith.mulf %parallel_loop3A_585, %parallel_loop3A_642 : vector<16xf32>
      tpu.vector_store_idx %arg7[%parallel_loop3A_668], %parallel_loop3A_669 {add = true} : memref<4096xf32, #tpu.memory_space<vmem>>[vector<16xi32>], vector<16xf32>,
      %parallel_loop3A_670 = arith.addi %parallel_loop3A_659, %add3A_537 : vector<16xi32>
      %parallel_loop3A_671 = arith.mulf %parallel_loop3A_588, %parallel_loop3A_642 : vector<16xf32>
      tpu.vector_store_idx %arg7[%parallel_loop3A_670], %parallel_loop3A_671 {add = true} : memref<4096xf32, #tpu.memory_space<vmem>>[vector<16xi32>], vector<16xf32>,
      %parallel_loop3A_672 = arith.addi %parallel_loop3A_659, %add3A_540 : vector<16xi32>
      %parallel_loop3A_673 = arith.mulf %parallel_loop3A_591, %parallel_loop3A_642 : vector<16xf32>
      tpu.vector_store_idx %arg7[%parallel_loop3A_672], %parallel_loop3A_673 {add = true} : memref<4096xf32, #tpu.memory_space<vmem>>[vector<16xi32>], vector<16xf32>,
      %parallel_loop3A_674 = arith.addi %parallel_loop3A_659, %add3A_543 : vector<16xi32>
      %parallel_loop3A_675 = arith.mulf %parallel_loop3A_594, %parallel_loop3A_642 : vector<16xf32>
      tpu.vector_store_idx %arg7[%parallel_loop3A_674], %parallel_loop3A_675 {add = true} : memref<4096xf32, #tpu.memory_space<vmem>>[vector<16xi32>], vector<16xf32>,
      %parallel_loop3A_676 = arith.addi %parallel_loop3A_659, %add3A_546 : vector<16xi32>
      tpu.vector_store_idx %arg7[%parallel_loop3A_676], %parallel_loop3A_656 {add = true} : memref<4096xf32, #tpu.memory_space<vmem>>[vector<16xi32>], vector<16xf32>,
    } {sc.loop_unroll_factor = 8 : i64, sc.parallel_access}
    %dma_wait3A_558 = arith.constant 0 : i32
    %dma_wait3A_559 = tpu.memref_slice %arg2[%add3A_551, %dma_wait3A_558] : memref<16384x128xf32, #tpu.memory_space<hbm>> -> memref<64x128xf32, #tpu.memory_space<hbm>>
    %dma_wait3A_560 = arith.constant 0 : i32
    %dma_wait3A_561 = tpu.memref_slice %arg2[%add3A_551, %dma_wait3A_560] : memref<16384x128xf32, #tpu.memory_space<hbm>> -> memref<64x128xf32, #tpu.memory_space<hbm>>
    tpu.wait_dma2 semaphore(%arg10 : memref<!tpu.dma_semaphore, #tpu.memory_space<semaphore_mem>>) src(%dma_wait3A_561 : memref<64x128xf32, #tpu.memory_space<hbm>>) dst(%arg6 : memref<64x128xf32, #tpu.memory_space<vmem>>)
    %parallel_loop3A_562 = arith.constant 0 : i32
    %parallel_loop3A_563 = arith.constant 64 : i32
    %parallel_loop3A_564 = arith.constant 1 : i32
    scf.for %parallel_loop3A_565 = %parallel_loop3A_562 to %parallel_loop3A_563 step %parallel_loop3A_564  : i32 {
      %parallel_loop3A_566 = arith.constant 64 : i32
      %parallel_loop3A_567 = vector.broadcast %parallel_loop3A_566 : i32 to vector<16xi32>
      %parallel_loop3A_568 = vector.broadcast %parallel_loop3A_565 : i32 to vector<16xi32>
      %parallel_loop3A_569 = arith.addi %parallel_loop3A_567, %parallel_loop3A_568 : vector<16xi32>
      %parallel_loop3A_570 = tpu.vector_load_idx %arg8[%parallel_loop3A_569] : memref<128xi32, #tpu.memory_space<vmem>>[vector<16xi32>], vector<16xi32>,
      %parallel_loop3A_571 = arith.index_cast %parallel_loop3A_565 : i32 to index
      %parallel_loop3A_572 = arith.constant 0 : index
      %parallel_loop3A_573 = tpu.vector_load %arg6[%parallel_loop3A_571, %parallel_loop3A_572] {strides = array<i32>} : memref<64x128xf32, #tpu.memory_space<vmem>>, vector<16xf32>,
      %parallel_loop3A_574 = arith.index_cast %parallel_loop3A_565 : i32 to index
      %parallel_loop3A_575 = arith.constant 16 : index
      %parallel_loop3A_576 = tpu.vector_load %arg6[%parallel_loop3A_574, %parallel_loop3A_575] {strides = array<i32>} : memref<64x128xf32, #tpu.memory_space<vmem>>, vector<16xf32>,
      %parallel_loop3A_577 = arith.index_cast %parallel_loop3A_565 : i32 to index
      %parallel_loop3A_578 = arith.constant 32 : index
      %parallel_loop3A_579 = tpu.vector_load %arg6[%parallel_loop3A_577, %parallel_loop3A_578] {strides = array<i32>} : memref<64x128xf32, #tpu.memory_space<vmem>>, vector<16xf32>,
      %parallel_loop3A_580 = arith.index_cast %parallel_loop3A_565 : i32 to index
      %parallel_loop3A_581 = arith.constant 48 : index
      %parallel_loop3A_582 = tpu.vector_load %arg6[%parallel_loop3A_580, %parallel_loop3A_581] {strides = array<i32>} : memref<64x128xf32, #tpu.memory_space<vmem>>, vector<16xf32>,
      %parallel_loop3A_583 = arith.index_cast %parallel_loop3A_565 : i32 to index
      %parallel_loop3A_584 = arith.constant 64 : index
      %parallel_loop3A_585 = tpu.vector_load %arg6[%parallel_loop3A_583, %parallel_loop3A_584] {strides = array<i32>} : memref<64x128xf32, #tpu.memory_space<vmem>>, vector<16xf32>,
      %parallel_loop3A_586 = arith.index_cast %parallel_loop3A_565 : i32 to index
      %parallel_loop3A_587 = arith.constant 80 : index
      %parallel_loop3A_588 = tpu.vector_load %arg6[%parallel_loop3A_586, %parallel_loop3A_587] {strides = array<i32>} : memref<64x128xf32, #tpu.memory_space<vmem>>, vector<16xf32>,
      %parallel_loop3A_589 = arith.index_cast %parallel_loop3A_565 : i32 to index
      %parallel_loop3A_590 = arith.constant 96 : index
      %parallel_loop3A_591 = tpu.vector_load %arg6[%parallel_loop3A_589, %parallel_loop3A_590] {strides = array<i32>} : memref<64x128xf32, #tpu.memory_space<vmem>>, vector<16xf32>,
      %parallel_loop3A_592 = arith.index_cast %parallel_loop3A_565 : i32 to index
      %parallel_loop3A_593 = arith.constant 112 : index
      %parallel_loop3A_594 = tpu.vector_load %arg6[%parallel_loop3A_592, %parallel_loop3A_593] {strides = array<i32>} : memref<64x128xf32, #tpu.memory_space<vmem>>, vector<16xf32>,
      %parallel_loop3A_595 = arith.mulf %parallel_loop3A_573, %parallel_loop3A_573 : vector<16xf32>
      %parallel_loop3A_596 = arith.mulf %parallel_loop3A_576, %parallel_loop3A_576 : vector<16xf32>
      %parallel_loop3A_597 = arith.addf %parallel_loop3A_595, %parallel_loop3A_596 : vector<16xf32>
      %parallel_loop3A_598 = arith.mulf %parallel_loop3A_579, %parallel_loop3A_579 : vector<16xf32>
      %parallel_loop3A_599 = arith.mulf %parallel_loop3A_582, %parallel_loop3A_582 : vector<16xf32>
      %parallel_loop3A_600 = arith.addf %parallel_loop3A_598, %parallel_loop3A_599 : vector<16xf32>
      %parallel_loop3A_601 = arith.mulf %parallel_loop3A_585, %parallel_loop3A_585 : vector<16xf32>
      %parallel_loop3A_602 = arith.mulf %parallel_loop3A_588, %parallel_loop3A_588 : vector<16xf32>
      %parallel_loop3A_603 = arith.addf %parallel_loop3A_601, %parallel_loop3A_602 : vector<16xf32>
      %parallel_loop3A_604 = arith.mulf %parallel_loop3A_591, %parallel_loop3A_591 : vector<16xf32>
      %parallel_loop3A_605 = arith.mulf %parallel_loop3A_594, %parallel_loop3A_594 : vector<16xf32>
      %parallel_loop3A_606 = arith.addf %parallel_loop3A_604, %parallel_loop3A_605 : vector<16xf32>
      %parallel_loop3A_607 = arith.addf %parallel_loop3A_597, %parallel_loop3A_600 : vector<16xf32>
      %parallel_loop3A_608 = arith.addf %parallel_loop3A_603, %parallel_loop3A_606 : vector<16xf32>
      %parallel_loop3A_609 = arith.addf %parallel_loop3A_607, %parallel_loop3A_608 : vector<16xf32>
      %parallel_loop3A_610 = arith.constant true
      %parallel_loop3A_611 = vector.broadcast %parallel_loop3A_610 : i1 to vector<16xi1>
      %parallel_loop3A_612 = tpu.scan <sum>, %parallel_loop3A_609 masked %parallel_loop3A_611 : vector<16xf32>, vector<16xi1> -> vector<16xf32>
      %parallel_loop3A_613 = arith.constant 15 : i32
      %parallel_loop3A_614 = vector.broadcast %parallel_loop3A_613 : i32 to vector<16x1xi32>
      %parallel_loop3A_615 = vector.shape_cast %parallel_loop3A_614 : vector<16x1xi32> to vector<16xi32>
      %parallel_loop3A_616 = tpu.dynamic_gather %parallel_loop3A_612[%parallel_loop3A_615] in [0] : vector<16xf32>, vector<16xi32> -> vector<16xf32>
      %parallel_loop3A_617 = tpu.bitcast %parallel_loop3A_616 : vector<16xf32> -> vector<16xi32>
      %parallel_loop3A_618 = arith.constant 1 : i32
      %parallel_loop3A_619 = vector.broadcast %parallel_loop3A_618 : i32 to vector<16xi32>
      %parallel_loop3A_620 = arith.shrsi %parallel_loop3A_617, %parallel_loop3A_619 : vector<16xi32>
      %parallel_loop3A_621 = arith.constant 1597463007 : i32
      %parallel_loop3A_622 = vector.broadcast %parallel_loop3A_621 : i32 to vector<16xi32>
      %parallel_loop3A_623 = arith.subi %parallel_loop3A_622, %parallel_loop3A_620 : vector<16xi32>
      %parallel_loop3A_624 = tpu.bitcast %parallel_loop3A_623 : vector<16xi32> -> vector<16xf32>
      %parallel_loop3A_625 = arith.constant -5.000000e-01 : f32
      %parallel_loop3A_626 = vector.broadcast %parallel_loop3A_625 : f32 to vector<16xf32>
      %parallel_loop3A_627 = arith.mulf %parallel_loop3A_616, %parallel_loop3A_626 : vector<16xf32>
      %parallel_loop3A_628 = arith.mulf %parallel_loop3A_627, %parallel_loop3A_624 : vector<16xf32>
      %parallel_loop3A_629 = arith.mulf %parallel_loop3A_628, %parallel_loop3A_624 : vector<16xf32>
      %parallel_loop3A_630 = arith.constant 1.500000e+00 : f32
      %parallel_loop3A_631 = vector.broadcast %parallel_loop3A_630 : f32 to vector<16xf32>
      %parallel_loop3A_632 = arith.addf %parallel_loop3A_631, %parallel_loop3A_629 : vector<16xf32>
      %parallel_loop3A_633 = arith.mulf %parallel_loop3A_624, %parallel_loop3A_632 : vector<16xf32>
      %parallel_loop3A_634 = arith.mulf %parallel_loop3A_627, %parallel_loop3A_633 : vector<16xf32>
      %parallel_loop3A_635 = arith.mulf %parallel_loop3A_634, %parallel_loop3A_633 : vector<16xf32>
      %parallel_loop3A_636 = arith.constant 1.500000e+00 : f32
      %parallel_loop3A_637 = vector.broadcast %parallel_loop3A_636 : f32 to vector<16xf32>
      %parallel_loop3A_638 = arith.addf %parallel_loop3A_637, %parallel_loop3A_635 : vector<16xf32>
      %parallel_loop3A_639 = arith.mulf %parallel_loop3A_633, %parallel_loop3A_638 : vector<16xf32>
      %parallel_loop3A_640 = arith.constant 9.99999995E+11 : f32
      %parallel_loop3A_641 = vector.broadcast %parallel_loop3A_640 : f32 to vector<16xf32>
      %parallel_loop3A_642 = arith.minimumf %parallel_loop3A_639, %parallel_loop3A_641 : vector<16xf32>
      %parallel_loop3A_643 = arith.mulf %parallel_loop3A_616, %parallel_loop3A_642 : vector<16xf32>
      %parallel_loop3A_644 = arith.mulf %parallel_loop3A_643, %parallel_loop3A_642 : vector<16xf32>
      %parallel_loop3A_645 = arith.constant 0 : i32
      %parallel_loop3A_646 = vector.broadcast %parallel_loop3A_645 : i32 to vector<16xi32>
      %parallel_loop3A_647 = arith.cmpi eq, %iota3A, %parallel_loop3A_646 : vector<16xi32>
      %parallel_loop3A_648 = arith.constant 1 : i32
      %parallel_loop3A_649 = vector.broadcast %parallel_loop3A_648 : i32 to vector<16xi32>
      %parallel_loop3A_650 = arith.cmpi eq, %iota3A, %parallel_loop3A_649 : vector<16xi32>
      %parallel_loop3A_651 = arith.constant 1.000000e+00 : f32
      %parallel_loop3A_652 = arith.constant 0.000000e+00 : f32
      %parallel_loop3A_653 = vector.broadcast %parallel_loop3A_651 : f32 to vector<16xf32>
      %parallel_loop3A_654 = vector.broadcast %parallel_loop3A_652 : f32 to vector<16xf32>
      %parallel_loop3A_655 = arith.select %parallel_loop3A_650, %parallel_loop3A_653, %parallel_loop3A_654 : vector<16xi1>, vector<16xf32>
      %parallel_loop3A_656 = arith.select %parallel_loop3A_647, %parallel_loop3A_644, %parallel_loop3A_655 : vector<16xi1>, vector<16xf32>
      %parallel_loop3A_657 = arith.constant 256 : i32
      %parallel_loop3A_658 = vector.broadcast %parallel_loop3A_657 : i32 to vector<16xi32>
      %parallel_loop3A_659 = arith.muli %parallel_loop3A_570, %parallel_loop3A_658 : vector<16xi32>
      %parallel_loop3A_660 = arith.addi %parallel_loop3A_659, %add3A_522 : vector<16xi32>
      %parallel_loop3A_661 = arith.mulf %parallel_loop3A_573, %parallel_loop3A_642 : vector<16xf32>
      tpu.vector_store_idx %arg7[%parallel_loop3A_660], %parallel_loop3A_661 {add = true} : memref<4096xf32, #tpu.memory_space<vmem>>[vector<16xi32>], vector<16xf32>,
      %parallel_loop3A_662 = arith.addi %parallel_loop3A_659, %add3A_525 : vector<16xi32>
      %parallel_loop3A_663 = arith.mulf %parallel_loop3A_576, %parallel_loop3A_642 : vector<16xf32>
      tpu.vector_store_idx %arg7[%parallel_loop3A_662], %parallel_loop3A_663 {add = true} : memref<4096xf32, #tpu.memory_space<vmem>>[vector<16xi32>], vector<16xf32>,
      %parallel_loop3A_664 = arith.addi %parallel_loop3A_659, %add3A_528 : vector<16xi32>
      %parallel_loop3A_665 = arith.mulf %parallel_loop3A_579, %parallel_loop3A_642 : vector<16xf32>
      tpu.vector_store_idx %arg7[%parallel_loop3A_664], %parallel_loop3A_665 {add = true} : memref<4096xf32, #tpu.memory_space<vmem>>[vector<16xi32>], vector<16xf32>,
      %parallel_loop3A_666 = arith.addi %parallel_loop3A_659, %add3A_531 : vector<16xi32>
      %parallel_loop3A_667 = arith.mulf %parallel_loop3A_582, %parallel_loop3A_642 : vector<16xf32>
      tpu.vector_store_idx %arg7[%parallel_loop3A_666], %parallel_loop3A_667 {add = true} : memref<4096xf32, #tpu.memory_space<vmem>>[vector<16xi32>], vector<16xf32>,
      %parallel_loop3A_668 = arith.addi %parallel_loop3A_659, %add3A_534 : vector<16xi32>
      %parallel_loop3A_669 = arith.mulf %parallel_loop3A_585, %parallel_loop3A_642 : vector<16xf32>
      tpu.vector_store_idx %arg7[%parallel_loop3A_668], %parallel_loop3A_669 {add = true} : memref<4096xf32, #tpu.memory_space<vmem>>[vector<16xi32>], vector<16xf32>,
      %parallel_loop3A_670 = arith.addi %parallel_loop3A_659, %add3A_537 : vector<16xi32>
      %parallel_loop3A_671 = arith.mulf %parallel_loop3A_588, %parallel_loop3A_642 : vector<16xf32>
      tpu.vector_store_idx %arg7[%parallel_loop3A_670], %parallel_loop3A_671 {add = true} : memref<4096xf32, #tpu.memory_space<vmem>>[vector<16xi32>], vector<16xf32>,
      %parallel_loop3A_672 = arith.addi %parallel_loop3A_659, %add3A_540 : vector<16xi32>
      %parallel_loop3A_673 = arith.mulf %parallel_loop3A_591, %parallel_loop3A_642 : vector<16xf32>
      tpu.vector_store_idx %arg7[%parallel_loop3A_672], %parallel_loop3A_673 {add = true} : memref<4096xf32, #tpu.memory_space<vmem>>[vector<16xi32>], vector<16xf32>,
      %parallel_loop3A_674 = arith.addi %parallel_loop3A_659, %add3A_543 : vector<16xi32>
      %parallel_loop3A_675 = arith.mulf %parallel_loop3A_594, %parallel_loop3A_642 : vector<16xf32>
      tpu.vector_store_idx %arg7[%parallel_loop3A_674], %parallel_loop3A_675 {add = true} : memref<4096xf32, #tpu.memory_space<vmem>>[vector<16xi32>], vector<16xf32>,
      %parallel_loop3A_676 = arith.addi %parallel_loop3A_659, %add3A_546 : vector<16xi32>
      tpu.vector_store_idx %arg7[%parallel_loop3A_676], %parallel_loop3A_656 {add = true} : memref<4096xf32, #tpu.memory_space<vmem>>[vector<16xi32>], vector<16xf32>,
    } {sc.loop_unroll_factor = 8 : i64, sc.parallel_access}
    "tpu.region"() ({
      %run_scoped3A = tpu.sem_alloc : memref<!tpu.dma_semaphore, #tpu.memory_space<semaphore_mem>>
      %dma_start3A_565 = arith.constant 0 : i32
      %dma_start3A_566 = tpu.memref_slice %arg4[%add3A, %dma_start3A_565] : memref<32x4096xf32, #tpu.memory_space<hbm>> -> memref<1x4096xf32, #tpu.memory_space<hbm>>
      %dma_start3A_567 = tpu.memref_squeeze %dma_start3A_566 : memref<1x4096xf32, #tpu.memory_space<hbm>> -> memref<4096xf32, #tpu.memory_space<hbm>>
      %dma_start3A_568 = arith.constant 0 : i32
      %dma_start3A_569 = tpu.memref_slice %arg4[%add3A, %dma_start3A_568] : memref<32x4096xf32, #tpu.memory_space<hbm>> -> memref<1x4096xf32, #tpu.memory_space<hbm>>
      %dma_start3A_570 = tpu.memref_squeeze %dma_start3A_569 : memref<1x4096xf32, #tpu.memory_space<hbm>> -> memref<4096xf32, #tpu.memory_space<hbm>>
      tpu.enqueue_dma source(%arg7 : memref<4096xf32, #tpu.memory_space<vmem>>) target(%dma_start3A_570 : memref<4096xf32, #tpu.memory_space<hbm>>) target_semaphore(%run_scoped3A : memref<!tpu.dma_semaphore, #tpu.memory_space<semaphore_mem>>)
      %dma_wait3A_571 = arith.constant 0 : i32
      %dma_wait3A_572 = tpu.memref_slice %arg4[%add3A, %dma_wait3A_571] : memref<32x4096xf32, #tpu.memory_space<hbm>> -> memref<1x4096xf32, #tpu.memory_space<hbm>>
      %dma_wait3A_573 = tpu.memref_squeeze %dma_wait3A_572 : memref<1x4096xf32, #tpu.memory_space<hbm>> -> memref<4096xf32, #tpu.memory_space<hbm>>
      %dma_wait3A_574 = arith.constant 0 : i32
      %dma_wait3A_575 = tpu.memref_slice %arg4[%add3A, %dma_wait3A_574] : memref<32x4096xf32, #tpu.memory_space<hbm>> -> memref<1x4096xf32, #tpu.memory_space<hbm>>
      %dma_wait3A_576 = tpu.memref_squeeze %dma_wait3A_575 : memref<1x4096xf32, #tpu.memory_space<hbm>> -> memref<4096xf32, #tpu.memory_space<hbm>>
      tpu.wait_dma2 semaphore(%run_scoped3A : memref<!tpu.dma_semaphore, #tpu.memory_space<semaphore_mem>>) src(%arg7 : memref<4096xf32, #tpu.memory_space<vmem>>) dst(%dma_wait3A_576 : memref<4096xf32, #tpu.memory_space<hbm>>)
      tpu.yield
    }) : () -> ()
    return
  }
}

module attributes {stable_mosaic.version = 14 : i64} {
  func.func @body(%arg0: memref<32x4096xf32, #tpu.memory_space<vmem>>, %arg1: memref<16x256xf32, #tpu.memory_space<vmem>>, %arg2: memref<10x128xf32, #tpu.memory_space<vmem>>, %arg3: memref<1x1xf32, #tpu.memory_space<vmem>>) attributes {dimension_semantics = [], scalar_prefetch = 0 : i64, scratch_operands = 0 : i64, tpu.core_type = #tpu.core_type<tc>} {
    %get3A = arith.constant 0 : index
    %get3A_0 = arith.constant 0 : index
    %get3A_1 = vector.load %arg0[%get3A, %get3A_0] : memref<32x4096xf32, #tpu.memory_space<vmem>>, vector<32x4096xf32>
    %reshape3A = vector.shape_cast %get3A_1 : vector<32x4096xf32> to vector<32x16x256xf32>
    %reduce_sum3A = arith.constant dense<0.000000e+00> : vector<16x256xf32>
    %reduce_sum3A_2 = vector.multi_reduction <add>, %reshape3A, %reduce_sum3A [0] : vector<32x16x256xf32> to vector<16x256xf32>
    %get3A_3 = arith.constant 0 : index
    %get3A_4 = arith.constant 0 : index
    %get3A_5 = vector.load %arg1[%get3A_3, %get3A_4] : memref<16x256xf32, #tpu.memory_space<vmem>>, vector<16x256xf32>
    %add3A = arith.addf %reduce_sum3A_2, %get3A_5 : vector<16x256xf32>
    %get3A_6 = arith.constant 0 : index
    %get3A_7 = arith.constant 0 : index
    %get3A_8 = vector.load %arg2[%get3A_6, %get3A_7] : memref<10x128xf32, #tpu.memory_space<vmem>>, vector<10x128xf32>
    %slice3A = vector.extract_strided_slice %add3A {offsets = [0, 0], sizes = [10, 128], strides = [1, 1]} : vector<16x256xf32> to vector<10x128xf32>
    %mul3A = arith.mulf %slice3A, %get3A_8 : vector<10x128xf32>
    %reduce_sum3A_9 = arith.constant dense<0.000000e+00> : vector<10xf32>
    %reduce_sum3A_10 = vector.multi_reduction <add>, %mul3A, %reduce_sum3A_9 [1] : vector<10x128xf32> to vector<10xf32>
    %broadcast_in_dim3A = vector.shape_cast %reduce_sum3A_10 : vector<10xf32> to vector<10x1xf32>
    %mul3A_11 = arith.mulf %get3A_8, %get3A_8 : vector<10x128xf32>
    %reduce_sum3A_12 = arith.constant dense<0.000000e+00> : vector<10xf32>
    %reduce_sum3A_13 = vector.multi_reduction <add>, %mul3A_11, %reduce_sum3A_12 [1] : vector<10x128xf32> to vector<10xf32>
    %broadcast_in_dim3A_14 = vector.shape_cast %reduce_sum3A_13 : vector<10xf32> to vector<10x1xf32>
    %slice3A_15 = vector.extract_strided_slice %add3A {offsets = [0, 128], sizes = [10, 1], strides = [1, 1]} : vector<16x256xf32> to vector<10x1xf32>
    %slice3A_16 = vector.extract_strided_slice %add3A {offsets = [0, 129], sizes = [10, 1], strides = [1, 1]} : vector<16x256xf32> to vector<10x1xf32>
    %gt3A = arith.constant 0.000000e+00 : f32
    %gt3A_17 = vector.broadcast %gt3A : f32 to vector<10x1xf32>
    %gt3A_18 = arith.cmpf ogt, %slice3A_16, %gt3A_17 : vector<10x1xf32>
    %mul3A_19 = arith.constant 2.000000e+00 : f32
    %mul3A_20 = vector.broadcast %mul3A_19 : f32 to vector<10x1xf32>
    %mul3A_21 = arith.mulf %mul3A_20, %broadcast_in_dim3A : vector<10x1xf32>
    %sub3A = arith.subf %slice3A_15, %mul3A_21 : vector<10x1xf32>
    %max3A = arith.constant 1.000000e+00 : f32
    %max3A_22 = vector.broadcast %max3A : f32 to vector<10x1xf32>
    %max3A_23 = arith.maximumf %slice3A_16, %max3A_22 : vector<10x1xf32>
    %div3A = arith.divf %sub3A, %max3A_23 : vector<10x1xf32>
    %add3A_24 = arith.addf %div3A, %broadcast_in_dim3A_14 : vector<10x1xf32>
    %jit3A = arith.constant 0.000000e+00 : f32
    %broadcast_in_dim3A_25 = vector.broadcast %jit3A : f32 to vector<10x1xf32>
    %select_n3A = arith.select %gt3A_18, %add3A_24, %broadcast_in_dim3A_25 : vector<10x1xi1>, vector<10x1xf32>
    %reduce_sum3A_26 = vector.shape_cast %select_n3A : vector<10x1xf32> to vector<1x10x1xf32>
    %reduce_sum3A_27 = arith.constant dense<0.000000e+00> : vector<1xf32>
    %reduce_sum3A_28 = vector.multi_reduction <add>, %reduce_sum3A_26, %reduce_sum3A_27 [1, 2] : vector<1x10x1xf32> to vector<1xf32>
    %reduce_sum3A_29 = vector.shape_cast %reduce_sum3A_28 : vector<1xf32> to vector<1x1x1xf32>
    %reduce_sum3A_30 = vector.extract %reduce_sum3A_29[0, 0, 0] : f32 from vector<1x1x1xf32>
    %reshape3A_31 = vector.broadcast %reduce_sum3A_30 : f32 to vector<1x1xf32>
    %swap3A = arith.constant 0 : index
    %swap3A_32 = arith.constant 0 : index
    %swap3A_33 = vector.load %arg3[%swap3A, %swap3A_32] : memref<1x1xf32, #tpu.memory_space<vmem>>, vector<1x1xf32>
    tpu.vector_store %arg3[%swap3A, %swap3A_32], %reshape3A_31 {strides = array<i32>} : memref<1x1xf32, #tpu.memory_space<vmem>>, vector<1x1xf32>,
    return
  }
}

module attributes {stable_mosaic.version = 14 : i64} {
  func.func @body(%arg0: i32, %arg1: memref<2048x128xf32, #tpu.memory_space<vmem>>, %arg2: memref<1x1x2048xi32, #tpu.memory_space<vmem>>, %arg3: memref<16x256xf32, #tpu.memory_space<vmem>>) attributes {dimension_semantics = [#tpu.dimension_semantics<arbitrary>], iteration_bounds = array<i64: 6>, scalar_prefetch = 0 : i64, scratch_operands = 0 : i64, tpu.core_type = #tpu.core_type<tc>, window_params = [{transform_indices = @transform_0, window_bounds = array<i64: 2048, 128>}, {transform_indices = @transform_1, window_bounds = array<i64: 1, 1, 2048>}, {pipeline_mode = #tpu.pipeline_mode<synchronous>, transform_indices = @transform_2, window_bounds = array<i64: 16, 256>}]} {
    %get3A = arith.constant 0 : index
    %get3A_0 = arith.constant 0 : index
    %get3A_1 = vector.load %arg1[%get3A, %get3A_0] : memref<2048x128xf32, #tpu.memory_space<vmem>>, vector<2048x128xf32>
    %mul3A = arith.mulf %get3A_1, %get3A_1 : vector<2048x128xf32>
    %reduce_sum3A = arith.constant dense<0.000000e+00> : vector<2048xf32>
    %reduce_sum3A_2 = vector.multi_reduction <add>, %mul3A, %reduce_sum3A [1] : vector<2048x128xf32> to vector<2048xf32>
    %broadcast_in_dim3A = vector.shape_cast %reduce_sum3A_2 : vector<2048xf32> to vector<2048x1xf32>
    %rsqrt3A = math.rsqrt %broadcast_in_dim3A : vector<2048x1xf32>
    %min3A = arith.constant 9.99999995E+11 : f32
    %min3A_3 = vector.broadcast %min3A : f32 to vector<2048x1xf32>
    %min3A_4 = arith.minimumf %rsqrt3A, %min3A_3 : vector<2048x1xf32>
    %mul3A_5 = vector.broadcast %min3A_4 : vector<2048x1xf32> to vector<2048x128xf32>
    %mul3A_6 = arith.mulf %get3A_1, %mul3A_5 : vector<2048x128xf32>
    %mul3A_7 = arith.mulf %broadcast_in_dim3A, %min3A_4 : vector<2048x1xf32>
    %mul3A_8 = arith.mulf %mul3A_7, %min3A_4 : vector<2048x1xf32>
    %get3A_9 = arith.constant 0 : index
    %get3A_10 = arith.constant 0 : index
    %get3A_11 = arith.constant 0 : index
    %get3A_12 = vector.load %arg2[%get3A_9, %get3A_10, %get3A_11] : memref<1x1x2048xi32, #tpu.memory_space<vmem>>, vector<1x1x2048xi32>
    %get3A_13 = vector.shape_cast %get3A_12 : vector<1x1x2048xi32> to vector<2048xi32>
    %iota3A = tpu.iota {dimensions = array<i32: 0>} : vector<16x2048xi32>
    %broadcast_in_dim3A_14 = vector.shape_cast %get3A_13 : vector<2048xi32> to vector<1x2048xi32>
    %eq3A = vector.broadcast %broadcast_in_dim3A_14 : vector<1x2048xi32> to vector<16x2048xi32>
    %eq3A_15 = arith.cmpi eq, %iota3A, %eq3A : vector<16x2048xi32>
    %convert_element_type3A = arith.extui %eq3A_15 : vector<16x2048xi1> to vector<16x2048xi32>
    %convert_element_type3A_16 = arith.sitofp %convert_element_type3A : vector<16x2048xi32> to vector<16x2048xf32>
    %dot_general3A = arith.constant dense<0.000000e+00> : vector<16x128xf32>
    %dot_general3A_17 = tpu.matmul %convert_element_type3A_16, %mul3A_6, %dot_general3A {dimension_numbers = #tpu.dot_dimension_numbers<[1], [0], [0], [1], [0, 0, 1, 1], [], []>, transpose_lhs_hint = false} : vector<16x2048xf32>, vector<2048x128xf32>, vector<16x128xf32> -> vector<16x128xf32>
    %dot_general3A_18 = arith.constant dense<0.000000e+00> : vector<16x1xf32>
    %dot_general3A_19 = tpu.matmul %convert_element_type3A_16, %mul3A_8, %dot_general3A_18 {dimension_numbers = #tpu.dot_dimension_numbers<[1], [0], [0], [1], [0, 0, 1, 1], [], []>, transpose_lhs_hint = false} : vector<16x2048xf32>, vector<2048x1xf32>, vector<16x1xf32> -> vector<16x1xf32>
    %reduce_sum3A_20 = arith.constant dense<0.000000e+00> : vector<16xf32>
    %reduce_sum3A_21 = vector.multi_reduction <add>, %convert_element_type3A_16, %reduce_sum3A_20 [1] : vector<16x2048xf32> to vector<16xf32>
    %broadcast_in_dim3A_22 = vector.shape_cast %reduce_sum3A_21 : vector<16xf32> to vector<16x1xf32>
    %iota3A_23 = tpu.iota {dimensions = array<i32: 1>} : vector<16x128xi32>
    %eq3A_24 = arith.constant 0 : i32
    %eq3A_25 = vector.broadcast %eq3A_24 : i32 to vector<16x128xi32>
    %eq3A_26 = arith.cmpi eq, %iota3A_23, %eq3A_25 : vector<16x128xi32>
    %eq3A_27 = arith.constant 1 : i32
    %eq3A_28 = vector.broadcast %eq3A_27 : i32 to vector<16x128xi32>
    %eq3A_29 = arith.cmpi eq, %iota3A_23, %eq3A_28 : vector<16x128xi32>
    %jit3A = arith.constant 0.000000e+00 : f32
    %broadcast_in_dim3A_30 = vector.shape_cast %broadcast_in_dim3A_22 : vector<16x1xf32> to vector<16x1xf32>
    %broadcast_in_dim3A_31 = vector.broadcast %broadcast_in_dim3A_30 : vector<16x1xf32> to vector<16x128xf32>
    %broadcast_in_dim3A_32 = vector.broadcast %jit3A : f32 to vector<16x128xf32>
    %select_n3A = arith.select %eq3A_29, %broadcast_in_dim3A_31, %broadcast_in_dim3A_32 : vector<16x128xi1>, vector<16x128xf32>
    %broadcast_in_dim3A_33 = vector.shape_cast %dot_general3A_19 : vector<16x1xf32> to vector<16x1xf32>
    %broadcast_in_dim3A_34 = vector.broadcast %broadcast_in_dim3A_33 : vector<16x1xf32> to vector<16x128xf32>
    %select_n3A_35 = arith.select %eq3A_26, %broadcast_in_dim3A_34, %select_n3A : vector<16x128xi1>, vector<16x128xf32>
    %concatenate3A = tpu.concatenate %dot_general3A_17, %select_n3A_35 in 1 : vector<16x128xf32>, vector<16x128xf32> -> vector<16x256xf32>
    %eq3A_36 = arith.constant 0 : i32
    %eq3A_37 = arith.cmpi eq, %arg0, %eq3A_36 : i32
    %convert_element_type3A_38 = arith.extui %eq3A_37 : i1 to i32
    %cond3A = arith.constant 0 : i32
    %cond3A_39 = arith.cmpi ne, %convert_element_type3A_38, %cond3A : i32
    scf.if %cond3A_39 {
      %broadcast_in_dim3A_45 = arith.constant 0.000000e+00 : f32
      %broadcast_in_dim3A_46 = vector.broadcast %broadcast_in_dim3A_45 : f32 to vector<16x256xf32>
      %swap3A_47 = arith.constant 0 : index
      %swap3A_48 = arith.constant 0 : index
      %swap3A_49 = vector.load %arg3[%swap3A_47, %swap3A_48] : memref<16x256xf32, #tpu.memory_space<vmem>>, vector<16x256xf32>
      tpu.vector_store %arg3[%swap3A_47, %swap3A_48], %broadcast_in_dim3A_46 {strides = array<i32>} : memref<16x256xf32, #tpu.memory_space<vmem>>, vector<16x256xf32>,
    } else {
    }
    %get3A_40 = arith.constant 0 : index
    %get3A_41 = arith.constant 0 : index
    %get3A_42 = vector.load %arg3[%get3A_40, %get3A_41] : memref<16x256xf32, #tpu.memory_space<vmem>>, vector<16x256xf32>
    %add3A = arith.addf %get3A_42, %concatenate3A : vector<16x256xf32>
    %swap3A = arith.constant 0 : index
    %swap3A_43 = arith.constant 0 : index
    %swap3A_44 = vector.load %arg3[%swap3A, %swap3A_43] : memref<16x256xf32, #tpu.memory_space<vmem>>, vector<16x256xf32>
    tpu.vector_store %arg3[%swap3A, %swap3A_43], %add3A {strides = array<i32>} : memref<16x256xf32, #tpu.memory_space<vmem>>, vector<16x256xf32>,
    return
  }
  func.func @transform_0(%arg0: i32) -> (i32, i32) {
    %add3A = arith.constant 2 : i32
    %add3A_0 = arith.addi %arg0, %add3A : i32
    %c0_i32 = arith.constant 0 : i32
    %c0_i32_1 = arith.constant 0 : i32
    return %add3A_0, %c0_i32 : i32, i32
  }
  func.func @transform_1(%arg0: i32) -> (i32, i32, i32) {
    %add3A = arith.constant 2 : i32
    %add3A_0 = arith.addi %arg0, %add3A : i32
    %c0_i32 = arith.constant 0 : i32
    %c0_i32_1 = arith.constant 0 : i32
    %c0_i32_2 = arith.constant 0 : i32
    return %add3A_0, %c0_i32, %c0_i32_1 : i32, i32, i32
  }
  func.func @transform_2(%arg0: i32) -> (i32, i32) {
    %c0_i32 = arith.constant 0 : i32
    %c0_i32_0 = arith.constant 0 : i32
    %c0_i32_1 = arith.constant 0 : i32
    return %c0_i32, %c0_i32_0 : i32, i32
  }
}

</mosaic_0001>

<sc_bundles>
// kernel: kernel.5.cloned.1.call-start
scs
__scs_entry_jumppad:
0x0: {  	(pc) =	sbr.rel $0x88, $3  }
0x1: {  	(tag) =	ssettag $0x0;
	lr =	simm.s32 $0x1  }
0x2: {  	[smem:$0x3F9E] =	sst lr;
	_ =	strace $0xD0000000  }
0x3: {  	_ = 	snop  }
0x4: {  	_ = 	snop  }
0x5: {  	_ = 	snop  }
0x6: {  	_ = 	snop  }
0x7: {  	_ = 	snop  }
__scs_overlays_trampoline_lowered:
0x8: {  	[smem:$0x3FAD] =	sst s0  }
0x9: {  	[smem:$0x3FAE] =	sst s1  }
0xa: {  	[smem:$0x3FAF] =	sst s2  }
0xb: {  	[smem:$0x3FB0] =	sst s3  }
0xc: {  	[smem:$0x3FB1] =	sst s4  }
0xd: {  	[smem:$0x3FB2] =	sst s5  }
0xe: {  	[smem:$0x3FB3] =	sst s6  }
0xf: {  	[smem:$0x3FB4] =	sst s7  }
0x10: {  	[smem:$0x3FB5] =	sst s8  }
0x11: {  	[smem:$0x3FB6] =	sst s9;
	s0 =	simm.s32 @!p0 $0x0  }
0x12: {  	s1 =	sld [smem:$0x3F9C];
	s0 =	simm.s32 @p0 $0x1  }
0x13: {  	[smem:$0x3FB7] =	sst s0;
	s0 =	simm.s32 @!p1 $0x0  }
0x14: {  	s2 =	sld [smem:$0x3F9B];
	s0 =	simm.s32 @p1 $0x1  }
0x15: {  	[smem:$0x3FB8] =	sst s0;
	s0 =	simm.s32 @!p2 $0x0  }
0x16: {  	s3 =	sld [smem:$0x3FDB];
	s0 =	simm.s32 @p2 $0x1  }
0x17: {  	s4 =	simm.s32 $0x1BF5;
	[smem:$0x3FBA] =	sst s0  }
0x18: {  	s0 =	sld [smem:$0x3F9D];
	_ =	swait.ge [sflag:s4], $0x0  }
0x19: {  	s7 =	sld [smem:$0x3F9E]  }
0x1a: {  	s8 =	sadd.s32 $0xFFFFE003, lr  }
0x1b: {  	s9 =	sadd.s32 $0xFFFFFEF7, lr;
	s5 =	simm.s32 $0xFFFFFFFF;
	p2 =	slt.u32 s8, $0xFFFFF086  }
0x1c: {  	p1 =	slt.u32 s9, $0xF7A;
	s5 =	simm.s32 @!p2 $0x0  }
0x1d: {  	s5 =	simm.s32 @p1 $0x1;
	p0 =	seq.s32 s7, s2  }
0x1e: {  	s7 =	smul.u32 @!p0 $0xF7A, s2;
	p2 =	seq.s32 @!p0 s5, $0x0  }
0x1f: {  	s9 =	smul.u32 $0xF7A, s1;
	s8 =	simm.s32 @!p0 $0x1BF5;
	p2 =	por !p2, p0  }
0x20: {  	[sflag:s8] =	ssyncset.s32 @!p0 $0xFFFFF086;
	s6 =	sadd.s32 @!p0 s3, s7;
	s7 =	simm.s32 @!p0 $0x108  }
0x21: {  	s3 =	sadd.s32 s3, s9;
	s6 =	sadd.s32 @!p0 $0x88, s6;
	s7 =	simm.s32 @p2 $0x1082  }
0x22: {  	[simem:s7], [sflag:s8] =	dma.local @!p0 [hbm:s6], $0xF7A  }
0x23: {  	s9 =	sor.u32 $0xD0000000, s2;
	s6 =	simm.s32 $0x108;
	_ =	swait.ge @!p0 [sflag:s8], $0x0  }
0x24: {  	s3 =	sadd.s32 $0x88, s3;
	s6 =	simm.s32 @!p1 $0x1082;
	[sflag:s4] =	ssyncset.s32 $0xFFFFF086  }
0x25: {  	[simem:s6], [sflag:s4] =	dma.local [hbm:s3], $0xF7A  }
0x26: {  	[smem:$0x3F9E] =	sst s1;
	(tag) =	ssettag s2;
	_ =	strace s9  }
0x27: {  	s1 =	sld [smem:$0x3FAE]  }
0x28: {  	s2 =	sld [smem:$0x3FAF]  }
0x29: {  	s4 =	sld [smem:$0x3FB1]  }
0x2a: {  	p0 =	seq.s32 s5, $0x0;
	s5 =	sld [smem:$0x3FB2]  }
0x2b: {  	s6 =	sld [smem:$0x3FB3]  }
0x2c: {  	s7 =	sld [smem:$0x3FB4]  }
0x2d: {  	s3 =	simm.s32 $0x108;
	s8 =	sld [smem:$0x3FB5]  }
0x2e: {  	s3 =	simm.s32 @!p0 $0x1082;
	s9 =	sld [smem:$0x3FB6]  }
0x2f: {  	lr =	sadd.s32 s0, s3;
	s0 =	sld [smem:$0x3FAD]  }
0x30: {  	s3 =	sld [smem:$0x3FB0]  }
0x31: {  	[smem:$0x3FB9] =	sst s10  }
0x32: {  	s10 =	sld [smem:$0x3FB7];
	_ =	sdelay $0x3  }
0x33: {  	p0 =	seq.s32 s10, $0x1;
	s10 =	sld [smem:$0x3FB9];
	_ =	sdelay $0x3  }
0x34: {  	[smem:$0x3FB9] =	sst s10  }
0x35: {  	s10 =	sld [smem:$0x3FB8];
	_ =	sdelay $0x3  }
0x36: {  	p1 =	seq.s32 s10, $0x1;
	s10 =	sld [smem:$0x3FB9];
	_ =	sdelay $0x3  }
0x37: {  	[smem:$0x3FB9] =	sst s10  }
0x38: {  	s10 =	sld [smem:$0x3FBA]  }
0x39: {  	_ = 	snop;
	(pc) =	sbr.ind lr, $3  }
0x3a: {  	_ = 	snop  }
0x3b: {  	_ = 	snop  }
0x3c: {  	p2 =	seq.s32 s10, $0x1;
	s10 =	sld [smem:$0x3FB9]  }
0x3d: {  	_ =	shalt  }
0x3e: {  	_ =	shalt  }
0x3f: {  	_ =	shalt  }
0x40: {  	_ =	shalt  }
0x41: {  	_ =	shalt  }
0x42: {  	_ =	shalt  }
0x43: {  	_ =	shalt  }
0x44: {  	_ =	shalt  }
0x45: {  	_ =	shalt  }
0x46: {  	_ =	shalt  }
0x47: {  	_ =	shalt  }
0x48: {  	_ =	shalt  }
0x49: {  	_ =	shalt  }
0x4a: {  	_ =	shalt  }
0x4b: {  	_ =	shalt  }
0x4c: {  	_ =	shalt  }
0x4d: {  	_ =	shalt  }
0x4e: {  	_ =	shalt  }
0x4f: {  	_ =	shalt  }
0x50: {  	_ =	shalt  }
0x51: {  	_ =	shalt  }
0x52: {  	_ =	shalt  }
0x53: {  	_ =	shalt  }
0x54: {  	_ =	shalt  }
0x55: {  	_ =	shalt  }
0x56: {  	_ =	shalt  }
0x57: {  	_ =	shalt  }
0x58: {  	_ =	shalt  }
0x59: {  	_ =	shalt  }
0x5a: {  	_ =	shalt  }
0x5b: {  	_ =	shalt  }
0x5c: {  	_ =	shalt  }
0x5d: {  	_ =	shalt  }
0x5e: {  	_ =	shalt  }
0x5f: {  	_ =	shalt  }
0x60: {  	_ =	shalt  }
0x61: {  	_ =	shalt  }
0x62: {  	_ =	shalt  }
0x63: {  	_ =	shalt  }
0x64: {  	_ =	shalt  }
0x65: {  	_ =	shalt  }
0x66: {  	_ =	shalt  }
0x67: {  	_ =	shalt  }
0x68: {  	_ =	shalt  }
0x69: {  	_ =	shalt  }
0x6a: {  	_ =	shalt  }
0x6b: {  	_ =	shalt  }
0x6c: {  	_ =	shalt  }
0x6d: {  	_ =	shalt  }
0x6e: {  	_ =	shalt  }
0x6f: {  	_ =	shalt  }
0x70: {  	_ =	shalt  }
0x71: {  	_ =	shalt  }
0x72: {  	_ =	shalt  }
0x73: {  	_ =	shalt  }
0x74: {  	_ =	shalt  }
0x75: {  	_ =	shalt  }
0x76: {  	_ =	shalt  }
0x77: {  	_ =	shalt  }
0x78: {  	_ =	shalt  }
0x79: {  	_ =	shalt  }
0x7a: {  	_ =	shalt  }
0x7b: {  	_ =	shalt  }
0x7c: {  	_ =	shalt  }
0x7d: {  	_ =	shalt  }
0x7e: {  	_ =	shalt  }
0x7f: {  	_ =	shalt  }
0x80: {  	_ =	shalt  }
0x81: {  	_ =	shalt  }
0x82: {  	_ =	shalt  }
0x83: {  	_ =	shalt  }
0x84: {  	_ =	shalt  }
0x85: {  	_ =	shalt  }
0x86: {  	_ =	shalt  }
0x87: {  	_ =	shalt  }
.Lfunc_end0:
.L_simem_size_0:
called_computation_lowered:
.L_overlay_start_0:
0x88: {  	s2 =	sld [smem:$0x3FD9]  }
0x89: {  	s3 =	sld [smem:$0x3FFE];
	_ =	sdelay $0x1  }
0x8a: {  	s1 =	srdreg.scid  }
0x8b: {  	s0 =	sand.u32 $0x1, s1  }
0x8c: {  	s17 =	sshll.u32 s0, $0xA;
	s2 =	sadd.s32 s3, s2  }
0x8d: {  	s2 =	sadd.s32 s2, s17  }
0x8e: {  	[smem:$0x3FC5] =	sst s2  }
0x8f: {  	_ = 	snop  }
0x90: {  	s2 =	sld [smem:$0x3FC9]  }
0x91: {  	s18 =	sld [smem:$0x3FC8];
	(tm) =	ssettm $0x1  }
0x92: {  	s4 =	sld [smem:$0x3FFB];
	_ =	sdelay $0x3  }
0x93: {  	_ =	strace s4  }
0x94: {  	s4 =	sld [smem:$0x3FFC];
	_ =	sdelay $0x3  }
0x95: {  	_ =	strace s4  }
0x96: {  	s4 =	sld [smem:$0x3FFD];
	_ =	sdelay $0x3  }
0x97: {  	_ =	strace s4  }
0x98: {  	_ =	strace $0x8FFFFFFF  }
0x99: {  	s19 =	sld [smem:$0x3FDB];
	_ =	sdelay $0x1  }
0x9a: {  	s5 =	simm.s32 $_scs_section_size  }
0x9b: {  	s6 =	simm.s32 $_size__tile_overlayer_lowered;
	s7 =	simm.s32 $_tile_overlayer_lowered  }
0x9c: {  	s22 =	simm.s32 $0x1BFF;
	s21 =	sshll.u32 s7, $0x1;
	s4 =	sadd.s32 s5, s19  }
0x9d: {  	s8 =	simm.s32 $0x0;
	s20 =	sshll.u32 s6, $0x1;
	s6 =	sadd.s32 s21, s4  }
0x9e: {  	[timem:s8], [sflag:s22] =	dma.local [hbm:s6], s20  }
0x9f: {  	_ =	swait.ge [sflag:s22], s20  }
0xa0: {  	s5 =	ssub.s32 $0x0, s20;
	[sflag:s22] =	ssyncset.done $0x0  }
0xa1: {  	[sflag:s22] =	ssyncadd.s32 s5;
	_ =	sdelay $0x1  }
0xa2: {  	s23 =	simm.s32 $0x1B8B  }
0xa3: {  	_ =	swait.ge [sflag:s23], $0x1  }
0xa4: {  	[sflag:s23] =	ssyncset.done $0x0  }
0xa5: {  	s25 =	simm.s32 $0x1B8E;
	s24 =	sld [smem:$0x3FFE];
	[sflag:s23] =	ssyncadd.s32 $0xFFFFFFFF  }
0xa6: {  	s26 =	simm.s32 $execute0_lowered;
	[smem:$0x3FD2] =	sst s25  }
0xa7: {  	s6 =	sshll.u32 s26, $0x1;
	_ =	strace $0x80000046;
	[dreg:$0x1] =	wrdreg $0xFFFFFFFF  }
0xa8: {  	s28 =	simm.s32 $_size_execute0_lowered;
	s4 =	sadd.s32 s4, s6;
	[dreg:$0x0] =	wrdreg $0x0  }
0xa9: {  	s6 =	sshll.u32 s28, $0x1;
	[dreg:$0x2] =	wrdreg s4  }
0xaa: {  	[dreg:$0x3] =	wrdreg s6  }
0xab: {  	[dreg:$0x4] =	wrdreg $0xC0  }
0xac: {  	_ =	task [dreg:s8], $0x5FFFF  }
0xad: {  	[dreg:$0x1] =	wrdreg $0xFFFFFFFF  }
0xae: {  	[dreg:$0x0] =	wrdreg $0x60  }
0xaf: {  	[dreg:$0x2] =	wrdreg s2  }
0xb0: {  	[dreg:$0x3] =	wrdreg s18  }
0xb1: {  	[dreg:$0x4] =	wrdreg s24  }
0xb2: {  	[dreg:$0x5] =	wrdreg $0x9  }
0xb3: {  	_ =	task.clear_ibuf [dreg:s8], $0x6FFFF;
	_ =	strace $0x90000046  }
0xb4: {  	s29 =	simm.s32 $0x9;
	_ =	strace $0x80000048  }
0xb5: {  	_ =	swait.ge [sflag:s29], $0x1  }
0xb6: {  	[sflag:s29] =	ssyncadd.s32 $0xFFFFFFFF  }
0xb7: {  	_ =	strace $0x90000048  }
0xb8: {  	_ =	sfence  }
0xb9: {  	s30 =	sld [smem:$0x0];
	_ =	sdelay $0x2  }
0xba: {  	s31 =	sshll.u32 s1, $0xD;
	s1 =	sshrl.u32 s1, $0x2  }
0xbb: {  	s3 =	sand.u32 $0x4000, s31;
	s1 =	sadd.s32 s1, s30  }
0xbc: {  	s0 =	sor.u32 s3, s0;
	s1 =	sshll.u32 s1, $0x11  }
0xbd: {  	s0 =	sor.u32 s1, s0  }
0xbe: {  	s0 =	sadd.s32 $0x8F2B, s0  }
0xbf: {  	[sflag:s0] =	ssyncadd.remote.s32 $0x1  }
0xc0: {  	_ =	sfence.sel $0xFFFF  }
0xc1: {  	[dreg:$0x0] =	wrdreg $0xFFFFFFFF;
	(pc) =	sbr.abs _section_cstart, $3  }
0xc2: {  	[dreg:$0x1] =	wrdreg $0xFFFFFFFF  }
0xc3: {  	_ =	task.clear_ibuf [dreg:s8], $0x2FFFF;
	_ =	strace $0x9FFFFFFF  }
0xc4: {  	(tm) =	ssettm $0x7FFFFFFF  }
0xc5: {  	_ =	shalt  }
tec
execute0_lowered:
.L_overlay_start_1:
0x0: {  	(tag) =	ssettag $0x1  }
0x1: {  	s3 =	rddreg [dreg:$0x0]  }
0x2: {  	s4 =	rddreg [dreg:$0x1]  }
0x3: {  	s5 =	rddreg [dreg:$0x2]  }
0x4: {  	s0 =	rddreg [dreg:$0x3]  }
0x5: {  	s2 =	simm.s32 $0x0;
	s6 =	srdreg.scid;
	s1 =	stileid.u32  }
0x6: {  	s10 =	simm.s32 $0x1;
	s11 =	simm.s32 $0x2000;
	s12 =	simm.s32 $0x4000  }
0x7: {  	s13 =	simm.s32 $0x2;
	s14 =	simm.s32 $0x80;
	s15 =	simm.s32 $0x400  }
0x8: {  	s16 =	simm.s32 $0x0;
	[smem:$0x7FF] =	sst s2;
	s6 =	sand.u32 $0x1, s6  }
0x9: {  	s7 =	sshll.u32 s1, $0x4;
	_ =	strace $0x80000047;
	s8 =	ssub.s32 $0x2, s6  }
0xa: {  	s6 =	sshll.u32 s6, $0x4;
	s7 =	sand.u32 $0x70, s7;
	s9 =	sshrl.u32 s8, $0x1  }
0xb: {  	v0 =	vimm.f32 $0.0e+00;
	vm0 =	vcmask $0x704;
	s6 =	sor.u32 s1, s6;
	s5 =	sadd.s32 s7, s5;
	s28 =	ssub.s32 s8, s9  }
0xc: {  	v1 =	vimm.s32 $0xF;
	v3 =	vlaneseq.u32;
	v2 =	vsel vm0, $0x3F800000, v0;
	s29 =	sshll.u32 s6, $0x9;
	s30 =	sshll.u32 s6, $0xB;
	s6 =	sshll.u32 s6, $0x4  }
0xd: {  	vm0 =	vmmov $0x1;
	v4 =	vor.u32 $0x10, v3;
	v5 =	vor.u32 $0x20, v3;
	s9 =	simm.s32 $0x3;
	s8 =	sand.u32 $0x3000, s29;
	s3 =	sadd.s32 s3, s30  }
0xe: {  	v6 =	vor.u32 $0x30, v3;
	v7 =	vor.u32 $0x40, v3;
	v8 =	vor.u32 $0x50, v3;
	s4 =	sadd.s32 s4, s6;
	s7 =	smax.u32 s28, $0x1;
	s31 =	sadd.s32 s8, s5  }
0xf: {  	v9 =	vor.u32 $0x60, v3;
	v10 =	vor.u32 $0x70, v3;
	v11 =	vor.u32 $0x80, v3;
	s5 =	sadd.s32 $0x400, s3;
	s8 =	simm.s32 $0x5000;
	s6 =	sadd.s32 $0xC00, s31  }
.LBB2_1:
0x10: {  	[tilespmem:s2], [sflag:$0x1] =	stream.linear.gather [hbm4b:s3+s2], $0x2000, $0x38;
	[tilespmem:$0x5080] =	vst v63  }
0x11: {  	[tilespmem:$0x4000] =	vst v0  }
0x12: {  	[tilespmem:$0x4010] =	vst v0  }
0x13: {  	[tilespmem:$0x4020] =	vst v0  }
0x14: {  	[tilespmem:$0x4030] =	vst v0  }
0x15: {  	[tilespmem:$0x4040] =	vst v0  }
0x16: {  	[tilespmem:$0x4050] =	vst v0  }
0x17: {  	[tilespmem:$0x4060] =	vst v0  }
0x18: {  	[tilespmem:$0x4070] =	vst v0  }
0x19: {  	[tilespmem:$0x4080] =	vst v0  }
0x1a: {  	[tilespmem:$0x4090] =	vst v0  }
0x1b: {  	[tilespmem:$0x40A0] =	vst v0  }
0x1c: {  	[tilespmem:$0x40B0] =	vst v0  }
0x1d: {  	[tilespmem:$0x40C0] =	vst v0  }
0x1e: {  	[tilespmem:$0x40D0] =	vst v0  }
0x1f: {  	[tilespmem:$0x40E0] =	vst v0  }
0x20: {  	[tilespmem:$0x40F0] =	vst v0  }
0x21: {  	[tilespmem:$0x4100] =	vst v0  }
0x22: {  	[tilespmem:$0x4110] =	vst v0  }
0x23: {  	[tilespmem:$0x4120] =	vst v0  }
0x24: {  	[tilespmem:$0x4130] =	vst v0  }
0x25: {  	[tilespmem:$0x4140] =	vst v0  }
0x26: {  	[tilespmem:$0x4150] =	vst v0  }
0x27: {  	[tilespmem:$0x4160] =	vst v0  }
0x28: {  	[tilespmem:$0x4170] =	vst v0  }
0x29: {  	[tilespmem:$0x4180] =	vst v0  }
0x2a: {  	[tilespmem:$0x4190] =	vst v0  }
0x2b: {  	[tilespmem:$0x41A0] =	vst v0  }
0x2c: {  	[tilespmem:$0x41B0] =	vst v0  }
0x2d: {  	[tilespmem:$0x41C0] =	vst v0  }
0x2e: {  	[tilespmem:$0x41D0] =	vst v0  }
0x2f: {  	[tilespmem:$0x41E0] =	vst v0  }
0x30: {  	[tilespmem:$0x41F0] =	vst v0  }
0x31: {  	[tilespmem:$0x4200] =	vst v0  }
0x32: {  	[tilespmem:$0x4210] =	vst v0  }
0x33: {  	[tilespmem:$0x4220] =	vst v0  }
0x34: {  	[tilespmem:$0x4230] =	vst v0  }
0x35: {  	[tilespmem:$0x4240] =	vst v0  }
0x36: {  	[tilespmem:$0x4250] =	vst v0  }
0x37: {  	[tilespmem:$0x4260] =	vst v0  }
0x38: {  	[tilespmem:$0x4270] =	vst v0  }
0x39: {  	[tilespmem:$0x4280] =	vst v0  }
0x3a: {  	[tilespmem:$0x4290] =	vst v0  }
0x3b: {  	[tilespmem:$0x42A0] =	vst v0  }
0x3c: {  	[tilespmem:$0x42B0] =	vst v0  }
0x3d: {  	[tilespmem:$0x42C0] =	vst v0  }
0x3e: {  	[tilespmem:$0x42D0] =	vst v0  }
0x3f: {  	[tilespmem:$0x42E0] =	vst v0  }
0x40: {  	[tilespmem:$0x42F0] =	vst v0  }
0x41: {  	[tilespmem:$0x4300] =	vst v0  }
0x42: {  	[tilespmem:$0x4310] =	vst v0  }
0x43: {  	[tilespmem:$0x4320] =	vst v0  }
0x44: {  	[tilespmem:$0x4330] =	vst v0  }
0x45: {  	[tilespmem:$0x4340] =	vst v0  }
0x46: {  	[tilespmem:$0x4350] =	vst v0  }
0x47: {  	[tilespmem:$0x4360] =	vst v0  }
0x48: {  	[tilespmem:$0x4370] =	vst v0  }
0x49: {  	[tilespmem:$0x4380] =	vst v0  }
0x4a: {  	[tilespmem:$0x4390] =	vst v0  }
0x4b: {  	[tilespmem:$0x43A0] =	vst v0  }
0x4c: {  	[tilespmem:$0x43B0] =	vst v0  }
0x4d: {  	[tilespmem:$0x43C0] =	vst v0  }
0x4e: {  	[tilespmem:$0x43D0] =	vst v0  }
0x4f: {  	[tilespmem:$0x43E0] =	vst v0  }
0x50: {  	[tilespmem:$0x43F0] =	vst v0  }
0x51: {  	[tilespmem:$0x4400] =	vst v0  }
0x52: {  	[tilespmem:$0x4410] =	vst v0  }
0x53: {  	[tilespmem:$0x4420] =	vst v0  }
0x54: {  	[tilespmem:$0x4430] =	vst v0  }
0x55: {  	[tilespmem:$0x4440] =	vst v0  }
0x56: {  	[tilespmem:$0x4450] =	vst v0  }
0x57: {  	[tilespmem:$0x4460] =	vst v0  }
0x58: {  	[tilespmem:$0x4470] =	vst v0  }
0x59: {  	[tilespmem:$0x4480] =	vst v0  }
0x5a: {  	[tilespmem:$0x4490] =	vst v0  }
0x5b: {  	[tilespmem:$0x44A0] =	vst v0  }
0x5c: {  	[tilespmem:$0x44B0] =	vst v0  }
0x5d: {  	[tilespmem:$0x44C0] =	vst v0  }
0x5e: {  	[tilespmem:$0x44D0] =	vst v0  }
0x5f: {  	[tilespmem:$0x44E0] =	vst v0  }
0x60: {  	[tilespmem:$0x44F0] =	vst v0  }
0x61: {  	[tilespmem:$0x4500] =	vst v0  }
0x62: {  	[tilespmem:$0x4510] =	vst v0  }
0x63: {  	[tilespmem:$0x4520] =	vst v0  }
0x64: {  	[tilespmem:$0x4530] =	vst v0  }
0x65: {  	[tilespmem:$0x4540] =	vst v0  }
0x66: {  	[tilespmem:$0x4550] =	vst v0  }
0x67: {  	[tilespmem:$0x4560] =	vst v0  }
0x68: {  	[tilespmem:$0x4570] =	vst v0  }
0x69: {  	[tilespmem:$0x4580] =	vst v0  }
0x6a: {  	[tilespmem:$0x4590] =	vst v0  }
0x6b: {  	[tilespmem:$0x45A0] =	vst v0  }
0x6c: {  	[tilespmem:$0x45B0] =	vst v0  }
0x6d: {  	[tilespmem:$0x45C0] =	vst v0  }
0x6e: {  	[tilespmem:$0x45D0] =	vst v0  }
0x6f: {  	[tilespmem:$0x45E0] =	vst v0  }
0x70: {  	[tilespmem:$0x45F0] =	vst v0  }
0x71: {  	[tilespmem:$0x4600] =	vst v0  }
0x72: {  	[tilespmem:$0x4610] =	vst v0  }
0x73: {  	[tilespmem:$0x4620] =	vst v0  }
0x74: {  	[tilespmem:$0x4630] =	vst v0  }
0x75: {  	[tilespmem:$0x4640] =	vst v0  }
0x76: {  	[tilespmem:$0x4650] =	vst v0  }
0x77: {  	[tilespmem:$0x4660] =	vst v0  }
0x78: {  	[tilespmem:$0x4670] =	vst v0  }
0x79: {  	[tilespmem:$0x4680] =	vst v0  }
0x7a: {  	[tilespmem:$0x4690] =	vst v0  }
0x7b: {  	[tilespmem:$0x46A0] =	vst v0  }
0x7c: {  	[tilespmem:$0x46B0] =	vst v0  }
0x7d: {  	[tilespmem:$0x46C0] =	vst v0  }
0x7e: {  	[tilespmem:$0x46D0] =	vst v0  }
0x7f: {  	[tilespmem:$0x46E0] =	vst v0  }
0x80: {  	[tilespmem:$0x46F0] =	vst v0  }
0x81: {  	[tilespmem:$0x4700] =	vst v0  }
0x82: {  	[tilespmem:$0x4710] =	vst v0  }
0x83: {  	[tilespmem:$0x4720] =	vst v0  }
0x84: {  	[tilespmem:$0x4730] =	vst v0  }
0x85: {  	[tilespmem:$0x4740] =	vst v0  }
0x86: {  	[tilespmem:$0x4750] =	vst v0  }
0x87: {  	[tilespmem:$0x4760] =	vst v0  }
0x88: {  	[tilespmem:$0x4770] =	vst v0  }
0x89: {  	[tilespmem:$0x4780] =	vst v0  }
0x8a: {  	[tilespmem:$0x4790] =	vst v0  }
0x8b: {  	[tilespmem:$0x47A0] =	vst v0  }
0x8c: {  	[tilespmem:$0x47B0] =	vst v0  }
0x8d: {  	[tilespmem:$0x47C0] =	vst v0  }
0x8e: {  	[tilespmem:$0x47D0] =	vst v0  }
0x8f: {  	[tilespmem:$0x47E0] =	vst v0  }
0x90: {  	[tilespmem:$0x47F0] =	vst v0  }
0x91: {  	[tilespmem:$0x4800] =	vst v0  }
0x92: {  	[tilespmem:$0x4810] =	vst v0  }
0x93: {  	[tilespmem:$0x4820] =	vst v0  }
0x94: {  	[tilespmem:$0x4830] =	vst v0  }
0x95: {  	[tilespmem:$0x4840] =	vst v0  }
0x96: {  	[tilespmem:$0x4850] =	vst v0  }
0x97: {  	[tilespmem:$0x4860] =	vst v0  }
0x98: {  	[tilespmem:$0x4870] =	vst v0  }
0x99: {  	[tilespmem:$0x4880] =	vst v0  }
0x9a: {  	[tilespmem:$0x4890] =	vst v0  }
0x9b: {  	[tilespmem:$0x48A0] =	vst v0  }
0x9c: {  	[tilespmem:$0x48B0] =	vst v0  }
0x9d: {  	[tilespmem:$0x48C0] =	vst v0  }
0x9e: {  	[tilespmem:$0x48D0] =	vst v0  }
0x9f: {  	[tilespmem:$0x48E0] =	vst v0  }
0xa0: {  	[tilespmem:$0x48F0] =	vst v0  }
0xa1: {  	[tilespmem:$0x4900] =	vst v0  }
0xa2: {  	[tilespmem:$0x4910] =	vst v0  }
0xa3: {  	[tilespmem:$0x4920] =	vst v0  }
0xa4: {  	[tilespmem:$0x4930] =	vst v0  }
0xa5: {  	[tilespmem:$0x4940] =	vst v0  }
0xa6: {  	[tilespmem:$0x4950] =	vst v0  }
0xa7: {  	[tilespmem:$0x4960] =	vst v0  }
0xa8: {  	[tilespmem:$0x4970] =	vst v0  }
0xa9: {  	[tilespmem:$0x4980] =	vst v0  }
0xaa: {  	[tilespmem:$0x4990] =	vst v0  }
0xab: {  	[tilespmem:$0x49A0] =	vst v0  }
0xac: {  	[tilespmem:$0x49B0] =	vst v0  }
0xad: {  	[tilespmem:$0x49C0] =	vst v0  }
0xae: {  	[tilespmem:$0x49D0] =	vst v0  }
0xaf: {  	[tilespmem:$0x49E0] =	vst v0  }
0xb0: {  	[tilespmem:$0x49F0] =	vst v0  }
0xb1: {  	[tilespmem:$0x4A00] =	vst v0  }
0xb2: {  	[tilespmem:$0x4A10] =	vst v0  }
0xb3: {  	[tilespmem:$0x4A20] =	vst v0  }
0xb4: {  	[tilespmem:$0x4A30] =	vst v0  }
0xb5: {  	[tilespmem:$0x4A40] =	vst v0  }
0xb6: {  	[tilespmem:$0x4A50] =	vst v0  }
0xb7: {  	[tilespmem:$0x4A60] =	vst v0  }
0xb8: {  	[tilespmem:$0x4A70] =	vst v0  }
0xb9: {  	[tilespmem:$0x4A80] =	vst v0  }
0xba: {  	[tilespmem:$0x4A90] =	vst v0  }
0xbb: {  	[tilespmem:$0x4AA0] =	vst v0  }
0xbc: {  	[tilespmem:$0x4AB0] =	vst v0  }
0xbd: {  	[tilespmem:$0x4AC0] =	vst v0  }
0xbe: {  	[tilespmem:$0x4AD0] =	vst v0  }
0xbf: {  	[tilespmem:$0x4AE0] =	vst v0  }
0xc0: {  	[tilespmem:$0x4AF0] =	vst v0  }
0xc1: {  	[tilespmem:$0x4B00] =	vst v0  }
0xc2: {  	[tilespmem:$0x4B10] =	vst v0  }
0xc3: {  	[tilespmem:$0x4B20] =	vst v0  }
0xc4: {  	[tilespmem:$0x4B30] =	vst v0  }
0xc5: {  	[tilespmem:$0x4B40] =	vst v0  }
0xc6: {  	[tilespmem:$0x4B50] =	vst v0  }
0xc7: {  	[tilespmem:$0x4B60] =	vst v0  }
0xc8: {  	[tilespmem:$0x4B70] =	vst v0  }
0xc9: {  	[tilespmem:$0x4B80] =	vst v0  }
0xca: {  	[tilespmem:$0x4B90] =	vst v0  }
0xcb: {  	[tilespmem:$0x4BA0] =	vst v0  }
0xcc: {  	[tilespmem:$0x4BB0] =	vst v0  }
0xcd: {  	[tilespmem:$0x4BC0] =	vst v0  }
0xce: {  	[tilespmem:$0x4BD0] =	vst v0  }
0xcf: {  	[tilespmem:$0x4BE0] =	vst v0  }
0xd0: {  	[tilespmem:$0x4BF0] =	vst v0  }
0xd1: {  	[tilespmem:$0x4C00] =	vst v0  }
0xd2: {  	[tilespmem:$0x4C10] =	vst v0  }
0xd3: {  	[tilespmem:$0x4C20] =	vst v0  }
0xd4: {  	[tilespmem:$0x4C30] =	vst v0  }
0xd5: {  	[tilespmem:$0x4C40] =	vst v0  }
0xd6: {  	[tilespmem:$0x4C50] =	vst v0  }
0xd7: {  	[tilespmem:$0x4C60] =	vst v0  }
0xd8: {  	[tilespmem:$0x4C70] =	vst v0  }
0xd9: {  	[tilespmem:$0x4C80] =	vst v0  }
0xda: {  	[tilespmem:$0x4C90] =	vst v0  }
0xdb: {  	[tilespmem:$0x4CA0] =	vst v0  }
0xdc: {  	[tilespmem:$0x4CB0] =	vst v0  }
0xdd: {  	[tilespmem:$0x4CC0] =	vst v0  }
0xde: {  	[tilespmem:$0x4CD0] =	vst v0  }
0xdf: {  	[tilespmem:$0x4CE0] =	vst v0  }
0xe0: {  	[tilespmem:$0x4CF0] =	vst v0  }
0xe1: {  	[tilespmem:$0x4D00] =	vst v0  }
0xe2: {  	[tilespmem:$0x4D10] =	vst v0  }
0xe3: {  	[tilespmem:$0x4D20] =	vst v0  }
0xe4: {  	[tilespmem:$0x4D30] =	vst v0  }
0xe5: {  	[tilespmem:$0x4D40] =	vst v0  }
0xe6: {  	[tilespmem:$0x4D50] =	vst v0  }
0xe7: {  	[tilespmem:$0x4D60] =	vst v0  }
0xe8: {  	[tilespmem:$0x4D70] =	vst v0  }
0xe9: {  	[tilespmem:$0x4D80] =	vst v0  }
0xea: {  	[tilespmem:$0x4D90] =	vst v0  }
0xeb: {  	[tilespmem:$0x4DA0] =	vst v0  }
0xec: {  	[tilespmem:$0x4DB0] =	vst v0  }
0xed: {  	[tilespmem:$0x4DC0] =	vst v0  }
0xee: {  	[tilespmem:$0x4DD0] =	vst v0  }
0xef: {  	[tilespmem:$0x4DE0] =	vst v0  }
0xf0: {  	[tilespmem:$0x4DF0] =	vst v0  }
0xf1: {  	[tilespmem:$0x4E00] =	vst v0  }
0xf2: {  	[tilespmem:$0x4E10] =	vst v0  }
0xf3: {  	[tilespmem:$0x4E20] =	vst v0  }
0xf4: {  	[tilespmem:$0x4E30] =	vst v0  }
0xf5: {  	[tilespmem:$0x4E40] =	vst v0  }
0xf6: {  	[tilespmem:$0x4E50] =	vst v0  }
0xf7: {  	[tilespmem:$0x4E60] =	vst v0  }
0xf8: {  	[tilespmem:$0x4E70] =	vst v0  }
0xf9: {  	[tilespmem:$0x4E80] =	vst v0  }
0xfa: {  	[tilespmem:$0x4E90] =	vst v0  }
0xfb: {  	[tilespmem:$0x4EA0] =	vst v0  }
0xfc: {  	[tilespmem:$0x4EB0] =	vst v0  }
0xfd: {  	[tilespmem:$0x4EC0] =	vst v0  }
0xfe: {  	[tilespmem:$0x4ED0] =	vst v0  }
0xff: {  	[tilespmem:$0x4EE0] =	vst v0  }
0x100: {  	[tilespmem:$0x4EF0] =	vst v0  }
0x101: {  	[tilespmem:$0x4F00] =	vst v0  }
0x102: {  	[tilespmem:$0x4F10] =	vst v0  }
0x103: {  	[tilespmem:$0x4F20] =	vst v0  }
0x104: {  	[tilespmem:$0x4F30] =	vst v0  }
0x105: {  	[tilespmem:$0x4F40] =	vst v0  }
0x106: {  	[tilespmem:$0x4F50] =	vst v0  }
0x107: {  	[tilespmem:$0x4F60] =	vst v0  }
0x108: {  	[tilespmem:$0x4F70] =	vst v0  }
0x109: {  	[tilespmem:$0x4F80] =	vst v0  }
0x10a: {  	[tilespmem:$0x4F90] =	vst v0  }
0x10b: {  	[tilespmem:$0x4FA0] =	vst v0  }
0x10c: {  	[tilespmem:$0x4FB0] =	vst v0  }
0x10d: {  	[tilespmem:$0x4FC0] =	vst v0  }
0x10e: {  	[tilespmem:$0x4FD0] =	vst v0  }
0x10f: {  	[tilespmem:$0x4FE0] =	vst v0  }
0x110: {  	[tilespmem:$0x4FF0] =	vst v0  }
0x111: {  	[tilespmem:s8], [sflag:$0x3] =	stream.linear.gather [hbm4b:s4+s2], $0x80, $0x38;
	[tilespmem:$0x5080] =	vst v63  }
0x112: {  	_ =	swait.ge [sflag:s9], $0x80  }
0x113: {  	[sflag:s9] =	ssyncset.done $0x0  }
0x114: {  	[sflag:s9] =	ssyncadd.s32 $0xFFFFFF80  }
0x115: {  	_ =	swait.ge [sflag:s10], $0x2000  }
0x116: {  	[sflag:s10] =	ssyncset.done $0x0  }
0x117: {  	s17 =	simm.s32 $0x200;
	s18 =	simm.s32 $0x0;
	[sflag:s10] =	ssyncadd.s32 $0xFFFFE000  }
0x118: {  	[tilespmem:s11], [sflag:$0x2] =	stream.linear.gather [hbm4b:s5+s2], $0x2000, $0x38;
	[tilespmem:$0x5080] =	vst v63  }
.LBB2_2:
0x119: {  	v18 =	vld [tilespmem:s17+$0xFFFFFE00]  }
0x11a: {  	v19 =	vld [tilespmem:s17+$0xFFFFFE10]  }
0x11b: {  	v21 =	vld [tilespmem:s17+$0xFFFFFE20]  }
0x11c: {  	v26 =	vld [tilespmem:s17+$0xFFFFFE30]  }
0x11d: {  	v36 =	vld [tilespmem:s17+$0xFFFFFE40]  }
0x11e: {  	v37 =	vld [tilespmem:s17+$0xFFFFFE50]  }
0x11f: {  	v38 =	vld [tilespmem:s17+$0xFFFFFE60]  }
0x120: {  	v12 =	vld [tilespmem:s17+$0xFFFFFE70];
	_ =	sdelay $0x1  }
0x121: {  	v13 =	vmul.f32 v18, v18;
	v14 =	vmul.f32 v19, v19  }
0x122: {  	v15 =	vmul.f32 v21, v21;
	v16 =	vmul.f32 v26, v26  }
0x123: {  	v17 =	vmul.f32 v36, v36;
	v20 =	vmul.f32 v37, v37  }
0x124: {  	v22 =	vmul.f32 v38, v38;
	v23 =	vmul.f32 v12, v12  }
0x125: {  	v13 =	vadd.f32 v14, v13;
	v39 =	vadd.f32 v16, v15  }
0x126: {  	v40 =	vadd.f32 v20, v17;
	v41 =	vadd.f32 v23, v22;
	_ =	sdelay $0x1  }
0x127: {  	v13 =	vadd.f32 v39, v13;
	v42 =	vadd.f32 v41, v40;
	_ =	sdelay $0x1  }
0x128: {  	v13 =	vadd.f32 v42, v13;
	_ =	sdelay $0x1  }
0x129: {  	v29 =	vld [tilespmem:s17+$0xFFFFFE90];
	(xrf2) =	vadd.scan.msk.f32 $0xffff, v13  }
0x12a: {  	v25 =	vld [tilespmem:s17+$0xFFFFFEA0]  }
0x12b: {  	v24 =	vld [tilespmem:s17+$0xFFFFFEB0]  }
0x12c: {  	v23 =	vld [tilespmem:s17+$0xFFFFFEC0]  }
0x12d: {  	v22 =	vld [tilespmem:s17+$0xFFFFFED0]  }
0x12e: {  	v20 =	vld [tilespmem:s17+$0xFFFFFEE0]  }
0x12f: {  	v39 =	vld [tilespmem:s17+$0xFFFFFE80]  }
0x130: {  	v13 =	vld [tilespmem:s17+$0xFFFFFEF0]  }
0x131: {  	v45 =	vmul.f32 v29, v29  }
0x132: {  	v46 =	vmul.f32 v25, v25;
	v47 =	vmul.f32 v24, v24  }
0x133: {  	v27 =	vmul.f32 v23, v23;
	v28 =	vmul.f32 v22, v22;
	v43, _, _ =	vpop (xrf2)  }
0x134: {  	v52 =	vmov s18;
	v30 =	vmul.f32 v20, v20;
	v33 =	vperm.xlane v43, v1  }
0x135: {  	v48 =	vadd.f32 v47, v46;
	v44 =	vmul.f32 v39, v39;
	v31 =	vmul.f32 v13, v13  }
0x136: {  	v50 =	vadd.f32 v28, v27;
	v32 =	vshra.s32 v33, $0x1;
	v49 =	vmul.f32 $-5.000000000e-01, v33  }
0x137: {  	v14 =	vadd.f32 v45, v44;
	v51 =	vadd.f32 v31, v30;
	v53 =	vsub.s32 $0x5F3759DF, v32  }
0x138: {  	v56 =	vand.u32 $0xFFFFFFF8, v52;
	v54 =	vmul.f32 v53, v49  }
0x139: {  	v17 =	vbroadcast v56, $0x0;
	v14 =	vadd.f32 v48, v14;
	v55 =	vadd.f32 v51, v50  }
0x13a: {  	v57 =	vmul.f32 v53, v54  }
0x13b: {  	v14 =	vadd.f32 v55, v14  }
0x13c: {  	v58 =	vadd.f32 $1.500000000e+00, v57  }
0x13d: {  	(xrf2) =	vadd.scan.msk.f32 $0xffff, v14  }
0x13e: {  	v16 =	vld [tilespmem:s17+$0xFFFFFF20];
	v15 =	vmul.f32 v53, v58  }
0x13f: {  	v59 =	vld.idx.msk [tilespmem:v17+s8+$0x0], $0xffff  }
0x140: {  	v17 =	vld [tilespmem:s17+$0xFFFFFF30];
	v60 =	vmul.f32 v15, v49  }
0x141: {  	v28 =	vld [tilespmem:s17+$0xFFFFFF00]  }
0x142: {  	v27 =	vld [tilespmem:s17+$0xFFFFFF10];
	v14 =	vmul.f32 v60, v15  }
0x143: {  	v31 =	vld [tilespmem:s17+$0xFFFFFF60]  }
0x144: {  	s19 =	sadd.s32 $0x1, s18;
	v32 =	vld [tilespmem:s17+$0xFFFFFF70];
	v61 =	vadd.f32 $1.500000000e+00, v14  }
0x145: {  	v45 =	vmov s19;
	v14 =	vld [tilespmem:s17+$0xFFFFFF40]  }
0x146: {  	v46 =	vmul.f32 v16, v16;
	v45 =	vand.u32 $0xFFFFFFF9, v45;
	v34 =	vmul.f32 v61, v15;
	v15 =	vld [tilespmem:s17+$0xFFFFFF50]  }
0x147: {  	v47 =	vmul.f32 v17, v17;
	v45 =	vbroadcast v45, $0x0;
	v62, _, _ =	vpop (xrf2)  }
0x148: {  	v41 =	vshll.u32 v59, $0x8;
	v44 =	vmul.f32 v27, v27;
	v30 =	vperm.xlane v62, v1  }
0x149: {  	v63 =	vor.u32 v3, v41;
	v43 =	vmul.f32 v28, v28;
	v51 =	vmul.f32 v31, v31  }
0x14a: {  	v42 =	vor.u32 v4, v41;
	v52 =	vmul.f32 v32, v32;
	v35 =	vmul.f32 $-5.000000000e-01, v30  }
0x14b: {  	v50 =	vshra.s32 v30, $0x1;
	v48 =	vmul.f32 v14, v14;
	v49 =	vmul.f32 v15, v15  }
0x14c: {  	v56 =	vadd.f32 v47, v46;
	v43 =	vadd.f32 v44, v43;
	v50 =	vsub.s32 $0x5F3759DF, v50  }
0x14d: {  	v59 =	vadd.f32 v52, v51;
	v57 =	vmul.f32 v50, v35;
	v58 =	vadd.f32 v49, v48  }
0x14e: {  	v43 =	vadd.f32 v56, v43;
	v53 =	vld.idx.msk [tilespmem:v45+s8+$0x0], $0xffff;
	v60 =	vor.u32 v5, v41;
	v40 =	vmin.f32 v34, $9.999999950e+11  }
0x14f: {  	v46 =	vmul.f32 v50, v57;
	v34 =	vld [tilespmem:s17+$0xFFFFFF80];
	v18 =	vmul.f32 v40, v18;
	v62 =	vadd.f32 v59, v58  }
0x150: {  	v55 =	vmul.f32 v40, v33;
	v33 =	vld [tilespmem:s17+$0xFFFFFFA0]  }
0x151: {  	v19 =	vmul.f32 v40, v19;
	v46 =	vadd.f32 $1.500000000e+00, v46;
	[tilespmem:v63+s12+$0x0] =	vst.idx.add.f32.msk $0xffff, v18;
	v47 =	vadd.f32 v62, v43  }
0x152: {  	v63 =	vmul.f32 v40, v21;
	v21 =	vld [tilespmem:s17+$0xFFFFFFB0]  }
0x153: {  	v52 =	vmul.f32 v50, v46;
	[tilespmem:v42+s12+$0x0] =	vst.idx.add.f32.msk $0xffff, v19;
	(xrf2) =	vadd.scan.msk.f32 $0xffff, v47  }
0x154: {  	v61 =	vor.u32 v6, v41;
	v36 =	vmul.f32 v40, v36;
	[tilespmem:v60+s12+$0x0] =	vst.idx.add.f32.msk $0xffff, v63  }
0x155: {  	v57 =	vor.u32 v7, v41;
	v37 =	vmul.f32 v40, v37;
	v54 =	vmul.f32 v52, v35;
	v35 =	vld [tilespmem:s17+$0xFFFFFF90]  }
0x156: {  	v19 =	vmul.f32 v55, v40;
	v48 =	vmul.f32 v40, v26;
	v26 =	vld [tilespmem:s17+$0xFFFFFFE0]  }
0x157: {  	v38 =	vmul.f32 v40, v38;
	v42 =	vshll.u32 v53, $0x8;
	v40 =	vmul.f32 v40, v12;
	v12 =	vld [tilespmem:s17+$0xFFFFFFF0]  }
0x158: {  	v50 =	vor.u32 v3, v42;
	v45 =	vsel vm0, v19, v2;
	v19 =	vld [tilespmem:s17+$0xFFFFFFD0];
	v18 =	vmul.f32 v54, v52  }
0x159: {  	v53 =	vor.u32 v4, v42;
	[tilespmem:v61+s12+$0x0] =	vst.idx.add.f32.msk $0xffff, v48;
	v58 =	vor.u32 v8, v41  }
0x15a: {  	v60 =	vmul.f32 v33, v33;
	[tilespmem:v57+s12+$0x0] =	vst.idx.add.f32.msk $0xffff, v36;
	v36 =	vmul.f32 v34, v34;
	v56 =	vadd.f32 $1.500000000e+00, v18  }
0x15b: {  	v61 =	vmul.f32 v21, v21;
	v18 =	vld [tilespmem:s17+$0xFFFFFFC0];
	v44 =	vmul.f32 v35, v35;
	v47 =	vor.u32 v9, v41  }
0x15c: {  	v48 =	vor.u32 v10, v41;
	v63 =	vmul.f32 v26, v26;
	v43 =	vmul.f32 v56, v52  }
0x15d: {  	v41 =	vor.u32 v11, v41;
	v55 =	vmul.f32 v19, v19;
	v56 =	vmul.f32 v12, v12;
	v59, _, _ =	vpop (xrf2)  }
0x15e: {  	[tilespmem:v58+s12+$0x0] =	vst.idx.add.f32.msk $0xffff, v37;
	v36 =	vadd.f32 v44, v36;
	v43 =	vmin.f32 v43, $9.999999950e+11;
	v49 =	vperm.xlane v59, v1  }
0x15f: {  	v46 =	vadd.f32 v56, v63;
	v63 =	vor.u32 v6, v42;
	v39 =	vmul.f32 v43, v39  }
0x160: {  	v54 =	vmul.f32 v18, v18;
	v29 =	vmul.f32 v43, v29;
	[tilespmem:v47+s12+$0x0] =	vst.idx.add.f32.msk $0xffff, v38;
	v62 =	vshra.s32 v49, $0x1  }
0x161: {  	[tilespmem:v50+s12+$0x0] =	vst.idx.add.f32.msk $0xffff, v39;
	v58 =	vmul.f32 $-5.000000000e-01, v49;
	v37 =	vsub.s32 $0x5F3759DF, v62;
	v62 =	vor.u32 v5, v42  }
0x162: {  	[tilespmem:v48+s12+$0x0] =	vst.idx.add.f32.msk $0xffff, v40;
	v59 =	vadd.f32 v61, v60;
	v60 =	vadd.f32 v55, v54  }
0x163: {  	s25 =	sadd.s32 $0x2, s18;
	v25 =	vmul.f32 v43, v25;
	[tilespmem:v53+s12+$0x0] =	vst.idx.add.f32.msk $0xffff, v29;
	v61 =	vmul.f32 v37, v58  }
0x164: {  	v50 =	vmov s25;
	v29 =	vld [tilespmem:s17+$0x50];
	v36 =	vadd.f32 v59, v36;
	v40 =	vadd.f32 v46, v60  }
0x165: {  	v52 =	vand.u32 $0xFFFFFFFA, v50;
	[tilespmem:v41+s12+$0x0] =	vst.idx.add.f32.msk $0xffff, v45;
	v41 =	vmul.f32 v37, v61  }
0x166: {  	v48 =	vor.u32 v7, v42;
	v36 =	vadd.f32 v40, v36;
	v40 =	vbroadcast v52, $0x0;
	[tilespmem:v62+s12+$0x0] =	vst.idx.add.f32.msk $0xffff, v25  }
0x167: {  	v24 =	vmul.f32 v43, v24;
	v41 =	vadd.f32 $1.500000000e+00, v41;
	v25 =	vld [tilespmem:s17+$0x30]  }
0x168: {  	v51 =	vor.u32 v8, v42;
	v62 =	vmul.f32 v43, v13;
	v13 =	vld [tilespmem:s17+$0x70]  }
0x169: {  	v23 =	vmul.f32 v43, v23;
	[tilespmem:v63+s12+$0x0] =	vst.idx.add.f32.msk $0xffff, v24;
	v54 =	vmul.f32 v37, v41  }
0x16a: {  	v53 =	vor.u32 v9, v42;
	(xrf2) =	vadd.scan.msk.f32 $0xffff, v36;
	v24 =	vld [tilespmem:s17+$0x20]  }
0x16b: {  	v59 =	vor.u32 v10, v42;
	[tilespmem:v48+s12+$0x0] =	vst.idx.add.f32.msk $0xffff, v23;
	v55 =	vmul.f32 v54, v58  }
0x16c: {  	v22 =	vmul.f32 v43, v22;
	v57 =	vld.idx.msk [tilespmem:v40+s8+$0x0], $0xffff  }
0x16d: {  	v20 =	vmul.f32 v43, v20;
	v37 =	vld [tilespmem:s17+$0x10];
	v56 =	vmul.f32 v55, v54  }
0x16e: {  	[tilespmem:v51+s12+$0x0] =	vst.idx.add.f32.msk $0xffff, v22  }
0x16f: {  	v60 =	vor.u32 v11, v42;
	[tilespmem:v53+s12+$0x0] =	vst.idx.add.f32.msk $0xffff, v20;
	v20 =	vadd.f32 $1.500000000e+00, v56  }
0x170: {  	s26 =	sadd.s32 $0x3, s18;
	v58 =	vmul.f32 v43, v30;
	[tilespmem:v59+s12+$0x0] =	vst.idx.add.f32.msk $0xffff, v62;
	v59 =	vmul.f32 v25, v25  }
0x171: {  	v36 =	vld [tilespmem:s17+$0x0];
	v53 =	vmov s26;
	v62 =	vmul.f32 v29, v29;
	v20 =	vmul.f32 v20, v54  }
0x172: {  	v22 =	vld [tilespmem:s17+$0x40];
	v23 =	vmul.f32 v58, v43;
	v55 =	vand.u32 $0xFFFFFFFB, v53;
	v40 =	vshll.u32 v57, $0x8  }
0x173: {  	v58 =	vmul.f32 v24, v24;
	v63 =	vor.u32 v3, v40;
	v39 =	vmin.f32 v20, $9.999999950e+11;
	v20 =	vld [tilespmem:s17+$0x60]  }
0x174: {  	v53 =	vmul.f32 v13, v13;
	v30 =	vbroadcast v55, $0x0;
	v61, _, _ =	vpop (xrf2);
	v23 =	vsel vm0, v23, v2  }
0x175: {  	v56 =	vmul.f32 v37, v37;
	v57 =	vor.u32 v4, v40;
	v41 =	vperm.xlane v61, v1  }
0x176: {  	[tilespmem:v60+s12+$0x0] =	vst.idx.add.f32.msk $0xffff, v23;
	v23 =	vmul.f32 v36, v36;
	v28 =	vmul.f32 v39, v28  }
0x177: {  	v61 =	vmul.f32 v22, v22;
	v54 =	vshra.s32 v41, $0x1;
	v45 =	vmul.f32 $-5.000000000e-01, v41  }
0x178: {  	v60 =	vor.u32 v5, v40;
	v44 =	vsub.s32 $0x5F3759DF, v54;
	[tilespmem:v63+s12+$0x0] =	vst.idx.add.f32.msk $0xffff, v28;
	v63 =	vmul.f32 v20, v20  }
0x179: {  	v23 =	vadd.f32 v56, v23;
	v55 =	vadd.f32 v62, v61;
	v42 =	vmul.f32 v44, v45  }
0x17a: {  	v54 =	vadd.f32 v59, v58;
	v27 =	vmul.f32 v39, v27;
	v28 =	vadd.f32 v53, v63  }
0x17b: {  	v16 =	vmul.f32 v39, v16;
	v38 =	vld.idx.msk [tilespmem:v30+s8+$0x0], $0xffff;
	v42 =	vmul.f32 v44, v42  }
0x17c: {  	[tilespmem:v57+s12+$0x0] =	vst.idx.add.f32.msk $0xffff, v27;
	v57 =	vadd.f32 v54, v23;
	v58 =	vadd.f32 v28, v55  }
0x17d: {  	v30 =	vld [tilespmem:s17+$0x80]  }
0x17e: {  	v56 =	vadd.f32 $1.500000000e+00, v42;
	[tilespmem:v60+s12+$0x0] =	vst.idx.add.f32.msk $0xffff, v16;
	v16 =	vadd.f32 v58, v57  }
0x17f: {  	v59 =	vmul.f32 v39, v49;
	v62 =	vmul.f32 v39, v17;
	v17 =	vld [tilespmem:s17+$0xD0]  }
0x180: {  	v49 =	vmul.f32 v39, v15;
	v15 =	vld [tilespmem:s17+$0xF0];
	v42 =	vmul.f32 v44, v56;
	(xrf2) =	vadd.scan.msk.f32 $0xffff, v16  }
0x181: {  	v23 =	vld [tilespmem:s17+$0x90]  }
0x182: {  	v48 =	vor.u32 v7, v40;
	v50 =	vor.u32 v8, v40;
	v27 =	vld [tilespmem:s17+$0xA0];
	v60 =	vmul.f32 v42, v45  }
0x183: {  	v52 =	vor.u32 v10, v40;
	v47 =	vmul.f32 v39, v14;
	v14 =	vld [tilespmem:s17+$0xE0];
	v61 =	vmul.f32 v59, v39  }
0x184: {  	v31 =	vmul.f32 v39, v31;
	v63 =	vor.u32 v6, v40;
	v28 =	vld [tilespmem:s17+$0xB0];
	v43 =	vmul.f32 v60, v42  }
0x185: {  	v32 =	vmul.f32 v39, v32;
	v44 =	vsel vm0, v61, v2;
	v61 =	vmul.f32 v17, v17;
	v16 =	vld [tilespmem:s17+$0xC0]  }
0x186: {  	v51 =	vmul.f32 v23, v23;
	v45 =	vshll.u32 v38, $0x8;
	v43 =	vadd.f32 $1.500000000e+00, v43  }
0x187: {  	v53 =	vmul.f32 v27, v27;
	v59 =	vor.u32 v3, v45;
	v57 =	vmul.f32 v15, v15  }
0x188: {  	v39 =	vmul.f32 v43, v42;
	v42 =	vor.u32 v9, v40;
	v43 =	vmul.f32 v30, v30  }
0x189: {  	[tilespmem:v63+s12+$0x0] =	vst.idx.add.f32.msk $0xffff, v62;
	v63 =	vmul.f32 v14, v14;
	v54 =	vmul.f32 v28, v28  }
0x18a: {  	[tilespmem:v48+s12+$0x0] =	vst.idx.add.f32.msk $0xffff, v47;
	v38 =	vadd.f32 v51, v43;
	v60 =	vmul.f32 v16, v16;
	v62, _, _ =	vpop (xrf2)  }
0x18b: {  	[tilespmem:v50+s12+$0x0] =	vst.idx.add.f32.msk $0xffff, v49;
	v43 =	vadd.f32 v54, v53;
	v39 =	vmin.f32 v39, $9.999999950e+11;
	v58 =	vperm.xlane v62, v1  }
0x18c: {  	v46 =	vadd.f32 v57, v63;
	v55 =	vmul.f32 v39, v34;
	v34 =	vld [tilespmem:s17+$0x110];
	v60 =	vadd.f32 v61, v60  }
0x18d: {  	v38 =	vadd.f32 v43, v38;
	[tilespmem:v42+s12+$0x0] =	vst.idx.add.f32.msk $0xffff, v31;
	v62 =	vshra.s32 v58, $0x1;
	v63 =	vmul.f32 $-5.000000000e-01, v58  }
0x18e: {  	v61 =	vor.u32 v4, v45;
	[tilespmem:v59+s12+$0x0] =	vst.idx.add.f32.msk $0xffff, v55;
	v49 =	vadd.f32 v46, v60;
	v48 =	vsub.s32 $0x5F3759DF, v62  }
0x18f: {  	v31 =	vld [tilespmem:s17+$0x130];
	v53 =	vmul.f32 v48, v63  }
0x190: {  	s28 =	sadd.s32 $0x4, s18;
	v50 =	vor.u32 v5, v45;
	v55 =	vmul.f32 v39, v18;
	v18 =	vld [tilespmem:s17+$0x160];
	v56 =	vadd.f32 v49, v38  }
0x191: {  	v51 =	vmov s28;
	v35 =	vmul.f32 v39, v35;
	[tilespmem:v52+s12+$0x0] =	vst.idx.add.f32.msk $0xffff, v32;
	v57 =	vmul.f32 v48, v53  }
0x192: {  	v42 =	vand.u32 $0xFFFFFFFC, v51;
	v32 =	vld [tilespmem:s17+$0x120];
	(xrf2) =	vadd.scan.msk.f32 $0xffff, v56  }
0x193: {  	v59 =	vmul.f32 v39, v33;
	v42 =	vbroadcast v42, $0x0;
	[tilespmem:v61+s12+$0x0] =	vst.idx.add.f32.msk $0xffff, v35;
	v60 =	vadd.f32 $1.500000000e+00, v57  }
0x194: {  	v51 =	vmul.f32 v39, v12;
	v35 =	vld [tilespmem:s17+$0x100];
	v61 =	vmul.f32 v39, v41  }
0x195: {  	v40 =	vor.u32 v11, v40;
	v12 =	vld [tilespmem:s17+$0x1A0];
	v46 =	vmul.f32 v31, v31;
	v38 =	vmul.f32 v48, v60  }
0x196: {  	[tilespmem:v50+s12+$0x0] =	vst.idx.add.f32.msk $0xffff, v59;
	v56 =	vmul.f32 v39, v19;
	v50 =	vmul.f32 v39, v26  }
0x197: {  	v62 =	vor.u32 v6, v45;
	v53 =	vmul.f32 v39, v21;
	v21 =	vld [tilespmem:s17+$0x150];
	v33 =	vmul.f32 v38, v63  }
0x198: {  	v19 =	vld [tilespmem:s17+$0x170];
	v59 =	vmul.f32 v34, v34;
	v41 =	vmul.f32 v32, v32  }
0x199: {  	v42 =	vld.idx.msk [tilespmem:v42+s8+$0x0], $0xffff;
	v26 =	vmul.f32 v35, v35;
	v63 =	vor.u32 v7, v45;
	v52 =	vmul.f32 v33, v38  }
0x19a: {  	v54 =	vor.u32 v8, v45;
	v41 =	vadd.f32 v46, v41;
	v33 =	vld [tilespmem:s17+$0x140]  }
0x19b: {  	v47 =	vor.u32 v9, v45;
	[tilespmem:v40+s12+$0x0] =	vst.idx.add.f32.msk $0xffff, v44;
	v59 =	vadd.f32 v59, v26;
	v44 =	vadd.f32 $1.500000000e+00, v52  }
0x19c: {  	v43 =	vmul.f32 v61, v39;
	[tilespmem:v62+s12+$0x0] =	vst.idx.add.f32.msk $0xffff, v53;
	v61 =	vmul.f32 v21, v21;
	v57, _, _ =	vpop (xrf2)  }
0x19d: {  	v39 =	vld [tilespmem:s17+$0x1B0];
	v41 =	vadd.f32 v41, v59;
	v40 =	vmul.f32 v44, v38;
	v44 =	vperm.xlane v57, v1  }
0x19e: {  	[tilespmem:v63+s12+$0x0] =	vst.idx.add.f32.msk $0xffff, v55;
	v63 =	vmul.f32 v18, v18;
	v57 =	vmul.f32 v19, v19  }
0x19f: {  	[tilespmem:v54+s12+$0x0] =	vst.idx.add.f32.msk $0xffff, v56;
	v56 =	vshll.u32 v42, $0x8;
	v60 =	vmul.f32 v33, v33;
	v62 =	vshra.s32 v44, $0x1  }
0x1a0: {  	v26 =	vld [tilespmem:s17+$0x180];
	v54 =	vmul.f32 $-5.000000000e-01, v44;
	v52 =	vmin.f32 v40, $9.999999950e+11;
	v46 =	vsub.s32 $0x5F3759DF, v62  }
0x1a1: {  	v42 =	vld [tilespmem:s17+$0x1E0];
	v48 =	vadd.f32 v61, v60;
	v60 =	vadd.f32 v57, v63;
	v62 =	vmul.f32 v52, v58  }
0x1a2: {  	v38 =	vld [tilespmem:s17+$0x190];
	v63 =	vor.u32 v10, v45;
	v45 =	vor.u32 v11, v45;
	v61 =	vmul.f32 v46, v54  }
0x1a3: {  	s29 =	sadd.s32 $0x5, s18;
	v40 =	vld [tilespmem:s17+$0x1C0];
	v59 =	vmul.f32 v52, v36;
	v48 =	vadd.f32 v60, v48;
	v53 =	vmul.f32 v62, v52  }
0x1a4: {  	v36 =	vld [tilespmem:s17+$0x1F0];
	v62 =	vmov s29;
	v60 =	vmul.f32 v46, v61;
	v61 =	vor.u32 v3, v56  }
0x1a5: {  	v43 =	vsel vm0, v43, v2;
	v58 =	vand.u32 $0xFFFFFFFD, v62;
	v48 =	vadd.f32 v48, v41;
	v41 =	vld [tilespmem:s17+$0x1D0]  }
0x1a6: {  	[tilespmem:v47+s12+$0x0] =	vst.idx.add.f32.msk $0xffff, v50;
	v62 =	vmul.f32 v42, v42;
	v47 =	vbroadcast v58, $0x0;
	v55 =	vadd.f32 $1.500000000e+00, v60  }
0x1a7: {  	v58 =	vmul.f32 v39, v39;
	[tilespmem:v63+s12+$0x0] =	vst.idx.add.f32.msk $0xffff, v51;
	v63 =	vmul.f32 v26, v26  }
0x1a8: {  	(xrf2) =	vadd.scan.msk.f32 $0xffff, v48;
	[tilespmem:v45+s12+$0x0] =	vst.idx.add.f32.msk $0xffff, v43;
	v46 =	vmul.f32 v46, v55;
	v55 =	vmul.f32 v38, v38  }
0x1a9: {  	v60 =	vmul.f32 v40, v40;
	v43 =	vmul.f32 v12, v12;
	[tilespmem:v61+s12+$0x0] =	vst.idx.add.f32.msk $0xffff, v59  }
0x1aa: {  	v61 =	vmul.f32 v41, v41;
	v48 =	vadd.f32 v55, v63;
	v63 =	vmul.f32 v36, v36  }
0x1ab: {  	v43 =	vadd.f32 v58, v43  }
0x1ac: {  	v50 =	vadd.f32 v61, v60;
	v49 =	vadd.f32 v63, v62  }
0x1ad: {  	v37 =	vmul.f32 v52, v37;
	v57 =	vor.u32 v4, v56;
	v24 =	vmul.f32 v52, v24  }
0x1ae: {  	v25 =	vmul.f32 v52, v25;
	v43 =	vadd.f32 v43, v48;
	v60 =	vadd.f32 v49, v50  }
0x1af: {  	v22 =	vmul.f32 v52, v22;
	v29 =	vmul.f32 v52, v29;
	v58 =	vor.u32 v5, v56  }
0x1b0: {  	v59 =	vor.u32 v6, v56;
	v54 =	vmul.f32 v46, v54;
	v43 =	vadd.f32 v60, v43  }
0x1b1: {  	v20 =	vmul.f32 v52, v20;
	v13 =	vmul.f32 v52, v13;
	v47 =	vld.idx.msk [tilespmem:v47+s8+$0x0], $0xffff;
	v49 =	vor.u32 v7, v56  }
0x1b2: {  	[tilespmem:v57+s12+$0x0] =	vst.idx.add.f32.msk $0xffff, v37;
	v54 =	vmul.f32 v54, v46;
	v63 =	vor.u32 v8, v56;
	v61, _, _ =	vpop (xrf2);
	(xrf2) =	vadd.scan.msk.f32 $0xffff, v43  }
0x1b3: {  	v57 =	vor.u32 v10, v56;
	v50 =	vor.u32 v9, v56;
	v45 =	vperm.xlane v61, v1  }
0x1b4: {  	s30 =	sadd.s32 $0x6, s18;
	v48 =	vsel vm0, v53, v2;
	v62 =	vadd.f32 $1.500000000e+00, v54;
	[tilespmem:v58+s12+$0x0] =	vst.idx.add.f32.msk $0xffff, v24;
	v58 =	vor.u32 v11, v56  }
0x1b5: {  	[tilespmem:v59+s12+$0x0] =	vst.idx.add.f32.msk $0xffff, v25;
	v59 =	vmov s30;
	v54 =	vshra.s32 v45, $0x1;
	v43 =	vmul.f32 $-5.000000000e-01, v45  }
0x1b6: {  	v37 =	vmul.f32 v62, v46;
	v25 =	vshll.u32 v47, $0x8;
	[tilespmem:v49+s12+$0x0] =	vst.idx.add.f32.msk $0xffff, v22;
	v46 =	vsub.s32 $0x5F3759DF, v54  }
0x1b7: {  	v47 =	vand.u32 $0xFFFFFFFE, v59;
	v61 =	vor.u32 v3, v25;
	[tilespmem:v63+s12+$0x0] =	vst.idx.add.f32.msk $0xffff, v29;
	v60 =	vmul.f32 v46, v43  }
0x1b8: {  	v62 =	vbroadcast v47, $0x0;
	v29 =	vmin.f32 v37, $9.999999950e+11;
	[tilespmem:v50+s12+$0x0] =	vst.idx.add.f32.msk $0xffff, v20;
	v50 =	vor.u32 v4, v25  }
0x1b9: {  	v55 =	vor.u32 v6, v25;
	v44 =	vmul.f32 v29, v44;
	v63 =	vmul.f32 v46, v60  }
0x1ba: {  	v49 =	vmul.f32 v29, v30;
	v54 =	vor.u32 v5, v25;
	v23 =	vmul.f32 v29, v23  }
0x1bb: {  	v27 =	vmul.f32 v29, v27;
	v28 =	vmul.f32 v29, v28;
	[tilespmem:v57+s12+$0x0] =	vst.idx.add.f32.msk $0xffff, v13;
	v52 =	vadd.f32 $1.500000000e+00, v63  }
0x1bc: {  	v16 =	vmul.f32 v29, v16;
	v17 =	vmul.f32 v29, v17;
	[tilespmem:v61+s12+$0x0] =	vst.idx.add.f32.msk $0xffff, v49;
	v59, _, _ =	vpop (xrf2)  }
0x1bd: {  	[tilespmem:v50+s12+$0x0] =	vst.idx.add.f32.msk $0xffff, v23;
	v56 =	vmul.f32 v46, v52;
	v23 =	vperm.xlane v59, v1  }
0x1be: {  	v57 =	vor.u32 v7, v25;
	[tilespmem:v58+s12+$0x0] =	vst.idx.add.f32.msk $0xffff, v48;
	v58 =	vor.u32 v8, v25  }
0x1bf: {  	v37 =	vld.idx.msk [tilespmem:v62+s8+$0x0], $0xffff;
	v43 =	vmul.f32 v56, v43;
	v62 =	vshra.s32 v23, $0x1;
	v63 =	vmul.f32 $-5.000000000e-01, v23  }
0x1c0: {  	s31 =	sadd.s32 $0x7, s18;
	v14 =	vmul.f32 v29, v14;
	v61 =	vor.u32 v9, v25;
	[tilespmem:v54+s12+$0x0] =	vst.idx.add.f32.msk $0xffff, v27;
	v27 =	vsub.s32 $0x5F3759DF, v62  }
0x1c1: {  	v52 =	vmov s31;
	v60 =	vmul.f32 v43, v56;
	v47 =	vmul.f32 v27, v63  }
0x1c2: {  	v53 =	vmul.f32 v44, v29;
	[tilespmem:v55+s12+$0x0] =	vst.idx.add.f32.msk $0xffff, v28;
	v43 =	vor.u32 v10, v25  }
0x1c3: {  	v44 =	vor.u32 v11, v25;
	[tilespmem:v57+s12+$0x0] =	vst.idx.add.f32.msk $0xffff, v16;
	v24 =	vadd.f32 $1.500000000e+00, v60;
	v30 =	vmul.f32 v27, v47  }
0x1c4: {  	v15 =	vmul.f32 v29, v15;
	v50 =	vsel vm0, v53, v2;
	v46 =	vshll.u32 v37, $0x8;
	[tilespmem:v58+s12+$0x0] =	vst.idx.add.f32.msk $0xffff, v17  }
0x1c5: {  	v48 =	vor.u32 v3, v46;
	[tilespmem:v61+s12+$0x0] =	vst.idx.add.f32.msk $0xffff, v14;
	v22 =	vmul.f32 v24, v56;
	v55 =	vadd.f32 $1.500000000e+00, v30  }
0x1c6: {  	v49 =	vor.u32 v4, v46;
	v54 =	vor.u32 v5, v46;
	v58 =	vor.u32 v6, v46;
	v20 =	vld.idx.msk [tilespmem:v52+s8+$0x0], $0xffff  }
0x1c7: {  	v61 =	vor.u32 v8, v46;
	[tilespmem:v43+s12+$0x0] =	vst.idx.add.f32.msk $0xffff, v15;
	v51 =	vmin.f32 v22, $9.999999950e+11;
	v57 =	vmul.f32 v27, v55  }
0x1c8: {  	v60 =	vor.u32 v7, v46;
	[tilespmem:v44+s12+$0x0] =	vst.idx.add.f32.msk $0xffff, v50;
	v53 =	vmul.f32 v51, v35  }
0x1c9: {  	v44 =	vor.u32 v11, v46;
	v56 =	vmul.f32 v51, v34;
	v27 =	vmul.f32 v57, v63  }
0x1ca: {  	v59 =	vmul.f32 v51, v32;
	v62 =	vmul.f32 v51, v31;
	v32 =	vor.u32 v9, v46  }
0x1cb: {  	v34 =	vor.u32 v10, v46;
	[tilespmem:v48+s12+$0x0] =	vst.idx.add.f32.msk $0xffff, v53;
	v27 =	vmul.f32 v27, v57  }
0x1cc: {  	v20 =	vshll.u32 v20, $0x8;
	v35 =	vmul.f32 v51, v45;
	v43 =	vmul.f32 v51, v18;
	[tilespmem:v49+s12+$0x0] =	vst.idx.add.f32.msk $0xffff, v56  }
0x1cd: {  	v19 =	vmul.f32 v51, v19;
	v63 =	vmul.f32 v51, v33;
	[tilespmem:v54+s12+$0x0] =	vst.idx.add.f32.msk $0xffff, v59;
	v37 =	vadd.f32 $1.500000000e+00, v27  }
0x1ce: {  	v45 =	vor.u32 v3, v20;
	v33 =	vmul.f32 v51, v21;
	[tilespmem:v58+s12+$0x0] =	vst.idx.add.f32.msk $0xffff, v62  }
0x1cf: {  	v47 =	vor.u32 v4, v20;
	[tilespmem:v60+s12+$0x0] =	vst.idx.add.f32.msk $0xffff, v63;
	v15 =	vmul.f32 v37, v57  }
0x1d0: {  	v52 =	vor.u32 v7, v20;
	v46 =	vmul.f32 v35, v51;
	[tilespmem:v61+s12+$0x0] =	vst.idx.add.f32.msk $0xffff, v33  }
0x1d1: {  	v51 =	vor.u32 v6, v20;
	v49 =	vor.u32 v5, v20;
	[tilespmem:v32+s12+$0x0] =	vst.idx.add.f32.msk $0xffff, v43;
	v15 =	vmin.f32 v15, $9.999999950e+11  }
0x1d2: {  	v13 =	vsel vm0, v46, v2;
	[tilespmem:v34+s12+$0x0] =	vst.idx.add.f32.msk $0xffff, v19;
	v48 =	vmul.f32 v15, v26  }
0x1d3: {  	v53 =	vor.u32 v8, v20;
	[tilespmem:v44+s12+$0x0] =	vst.idx.add.f32.msk $0xffff, v13;
	v50 =	vmul.f32 v15, v38  }
0x1d4: {  	v56 =	vor.u32 v9, v20;
	v12 =	vmul.f32 v15, v12;
	[tilespmem:v45+s12+$0x0] =	vst.idx.add.f32.msk $0xffff, v48  }
0x1d5: {  	v58 =	vor.u32 v10, v20;
	v55 =	vmul.f32 v15, v39;
	[tilespmem:v47+s12+$0x0] =	vst.idx.add.f32.msk $0xffff, v50  }
0x1d6: {  	v60 =	vor.u32 v11, v20;
	v57 =	vmul.f32 v15, v40;
	[tilespmem:v49+s12+$0x0] =	vst.idx.add.f32.msk $0xffff, v12  }
0x1d7: {  	p0 =	slt.u32 s18, $0x38;
	v54 =	vmul.f32 v15, v23;
	v59 =	vmul.f32 v15, v41;
	[tilespmem:v51+s12+$0x0] =	vst.idx.add.f32.msk $0xffff, v55  }
.Ltmp0:
0x1d8: {  	v61 =	vmul.f32 v15, v42;
	[tilespmem:v52+s12+$0x0] =	vst.idx.add.f32.msk $0xffff, v57;
	(pc) =	sbr.rel @p0 .LBB2_2-.Ltmp0, $4  }
0x1d9: {  	v62 =	vmul.f32 v15, v36;
	v14 =	vmul.f32 v54, v15;
	[tilespmem:v53+s12+$0x0] =	vst.idx.add.f32.msk $0xffff, v59  }
0x1da: {  	[tilespmem:v56+s12+$0x0] =	vst.idx.add.f32.msk $0xffff, v61  }
0x1db: {  	v63 =	vsel vm0, v14, v2;
	[tilespmem:v58+s12+$0x0] =	vst.idx.add.f32.msk $0xffff, v62  }
0x1dc: {  	s18 =	sadd.s32 $0x8, s18;
	s17 =	sadd.s32 $0x400, s17;
	[tilespmem:v60+s12+$0x0] =	vst.idx.add.f32.msk $0xffff, v63  }
0x1dd: {  	_ =	swait.ge [sflag:s13], $0x2000  }
0x1de: {  	[sflag:s13] =	ssyncset.done $0x0  }
0x1df: {  	s17 =	simm.s32 $0x0;
	s18 =	simm.s32 $0x2200;
	[sflag:s13] =	ssyncadd.s32 $0xFFFFE000  }
.LBB2_4:
0x1e0: {  	v18 =	vld [tilespmem:s18+$0xFFFFFE00]  }
0x1e1: {  	v27 =	vld [tilespmem:s18+$0xFFFFFE10]  }
0x1e2: {  	v28 =	vld [tilespmem:s18+$0xFFFFFE20]  }
0x1e3: {  	v30 =	vld [tilespmem:s18+$0xFFFFFE30]  }
0x1e4: {  	v31 =	vld [tilespmem:s18+$0xFFFFFE40]  }
0x1e5: {  	v14 =	vld [tilespmem:s18+$0xFFFFFE50]  }
0x1e6: {  	v26 =	vld [tilespmem:s18+$0xFFFFFE60]  }
0x1e7: {  	v19 =	vld [tilespmem:s18+$0xFFFFFE70];
	_ =	sdelay $0x1  }
0x1e8: {  	v12 =	vmul.f32 v18, v18;
	v13 =	vmul.f32 v27, v27  }
0x1e9: {  	v15 =	vmul.f32 v28, v28;
	v16 =	vmul.f32 v30, v30  }
0x1ea: {  	v17 =	vmul.f32 v31, v31;
	v20 =	vmul.f32 v14, v14  }
0x1eb: {  	v21 =	vmul.f32 v26, v26;
	v22 =	vmul.f32 v19, v19  }
0x1ec: {  	v12 =	vadd.f32 v13, v12;
	v53 =	vadd.f32 v16, v15  }
0x1ed: {  	v35 =	vld [tilespmem:s18+$0xFFFFFE80];
	v54 =	vadd.f32 v20, v17;
	v55 =	vadd.f32 v22, v21  }
0x1ee: {  	v37 =	vld [tilespmem:s18+$0xFFFFFE90]  }
0x1ef: {  	v25 =	vld [tilespmem:s18+$0xFFFFFEA0];
	v12 =	vadd.f32 v53, v12;
	v56 =	vadd.f32 v55, v54  }
0x1f0: {  	v24 =	vld [tilespmem:s18+$0xFFFFFEB0]  }
0x1f1: {  	v17 =	vld [tilespmem:s18+$0xFFFFFEC0];
	v12 =	vadd.f32 v56, v12  }
0x1f2: {  	v15 =	vld [tilespmem:s18+$0xFFFFFED0]  }
0x1f3: {  	v13 =	vld [tilespmem:s18+$0xFFFFFEE0];
	(xrf2) =	vadd.scan.msk.f32 $0xffff, v12  }
0x1f4: {  	v12 =	vld [tilespmem:s18+$0xFFFFFEF0];
	_ =	sdelay $0x1  }
0x1f5: {  	v58 =	vmul.f32 v35, v35;
	v59 =	vmul.f32 v37, v37  }
0x1f6: {  	v60 =	vmul.f32 v25, v25;
	v61 =	vmul.f32 v24, v24  }
0x1f7: {  	v23 =	vmul.f32 v17, v17;
	v29 =	vmul.f32 v15, v15  }
0x1f8: {  	v33 =	vmul.f32 v13, v13;
	v34 =	vmul.f32 v12, v12  }
0x1f9: {  	v16 =	vadd.f32 v59, v58;
	v62 =	vadd.f32 v61, v60  }
0x1fa: {  	v38 =	vadd.f32 v29, v23;
	v39 =	vadd.f32 v34, v33;
	_ =	sdelay $0x1  }
0x1fb: {  	v43 =	vmov s17;
	v16 =	vadd.f32 v62, v16;
	v42 =	vadd.f32 v39, v38;
	v57, _, _ =	vpop (xrf2)  }
0x1fc: {  	v22 =	vadd.s32 $0x40, v43;
	v32 =	vperm.xlane v57, v1  }
0x1fd: {  	v45 =	vand.u32 $0xFFFFFFF8, v22;
	v16 =	vadd.f32 v42, v16  }
0x1fe: {  	v20 =	vbroadcast v45, $0x0;
	v36 =	vshra.s32 v32, $0x1;
	v63 =	vmul.f32 $-5.000000000e-01, v32  }
0x1ff: {  	(xrf2) =	vadd.scan.msk.f32 $0xffff, v16;
	v40 =	vsub.s32 $0x5F3759DF, v36  }
0x200: {  	v41 =	vmul.f32 v40, v63;
	_ =	sdelay $0x1  }
0x201: {  	v44 =	vmul.f32 v40, v41;
	_ =	sdelay $0x1  }
0x202: {  	v20 =	vld.idx.msk [tilespmem:v20+s8+$0x0], $0xffff;
	v46 =	vadd.f32 $1.500000000e+00, v44;
	_ =	sdelay $0x1  }
0x203: {  	v22 =	vld [tilespmem:s18+$0xFFFFFF20];
	v47 =	vmul.f32 v40, v46  }
0x204: {  	s19 =	sadd.s32 $0x1, s17;
	v33 =	vld [tilespmem:s18+$0xFFFFFF60]  }
0x205: {  	v54 =	vmov s19;
	v16 =	vld [tilespmem:s18+$0xFFFFFF10];
	v21 =	vmul.f32 v47, v63  }
0x206: {  	v23 =	vld [tilespmem:s18+$0xFFFFFF50];
	v29 =	vadd.s32 $0x40, v54;
	v39 =	vshll.u32 v20, $0x8;
	v50, _, _ =	vpop (xrf2)  }
0x207: {  	v46 =	vand.u32 $0xFFFFFFF9, v29;
	v29 =	vld [tilespmem:s18+$0xFFFFFF70];
	v40 =	vperm.xlane v50, v1;
	v21 =	vmul.f32 v21, v47  }
0x208: {  	v60 =	vmul.f32 v22, v22;
	v38 =	vld [tilespmem:s18+$0xFFFFFF30];
	v51 =	vor.u32 v3, v39;
	v55 =	vbroadcast v46, $0x0  }
0x209: {  	v20 =	vld [tilespmem:s18+$0xFFFFFF40];
	v53 =	vshra.s32 v40, $0x1;
	v42 =	vmul.f32 $-5.000000000e-01, v40;
	v48 =	vadd.f32 $1.500000000e+00, v21  }
0x20a: {  	v62 =	vmul.f32 v33, v33;
	v58 =	vmul.f32 v16, v16;
	v43 =	vsub.s32 $0x5F3759DF, v53  }
0x20b: {  	v52 =	vor.u32 v4, v39;
	v21 =	vld [tilespmem:s18+$0xFFFFFF00];
	v44 =	vmul.f32 v43, v42;
	v49 =	vmul.f32 v48, v47  }
0x20c: {  	v45 =	vor.u32 v5, v39;
	v50 =	vmul.f32 v23, v23;
	v63 =	vmul.f32 v29, v29  }
0x20d: {  	v47 =	vmul.f32 v38, v38;
	v56 =	vmul.f32 v43, v44;
	v41 =	vmin.f32 v49, $9.999999950e+11  }
0x20e: {  	v59 =	vor.u32 v6, v39;
	v36 =	vld [tilespmem:s18+$0xFFFFFF80];
	v49 =	vmul.f32 v20, v20;
	v18 =	vmul.f32 v41, v18  }
0x20f: {  	v34 =	vadd.f32 v63, v62;
	v54 =	vld.idx.msk [tilespmem:v55+s8+$0x0], $0xffff;
	v27 =	vmul.f32 v41, v27;
	v28 =	vmul.f32 v41, v28  }
0x210: {  	v57 =	vmul.f32 v21, v21;
	v61 =	vadd.f32 $1.500000000e+00, v56;
	v56 =	vmul.f32 v41, v32;
	v32 =	vld [tilespmem:s18+$0xFFFFFFA0]  }
0x211: {  	v30 =	vmul.f32 v41, v30;
	[tilespmem:v51+s12+$0x0] =	vst.idx.add.f32.msk $0xffff, v18;
	v51 =	vadd.f32 v47, v60  }
0x212: {  	[tilespmem:v52+s12+$0x0] =	vst.idx.add.f32.msk $0xffff, v27;
	v27 =	vadd.f32 v58, v57;
	v52 =	vadd.f32 v50, v49  }
0x213: {  	v48 =	vor.u32 v7, v39;
	[tilespmem:v45+s12+$0x0] =	vst.idx.add.f32.msk $0xffff, v28;
	v28 =	vmul.f32 v43, v61  }
0x214: {  	[tilespmem:v59+s12+$0x0] =	vst.idx.add.f32.msk $0xffff, v30;
	v27 =	vadd.f32 v51, v27;
	v53 =	vadd.f32 v34, v52  }
0x215: {  	v31 =	vmul.f32 v41, v31;
	v34 =	vld [tilespmem:s18+$0xFFFFFF90]  }
0x216: {  	v26 =	vmul.f32 v41, v26;
	v30 =	vld [tilespmem:s18+$0xFFFFFFC0];
	v55 =	vmul.f32 v28, v42;
	v27 =	vadd.f32 v53, v27  }
0x217: {  	v57 =	vmul.f32 v56, v41;
	v59 =	vmul.f32 v41, v14;
	v14 =	vld [tilespmem:s18+$0xFFFFFFE0]  }
0x218: {  	v58 =	vor.u32 v8, v39;
	v41 =	vmul.f32 v41, v19;
	v19 =	vld [tilespmem:s18+$0xFFFFFFF0];
	v18 =	vmul.f32 v55, v28;
	(xrf2) =	vadd.scan.msk.f32 $0xffff, v27  }
0x219: {  	[tilespmem:v48+s12+$0x0] =	vst.idx.add.f32.msk $0xffff, v31  }
0x21a: {  	v46 =	vor.u32 v10, v39;
	v60 =	vmul.f32 v36, v36;
	v31 =	vld [tilespmem:s18+$0xFFFFFFB0];
	v18 =	vadd.f32 $1.500000000e+00, v18  }
0x21b: {  	v45 =	vor.u32 v9, v39;
	v39 =	vor.u32 v11, v39;
	v42 =	vshll.u32 v54, $0x8  }
0x21c: {  	v62 =	vmul.f32 v32, v32;
	v52 =	vor.u32 v4, v42;
	v28 =	vmul.f32 v18, v28;
	v18 =	vld [tilespmem:s18+$0xFFFFFFD0]  }
0x21d: {  	[tilespmem:v58+s12+$0x0] =	vst.idx.add.f32.msk $0xffff, v59;
	v27 =	vsel vm0, v57, v2;
	v61 =	vmul.f32 v34, v34  }
0x21e: {  	v57 =	vor.u32 v3, v42;
	v54 =	vmul.f32 v14, v14;
	v55 =	vmul.f32 v19, v19  }
0x21f: {  	s25 =	sadd.s32 $0x2, s17;
	v58 =	vmul.f32 v30, v30;
	v63 =	vmul.f32 v31, v31;
	v47 =	vadd.f32 v61, v60  }
0x220: {  	[tilespmem:v45+s12+$0x0] =	vst.idx.add.f32.msk $0xffff, v26;
	v60 =	vadd.f32 v55, v54;
	v61 =	vor.u32 v5, v42;
	v54 =	vmov s25  }
0x221: {  	[tilespmem:v46+s12+$0x0] =	vst.idx.add.f32.msk $0xffff, v41;
	v43 =	vadd.f32 v63, v62;
	v28 =	vmin.f32 v28, $9.999999950e+11;
	v51 =	vmul.f32 v18, v18  }
0x222: {  	[tilespmem:v39+s12+$0x0] =	vst.idx.add.f32.msk $0xffff, v27;
	v62 =	vor.u32 v6, v42;
	v56 =	vadd.s32 $0x40, v54;
	v35 =	vmul.f32 v28, v35;
	v53, _, _ =	vpop (xrf2)  }
0x223: {  	v26 =	vld [tilespmem:s18+$0x30];
	v37 =	vmul.f32 v28, v37;
	v59 =	vadd.f32 v51, v58;
	v53 =	vperm.xlane v53, v1  }
0x224: {  	v25 =	vmul.f32 v28, v25;
	v43 =	vadd.f32 v43, v47;
	[tilespmem:v57+s12+$0x0] =	vst.idx.add.f32.msk $0xffff, v35;
	v35 =	vand.u32 $0xFFFFFFFA, v56  }
0x225: {  	v27 =	vld [tilespmem:s18+$0x40];
	v44 =	vadd.f32 v60, v59;
	v63 =	vshra.s32 v53, $0x1;
	v41 =	vmul.f32 $-5.000000000e-01, v53  }
0x226: {  	[tilespmem:v52+s12+$0x0] =	vst.idx.add.f32.msk $0xffff, v37;
	v35 =	vbroadcast v35, $0x0;
	v51 =	vor.u32 v7, v42;
	v55 =	vsub.s32 $0x5F3759DF, v63  }
0x227: {  	v24 =	vmul.f32 v28, v24;
	v37 =	vld [tilespmem:s18+$0x0];
	v43 =	vadd.f32 v44, v43;
	v57 =	vmul.f32 v55, v41  }
0x228: {  	v17 =	vmul.f32 v28, v17;
	[tilespmem:v61+s12+$0x0] =	vst.idx.add.f32.msk $0xffff, v25  }
0x229: {  	v58 =	vor.u32 v8, v42;
	[tilespmem:v62+s12+$0x0] =	vst.idx.add.f32.msk $0xffff, v24;
	(xrf2) =	vadd.scan.msk.f32 $0xffff, v43;
	v39 =	vmul.f32 v55, v57  }
0x22a: {  	v24 =	vld [tilespmem:s18+$0x50];
	v59 =	vor.u32 v9, v42  }
0x22b: {  	v60 =	vor.u32 v10, v42;
	[tilespmem:v51+s12+$0x0] =	vst.idx.add.f32.msk $0xffff, v17;
	v61 =	vadd.f32 $1.500000000e+00, v39  }
0x22c: {  	v40 =	vmul.f32 v28, v40;
	v15 =	vmul.f32 v28, v15;
	v62 =	vor.u32 v11, v42;
	v44 =	vld.idx.msk [tilespmem:v35+s8+$0x0], $0xffff  }
0x22d: {  	v13 =	vmul.f32 v28, v13;
	v35 =	vld [tilespmem:s18+$0x10];
	v63 =	vmul.f32 v55, v61  }
0x22e: {  	v12 =	vmul.f32 v28, v12;
	[tilespmem:v58+s12+$0x0] =	vst.idx.add.f32.msk $0xffff, v15;
	v43 =	vmul.f32 v40, v28  }
0x22f: {  	[tilespmem:v59+s12+$0x0] =	vst.idx.add.f32.msk $0xffff, v13;
	v45 =	vmul.f32 v63, v41  }
0x230: {  	v25 =	vsel vm0, v43, v2;
	[tilespmem:v60+s12+$0x0] =	vst.idx.add.f32.msk $0xffff, v12  }
0x231: {  	[tilespmem:v62+s12+$0x0] =	vst.idx.add.f32.msk $0xffff, v25;
	v46 =	vmul.f32 v45, v63  }
0x232: {  	v56 =	vmul.f32 v37, v37;
	v59 =	vmul.f32 v26, v26;
	v25 =	vld [tilespmem:s18+$0x20]  }
0x233: {  	v62 =	vmul.f32 v24, v24;
	v39 =	vshll.u32 v44, $0x8;
	v47, _, _ =	vpop (xrf2);
	v12 =	vadd.f32 $1.500000000e+00, v46  }
0x234: {  	v57 =	vmul.f32 v35, v35;
	v13 =	vor.u32 v3, v39;
	v40 =	vperm.xlane v47, v1  }
0x235: {  	v28 =	vld [tilespmem:s18+$0x60];
	v48 =	vor.u32 v4, v39;
	v49 =	vor.u32 v5, v39;
	v12 =	vmul.f32 v12, v63  }
0x236: {  	v15 =	vld [tilespmem:s18+$0x80];
	v61 =	vmul.f32 v27, v27;
	v17 =	vshra.s32 v40, $0x1;
	v41 =	vmul.f32 $-5.000000000e-01, v40  }
0x237: {  	v58 =	vmul.f32 v25, v25;
	v44 =	vsub.s32 $0x5F3759DF, v17;
	v17 =	vld [tilespmem:s18+$0xB0];
	v42 =	vmin.f32 v12, $9.999999950e+11  }
0x238: {  	v51 =	vor.u32 v6, v39;
	v52 =	vmul.f32 v44, v41;
	v12 =	vld [tilespmem:s18+$0x70];
	v50 =	vmul.f32 v42, v21  }
0x239: {  	v16 =	vmul.f32 v42, v16;
	v21 =	vadd.f32 v62, v61;
	v61 =	vmul.f32 v42, v20;
	v20 =	vld [tilespmem:s18+$0xE0]  }
0x23a: {  	s26 =	sadd.s32 $0x3, s17;
	v22 =	vmul.f32 v42, v22;
	v55 =	vmul.f32 v44, v52;
	[tilespmem:v13+s12+$0x0] =	vst.idx.add.f32.msk $0xffff, v50  }
0x23b: {  	v60 =	vmov s26;
	v47 =	vmul.f32 v15, v15;
	v54 =	vmul.f32 v42, v38;
	[tilespmem:v48+s12+$0x0] =	vst.idx.add.f32.msk $0xffff, v16  }
0x23c: {  	v38 =	vadd.f32 v57, v56;
	v63 =	vadd.f32 $1.500000000e+00, v55;
	v55 =	vadd.s32 $0x40, v60;
	[tilespmem:v49+s12+$0x0] =	vst.idx.add.f32.msk $0xffff, v22  }
0x23d: {  	v52 =	vmul.f32 v28, v28;
	v56 =	vand.u32 $0xFFFFFFFB, v55;
	[tilespmem:v51+s12+$0x0] =	vst.idx.add.f32.msk $0xffff, v54;
	v54 =	vmul.f32 v12, v12  }
0x23e: {  	v16 =	vld [tilespmem:s18+$0xA0];
	v22 =	vadd.f32 v59, v58;
	v59 =	vor.u32 v7, v39;
	v43 =	vbroadcast v56, $0x0  }
0x23f: {  	v13 =	vld [tilespmem:s18+$0x90];
	v44 =	vmul.f32 v44, v63;
	v63 =	vor.u32 v8, v39;
	v57 =	vadd.f32 v54, v52  }
0x240: {  	v62 =	vmul.f32 v42, v23;
	v23 =	vld [tilespmem:s18+$0xF0];
	v58 =	vmul.f32 v42, v53  }
0x241: {  	v33 =	vmul.f32 v42, v33;
	v38 =	vadd.f32 v22, v38;
	v22 =	vld [tilespmem:s18+$0xD0];
	v45 =	vadd.f32 v57, v21  }
0x242: {  	v50 =	vor.u32 v10, v39;
	v60 =	vmul.f32 v58, v42;
	v41 =	vmul.f32 v44, v41;
	v21 =	vld [tilespmem:s18+$0xC0]  }
0x243: {  	v58 =	vmul.f32 v16, v16;
	[tilespmem:v59+s12+$0x0] =	vst.idx.add.f32.msk $0xffff, v61;
	v38 =	vadd.f32 v45, v38  }
0x244: {  	v41 =	vmul.f32 v41, v44;
	v57 =	vmul.f32 v13, v13;
	[tilespmem:v63+s12+$0x0] =	vst.idx.add.f32.msk $0xffff, v62  }
0x245: {  	v59 =	vmul.f32 v17, v17;
	v43 =	vld.idx.msk [tilespmem:v43+s8+$0x0], $0xffff;
	(xrf2) =	vadd.scan.msk.f32 $0xffff, v38;
	v38 =	vor.u32 v9, v39  }
0x246: {  	v62 =	vmul.f32 v20, v20;
	v63 =	vmul.f32 v23, v23;
	v45 =	vsel vm0, v60, v2  }
0x247: {  	v61 =	vmul.f32 v22, v22;
	v41 =	vadd.f32 $1.500000000e+00, v41;
	v60 =	vmul.f32 v21, v21  }
0x248: {  	v48 =	vadd.f32 v57, v47;
	v55 =	vadd.f32 v59, v58;
	v39 =	vor.u32 v11, v39  }
0x249: {  	v29 =	vmul.f32 v42, v29;
	v57 =	vadd.f32 v63, v62;
	v56 =	vadd.f32 v61, v60  }
0x24a: {  	v58 =	vmul.f32 v41, v44;
	v42 =	vadd.f32 v55, v48;
	[tilespmem:v38+s12+$0x0] =	vst.idx.add.f32.msk $0xffff, v33;
	v38 =	vshll.u32 v43, $0x8  }
0x24b: {  	v33 =	vadd.f32 v57, v56;
	[tilespmem:v50+s12+$0x0] =	vst.idx.add.f32.msk $0xffff, v29;
	v59 =	vor.u32 v3, v38  }
0x24c: {  	v60 =	vor.u32 v4, v38;
	v29 =	vld [tilespmem:s18+$0x130]  }
0x24d: {  	[tilespmem:v39+s12+$0x0] =	vst.idx.add.f32.msk $0xffff, v45;
	v39 =	vmin.f32 v58, $9.999999950e+11;
	v33 =	vadd.f32 v33, v42  }
0x24e: {  	v61 =	vor.u32 v5, v38;
	v36 =	vmul.f32 v39, v36;
	v51 =	vmul.f32 v39, v30;
	v30 =	vld [tilespmem:s18+$0x120]  }
0x24f: {  	v62 =	vor.u32 v6, v38;
	v34 =	vmul.f32 v39, v34;
	v63, _, _ =	vpop (xrf2);
	(xrf2) =	vadd.scan.msk.f32 $0xffff, v33;
	v33 =	vld [tilespmem:s18+$0x110]  }
0x250: {  	s28 =	sadd.s32 $0x4, s17;
	v45 =	vperm.xlane v63, v1;
	[tilespmem:v59+s12+$0x0] =	vst.idx.add.f32.msk $0xffff, v36  }
0x251: {  	v55 =	vmov s28;
	v48 =	vor.u32 v7, v38;
	v32 =	vmul.f32 v39, v32;
	[tilespmem:v60+s12+$0x0] =	vst.idx.add.f32.msk $0xffff, v34  }
0x252: {  	v31 =	vmul.f32 v39, v31;
	v34 =	vld [tilespmem:s18+$0x100];
	v49 =	vshra.s32 v45, $0x1;
	v50 =	vmul.f32 $-5.000000000e-01, v45  }
0x253: {  	v56 =	vadd.s32 $0x40, v55;
	v58 =	vor.u32 v8, v38;
	[tilespmem:v61+s12+$0x0] =	vst.idx.add.f32.msk $0xffff, v32;
	v52 =	vsub.s32 $0x5F3759DF, v49  }
0x254: {  	v40 =	vmul.f32 v39, v40;
	[tilespmem:v62+s12+$0x0] =	vst.idx.add.f32.msk $0xffff, v31;
	v31 =	vand.u32 $0xFFFFFFFC, v56;
	v53 =	vmul.f32 v52, v50  }
0x255: {  	v19 =	vmul.f32 v39, v19;
	v32 =	vld [tilespmem:s18+$0x150];
	v60 =	vbroadcast v31, $0x0  }
0x256: {  	v61 =	vmul.f32 v39, v18;
	v18 =	vld [tilespmem:s18+$0x160];
	v54 =	vmul.f32 v52, v53  }
0x257: {  	v40 =	vmul.f32 v40, v39;
	v59 =	vor.u32 v9, v38;
	[tilespmem:v48+s12+$0x0] =	vst.idx.add.f32.msk $0xffff, v51  }
0x258: {  	v63 =	vor.u32 v10, v38;
	v56 =	vmul.f32 v30, v30;
	v31 =	vld [tilespmem:s18+$0x140];
	v57 =	vadd.f32 $1.500000000e+00, v54  }
0x259: {  	[tilespmem:v58+s12+$0x0] =	vst.idx.add.f32.msk $0xffff, v61;
	v53 =	vsel vm0, v40, v2;
	v40 =	vmul.f32 v34, v34  }
0x25a: {  	v62, _, _ =	vpop (xrf2);
	v41 =	vmul.f32 v52, v57;
	v52 =	vmul.f32 v39, v14;
	v14 =	vld [tilespmem:s18+$0x170]  }
0x25b: {  	v38 =	vor.u32 v11, v38;
	v54 =	vmul.f32 v33, v33;
	v48 =	vperm.xlane v62, v1;
	v44 =	vld.idx.msk [tilespmem:v60+s8+$0x0], $0xffff  }
0x25c: {  	v57 =	vmul.f32 v29, v29;
	v39 =	vld [tilespmem:s18+$0x1B0];
	v36 =	vmul.f32 v41, v50  }
0x25d: {  	v60 =	vmul.f32 v32, v32;
	v62 =	vmul.f32 v18, v18;
	[tilespmem:v59+s12+$0x0] =	vst.idx.add.f32.msk $0xffff, v52  }
0x25e: {  	v40 =	vadd.f32 v54, v40;
	v58 =	vshra.s32 v48, $0x1;
	[tilespmem:v63+s12+$0x0] =	vst.idx.add.f32.msk $0xffff, v19;
	v36 =	vmul.f32 v36, v41  }
0x25f: {  	s29 =	sadd.s32 $0x5, s17;
	v42 =	vmul.f32 $-5.000000000e-01, v48;
	v59 =	vmul.f32 v31, v31;
	v61 =	vsub.s32 $0x5F3759DF, v58;
	v19 =	vld [tilespmem:s18+$0x1A0]  }
0x260: {  	v58 =	vmov s29;
	[tilespmem:v38+s12+$0x0] =	vst.idx.add.f32.msk $0xffff, v53;
	v63 =	vmul.f32 v14, v14;
	v55 =	vadd.f32 $1.500000000e+00, v36  }
0x261: {  	v52 =	vmul.f32 v61, v42;
	v53 =	vadd.f32 v57, v56;
	v47 =	vadd.f32 v60, v59;
	v38 =	vld [tilespmem:s18+$0x190]  }
0x262: {  	v44 =	vshll.u32 v44, $0x8;
	v36 =	vld [tilespmem:s18+$0x180];
	v54 =	vadd.f32 v63, v62;
	v41 =	vmul.f32 v55, v41  }
0x263: {  	v56 =	vor.u32 v3, v44;
	v43 =	vadd.f32 v53, v40;
	v57 =	vor.u32 v4, v44;
	v40 =	vld [tilespmem:s18+$0x1C0]  }
0x264: {  	v55 =	vmul.f32 v61, v52;
	v47 =	vadd.f32 v54, v47;
	v52 =	vmin.f32 v41, $9.999999950e+11;
	v41 =	vld [tilespmem:s18+$0x1D0]  }
0x265: {  	v53 =	vadd.s32 $0x40, v58;
	v58 =	vmul.f32 v39, v39;
	v59 =	vmul.f32 v52, v37;
	v37 =	vld [tilespmem:s18+$0x1E0]  }
0x266: {  	v46 =	vadd.f32 $1.500000000e+00, v55;
	v43 =	vadd.f32 v47, v43;
	v60 =	vmul.f32 v52, v35;
	v35 =	vld [tilespmem:s18+$0x1F0]  }
0x267: {  	v62 =	vmul.f32 v38, v38;
	v45 =	vmul.f32 v52, v45  }
0x268: {  	v63 =	vor.u32 v5, v44;
	v25 =	vmul.f32 v52, v25;
	v46 =	vmul.f32 v61, v46;
	(xrf2) =	vadd.scan.msk.f32 $0xffff, v43  }
0x269: {  	v61 =	vmul.f32 v36, v36;
	[tilespmem:v56+s12+$0x0] =	vst.idx.add.f32.msk $0xffff, v59;
	v59 =	vmul.f32 v40, v40  }
0x26a: {  	v53 =	vand.u32 $0xFFFFFFFD, v53;
	[tilespmem:v57+s12+$0x0] =	vst.idx.add.f32.msk $0xffff, v60;
	v57 =	vmul.f32 v19, v19;
	v60 =	vmul.f32 v41, v41  }
0x26b: {  	v47 =	vadd.f32 v62, v61;
	v61 =	vmul.f32 v37, v37;
	v62 =	vmul.f32 v35, v35  }
0x26c: {  	v26 =	vmul.f32 v52, v26;
	v43 =	vbroadcast v53, $0x0;
	v51 =	vadd.f32 v58, v57  }
0x26d: {  	v42 =	vmul.f32 v46, v42;
	v49 =	vadd.f32 v60, v59;
	v53 =	vadd.f32 v62, v61  }
0x26e: {  	v27 =	vmul.f32 v52, v27;
	[tilespmem:v63+s12+$0x0] =	vst.idx.add.f32.msk $0xffff, v25;
	v63 =	vor.u32 v6, v44  }
0x26f: {  	v42 =	vmul.f32 v42, v46;
	v47 =	vadd.f32 v51, v47;
	v49 =	vadd.f32 v53, v49  }
0x270: {  	v50 =	vor.u32 v7, v44;
	v24 =	vmul.f32 v52, v24;
	v28 =	vmul.f32 v52, v28  }
0x271: {  	v12 =	vmul.f32 v52, v12;
	v42 =	vadd.f32 $1.500000000e+00, v42;
	v47 =	vadd.f32 v49, v47  }
0x272: {  	s30 =	sadd.s32 $0x6, s17;
	v45 =	vmul.f32 v45, v52;
	v57 =	vor.u32 v8, v44;
	v59 =	vor.u32 v9, v44;
	v43 =	vld.idx.msk [tilespmem:v43+s8+$0x0], $0xffff;
	v58, _, _ =	vpop (xrf2)  }
0x273: {  	v62 =	vmov s30;
	v42 =	vmul.f32 v42, v46;
	v46 =	vperm.xlane v58, v1;
	(xrf2) =	vadd.scan.msk.f32 $0xffff, v47  }
0x274: {  	v60 =	vor.u32 v10, v44;
	v44 =	vor.u32 v11, v44;
	[tilespmem:v63+s12+$0x0] =	vst.idx.add.f32.msk $0xffff, v26;
	v26 =	vadd.s32 $0x40, v62  }
0x275: {  	v26 =	vand.u32 $0xFFFFFFFE, v26;
	v61 =	vshra.s32 v46, $0x1;
	v47 =	vmul.f32 $-5.000000000e-01, v46  }
0x276: {  	v42 =	vmin.f32 v42, $9.999999950e+11;
	v26 =	vbroadcast v26, $0x0;
	v63 =	vsub.s32 $0x5F3759DF, v61  }
0x277: {  	[tilespmem:v50+s12+$0x0] =	vst.idx.add.f32.msk $0xffff, v27;
	v56 =	vmul.f32 v42, v48;
	v25 =	vshll.u32 v43, $0x8;
	v55 =	vmul.f32 v63, v47  }
0x278: {  	v16 =	vmul.f32 v42, v16;
	v17 =	vmul.f32 v42, v17;
	v54 =	vor.u32 v3, v25  }
0x279: {  	[tilespmem:v57+s12+$0x0] =	vst.idx.add.f32.msk $0xffff, v24;
	v21 =	vmul.f32 v42, v21;
	v57 =	vmul.f32 v63, v55  }
0x27a: {  	v45 =	vsel vm0, v45, v2;
	v22 =	vmul.f32 v42, v22;
	v20 =	vmul.f32 v42, v20  }
0x27b: {  	[tilespmem:v59+s12+$0x0] =	vst.idx.add.f32.msk $0xffff, v28;
	v58 =	vmul.f32 v42, v15;
	v61 =	vor.u32 v4, v25;
	v59 =	vadd.f32 $1.500000000e+00, v57  }
0x27c: {  	v23 =	vmul.f32 v42, v23;
	[tilespmem:v60+s12+$0x0] =	vst.idx.add.f32.msk $0xffff, v12;
	v62 =	vor.u32 v5, v25  }
0x27d: {  	[tilespmem:v54+s12+$0x0] =	vst.idx.add.f32.msk $0xffff, v58;
	v24 =	vmul.f32 v63, v59;
	v63 =	vor.u32 v6, v25;
	v54, _, _ =	vpop (xrf2)  }
0x27e: {  	v60 =	vmul.f32 v42, v13;
	[tilespmem:v44+s12+$0x0] =	vst.idx.add.f32.msk $0xffff, v45;
	v45 =	vperm.xlane v54, v1  }
0x27f: {  	v15 =	vmul.f32 v56, v42;
	v52 =	vor.u32 v7, v25;
	v56 =	vor.u32 v9, v25;
	v26 =	vld.idx.msk [tilespmem:v26+s8+$0x0], $0xffff  }
0x280: {  	s31 =	sadd.s32 $0x7, s17;
	[tilespmem:v61+s12+$0x0] =	vst.idx.add.f32.msk $0xffff, v60;
	v53 =	vmul.f32 v24, v47;
	v59 =	vshra.s32 v45, $0x1;
	v44 =	vmul.f32 $-5.000000000e-01, v45  }
0x281: {  	v55 =	vor.u32 v8, v25;
	[tilespmem:v62+s12+$0x0] =	vst.idx.add.f32.msk $0xffff, v16;
	v62 =	vmov s31;
	v13 =	vsub.s32 $0x5F3759DF, v59  }
0x282: {  	v49 =	vadd.s32 $0x40, v62;
	v57 =	vmul.f32 v53, v24;
	[tilespmem:v63+s12+$0x0] =	vst.idx.add.f32.msk $0xffff, v17;
	v63 =	vmul.f32 v13, v44  }
0x283: {  	v58 =	vor.u32 v10, v25;
	v60 =	vor.u32 v11, v25;
	v25 =	vbroadcast v49, $0x0  }
0x284: {  	v17 =	vshll.u32 v26, $0x8;
	v61 =	vadd.f32 $1.500000000e+00, v57;
	v51 =	vmul.f32 v13, v63  }
0x285: {  	v15 =	vsel vm0, v15, v2;
	[tilespmem:v52+s12+$0x0] =	vst.idx.add.f32.msk $0xffff, v21;
	v43 =	vor.u32 v3, v17  }
0x286: {  	v50 =	vor.u32 v4, v17;
	[tilespmem:v55+s12+$0x0] =	vst.idx.add.f32.msk $0xffff, v22;
	v42 =	vmul.f32 v61, v24;
	v55 =	vadd.f32 $1.500000000e+00, v51  }
0x287: {  	v54 =	vor.u32 v5, v17;
	[tilespmem:v56+s12+$0x0] =	vst.idx.add.f32.msk $0xffff, v20;
	v61 =	vor.u32 v8, v17  }
0x288: {  	[tilespmem:v58+s12+$0x0] =	vst.idx.add.f32.msk $0xffff, v23;
	v58 =	vor.u32 v6, v17;
	v52 =	vmin.f32 v42, $9.999999950e+11;
	v57 =	vmul.f32 v13, v55  }
0x289: {  	[tilespmem:v60+s12+$0x0] =	vst.idx.add.f32.msk $0xffff, v15;
	v53 =	vmul.f32 v52, v34;
	v56 =	vmul.f32 v52, v33  }
0x28a: {  	v62 =	vld.idx.msk [tilespmem:v25+s8+$0x0], $0xffff;
	v60 =	vor.u32 v7, v17;
	v59 =	vmul.f32 v52, v30;
	v63 =	vmul.f32 v57, v44  }
0x28b: {  	v28 =	vmul.f32 v52, v29;
	v29 =	vmul.f32 v52, v31;
	v30 =	vor.u32 v9, v17  }
0x28c: {  	v31 =	vmul.f32 v52, v32;
	[tilespmem:v43+s12+$0x0] =	vst.idx.add.f32.msk $0xffff, v53;
	v24 =	vmul.f32 v63, v57  }
0x28d: {  	v32 =	vor.u32 v10, v17;
	v33 =	vmul.f32 v52, v46;
	[tilespmem:v50+s12+$0x0] =	vst.idx.add.f32.msk $0xffff, v56  }
0x28e: {  	v42 =	vmul.f32 v52, v18;
	v17 =	vor.u32 v11, v17;
	[tilespmem:v54+s12+$0x0] =	vst.idx.add.f32.msk $0xffff, v59;
	v34 =	vadd.f32 $1.500000000e+00, v24  }
0x28f: {  	v14 =	vmul.f32 v52, v14;
	v43 =	vshll.u32 v62, $0x8;
	v46 =	vmul.f32 v33, v52;
	[tilespmem:v58+s12+$0x0] =	vst.idx.add.f32.msk $0xffff, v28  }
0x290: {  	v44 =	vor.u32 v3, v43;
	[tilespmem:v60+s12+$0x0] =	vst.idx.add.f32.msk $0xffff, v29;
	v12 =	vmul.f32 v34, v57  }
0x291: {  	v47 =	vor.u32 v4, v43;
	v49 =	vor.u32 v5, v43;
	[tilespmem:v61+s12+$0x0] =	vst.idx.add.f32.msk $0xffff, v31  }
0x292: {  	v51 =	vor.u32 v6, v43;
	v52 =	vor.u32 v7, v43;
	[tilespmem:v30+s12+$0x0] =	vst.idx.add.f32.msk $0xffff, v42;
	v12 =	vmin.f32 v12, $9.999999950e+11  }
0x293: {  	v13 =	vsel vm0, v46, v2;
	[tilespmem:v32+s12+$0x0] =	vst.idx.add.f32.msk $0xffff, v14;
	v48 =	vmul.f32 v12, v36  }
0x294: {  	v18 =	vor.u32 v11, v43;
	[tilespmem:v17+s12+$0x0] =	vst.idx.add.f32.msk $0xffff, v13;
	v50 =	vmul.f32 v12, v38  }
0x295: {  	v54 =	vor.u32 v8, v43;
	v53 =	vmul.f32 v12, v19;
	[tilespmem:v44+s12+$0x0] =	vst.idx.add.f32.msk $0xffff, v48  }
0x296: {  	v57 =	vor.u32 v9, v43;
	v56 =	vmul.f32 v12, v39;
	[tilespmem:v47+s12+$0x0] =	vst.idx.add.f32.msk $0xffff, v50  }
0x297: {  	v59 =	vor.u32 v10, v43;
	v58 =	vmul.f32 v12, v40;
	[tilespmem:v49+s12+$0x0] =	vst.idx.add.f32.msk $0xffff, v53  }
0x298: {  	p0 =	slt.u32 s17, $0x38;
	v55 =	vmul.f32 v12, v45;
	v60 =	vmul.f32 v12, v41;
	[tilespmem:v51+s12+$0x0] =	vst.idx.add.f32.msk $0xffff, v56  }
.Ltmp1:
0x299: {  	v61 =	vmul.f32 v12, v37;
	[tilespmem:v52+s12+$0x0] =	vst.idx.add.f32.msk $0xffff, v58;
	(pc) =	sbr.rel @p0 .LBB2_4-.Ltmp1, $4  }
0x29a: {  	v62 =	vmul.f32 v55, v12;
	v12 =	vmul.f32 v12, v35;
	[tilespmem:v54+s12+$0x0] =	vst.idx.add.f32.msk $0xffff, v60  }
0x29b: {  	[tilespmem:v57+s12+$0x0] =	vst.idx.add.f32.msk $0xffff, v61  }
0x29c: {  	v63 =	vsel vm0, v62, v2;
	[tilespmem:v59+s12+$0x0] =	vst.idx.add.f32.msk $0xffff, v12  }
0x29d: {  	s17 =	sadd.s32 $0x8, s17;
	s18 =	sadd.s32 $0x400, s18;
	[tilespmem:v18+s12+$0x0] =	vst.idx.add.f32.msk $0xffff, v63  }
0x29e: {  	s16 =	sadd.s32 $0x1, s16  }
0x29f: {  	p0 =	sne.s32 s16, s7  }
.Ltmp2:
0x2a0: {  	_ = 	snop;
	(pc) =	sbr.rel @p0 .LBB2_1-.Ltmp2, $4  }
0x2a1: {  	[hbm4b:s6+s14] =	stream.strided.scatter [tilespmem:s12], [sflag:$0x3], $0x1000, s15, s14, $0x38;
	[tilespmem:$0x5080] =	vst v63  }
0x2a2: {  	_ =	swait.ge [sflag:s9], $0x1000  }
0x2a3: {  	[sflag:s9] =	ssyncset.done $0x0  }
0x2a4: {  	[sflag:s9] =	ssyncadd.s32 $0xFFFFF000  }
0x2a5: {  	_ =	sfence.sel $0x180000  }
0x2a6: {  	[bflag:$0x0] =	sbarrier.arrive $0xFFFF  }
0x2a7: {  	p0 =	sne.s32 s1, $0x0;
	_ =	strace $0x90000047  }
0x2a8: {  	s0 =	sadd.s32 @!p0 $0x100000, s0;
	[bflag:$0x2] =	sbarrier.arrive $0xFFFF  }
0x2a9: {  	[sflag:s0] =	ssyncadd.tile.s32 @!p0 $0x1;
	_ =	shalt  }
.Lfunc_end2:
_tile_overlayer_lowered:
.L_overlay_start_2:
0x2aa: {  	(tag) =	ssettag $0x2  }
0x2ab: {  	s0 =	rddreg [dreg:$0x0];
	s2 =	stileid.u32  }
0x2ac: {  	s1 =	rddreg [dreg:$0x1];
	p0 =	sne.s32 s2, $0x0  }
0x2ad: {  	s3 =	rddreg [dreg:$0x2];
	[bflag:$0x3] =	sbarrier.arrive $0xFFFF;
	s2 =	simm.s32 @!p0 $0x1C03  }
0x2ae: {  	[timem:s3], [sflag:s2] =	dma.local @!p0 [hbm:s0], s1  }
0x2af: {  	s0 =	simm.s32 @!p0 $0x3  }
0x2b0: {  	_ =	swait.ge @!p0 [sflag:s0], s1  }
0x2b1: {  	s1 =	ssub.s32 @!p0 $0x0, s1;
	[sflag:s0] =	ssyncset.done @!p0 $0x0  }
0x2b2: {  	[sflag:s0] =	ssyncadd.s32 @!p0 s1  }
0x2b3: {  	[bflag:$0x3] =	sbarrier.arrive $0xFFFF  }
0x2b4: {  	_ =	shalt  }

</sc_bundles>
